<compile_context>
chip_gen: v7x
topology: tpu7x:2x2x1
jax: 0.10.2.dev20260603
libtpu: 0.0.44.dev20260713+nightly
codegen_flags: <defaults>
</compile_context>

<pallas_src>
import functools

import jax
import jax.numpy as jnp
from jax import lax
from jax.experimental import pallas as pl
from jax.experimental.pallas import tpu as pltpu
from jax.experimental.pallas import tpu_sc as plsc

_ROWS = 65536
_COLS = 512
_NC = 2
_NS = 16
_NW = _NC * _NS
_ROWS_PER_W = _ROWS // _NW
_BLK = 32
_GRP = _BLK // 16
_NBLK = _ROWS_PER_W // _BLK
_UNROLL = 8
_PCOLS = _COLS + 1


def _sc_body(x_hbm, m_hbm, out_hbm,
             x_v0, x_v1, m_v0, m_v1, o_v0, o_v1,
             sx0, sx1, sm0, sm1, so0, so1):
    wid = lax.axis_index("s") * _NC + lax.axis_index("c")
    base = wid * _ROWS_PER_W

    rows = [lax.iota(jnp.int32, 16) + (16 * g) for g in range(_GRP)]
    bufs = ((x_v0, m_v0, o_v0, sx0, sm0, so0),
            (x_v1, m_v1, o_v1, sx1, sm1, so1))

    def start_in(b, x_v, m_v, sx, sm):
        r0 = base + b * _BLK
        pltpu.async_copy(x_hbm.at[pl.ds(r0, _BLK)], x_v, sx)
        pltpu.async_copy(m_hbm.at[pl.ds(r0, _BLK)], m_v, sm)

    def wait_in(x_v, m_v, sx, sm):
        pltpu.make_async_copy(x_hbm.at[pl.ds(0, _BLK)], x_v, sx).wait()
        pltpu.make_async_copy(m_hbm.at[pl.ds(0, _BLK)], m_v, sm).wait()

    def compute(x_v, m_v, o_v):
        @plsc.parallel_loop(0, _BLK, unroll=4)
        def _row(r):
            carry = jnp.zeros((16,), jnp.float32)
            for j in range(_COLS // 16):
                xv = x_v[r, pl.ds(16 * j, 16)]
                mv = m_v[r, pl.ds(16 * j, 16)]
                v = xv * mv
                s = plsc.cumsum(v)
                o_v[r, pl.ds(16 * j, 16)] = s + carry
                carry = carry + jnp.sum(v)

    def start_out(b, o_v, so):
        r0 = base + b * _BLK
        pltpu.async_copy(o_v, out_hbm.at[pl.ds(r0, _BLK)], so)

    def wait_out(o_v, so):
        pltpu.make_async_copy(o_v, out_hbm.at[pl.ds(0, _BLK)], so).wait()

    start_in(0, x_v0, m_v0, sx0, sm0)

    def pair_body(i, carry_unused):
        for par in range(2):
            b = i * 2 + par
            x_v, m_v, o_v, sx, sm, so = bufs[par]
            nx_v, nm_v, _, nsx, nsm, _ = bufs[1 - par]
            nxt = b + 1

            @pl.when(nxt < _NBLK)
            def _():
                start_in(nxt, nx_v, nm_v, nsx, nsm)

            wait_in(x_v, m_v, sx, sm)

            @pl.when(i > 0)
            def _():
                wait_out(o_v, so)

            compute(x_v, m_v, o_v)
            start_out(b, o_v, so)
        return carry_unused

    lax.fori_loop(0, _NBLK // 2, pair_body, 0)
    wait_out(o_v0, so0)
    wait_out(o_v1, so1)


_sc_call = functools.partial(
    pl.kernel,
    out_type=jax.ShapeDtypeStruct((_ROWS, _COLS), jnp.float32),
    mesh=plsc.VectorSubcoreMesh(core_axis_name="c", subcore_axis_name="s"),
    scratch_types=[
        pltpu.VMEM((_BLK, _COLS), jnp.float32),
        pltpu.VMEM((_BLK, _COLS), jnp.float32),
        pltpu.VMEM((_BLK, _COLS), jnp.float32),
        pltpu.VMEM((_BLK, _COLS), jnp.float32),
        pltpu.VMEM((_BLK, _COLS), jnp.float32),
        pltpu.VMEM((_BLK, _COLS), jnp.float32),
        pltpu.SemaphoreType.DMA,
        pltpu.SemaphoreType.DMA,
        pltpu.SemaphoreType.DMA,
        pltpu.SemaphoreType.DMA,
        pltpu.SemaphoreType.DMA,
        pltpu.SemaphoreType.DMA,
    ],
    compiler_params=pltpu.CompilerParams(needs_layout_passes=False),
)(_sc_body)


@jax.jit
def kernel(x, mask):
    mf = mask.astype(jnp.float32)
    return _sc_call(x, mf)

# --- scband reference (transcript-rebuilt; emitter-appended) ---
"""Pipeline reference for scband-model-new-4810363372240 (READ-ONLY COPY).

The authoritative reference and input builder live on the scoring server;
editing this copy changes nothing except your own understanding.
"""

import jax, jax.numpy as jnp
import numpy as np


def setup_inputs(seed: int = 0) -> dict:
    key = jax.random.key(seed)
    kx, km = jax.random.split(key)
    x = jax.random.normal(kx, (65536, 512), dtype=jnp.float32)
    mask = jax.random.randint(km, (65536, 512), 0, 2).astype(jnp.bool_)
    return {"x": x, "mask": mask}


def reference(x, mask):
    # Masked cumulative sum along the last dim (dim=1): elements where mask is
    # False contribute 0 to the running sum. Faithful to the kernel's intent of
    # zeroing masked-out inputs before an inclusive prefix scan per batch row.
    masked_x = jnp.where(mask, x, jnp.zeros_like(x))
    out = jnp.cumsum(masked_x, axis=1)
    return out

if __name__ == "__main__":
    import jax
    _d = setup_inputs()
    print(jax.jit(kernel)(*tuple(_d.values())))

</pallas_src>

<mosaic_0001>
#map = affine_map<(d0, d1) -> (0, 0)>
module attributes {stable_mosaic.version = 14 : i64} {
  func.func @_sc_body(%arg0: i32, %arg1: i32, %arg2: memref<65536x512xf32, #tpu.memory_space<hbm>>, %arg3: memref<65536x512xf32, #tpu.memory_space<hbm>>, %arg4: memref<65536x512xf32, #tpu.memory_space<hbm>>, %arg5: memref<32x512xf32, #tpu.memory_space<vmem>>, %arg6: memref<32x512xf32, #tpu.memory_space<vmem>>, %arg7: memref<32x512xf32, #tpu.memory_space<vmem>>, %arg8: memref<32x512xf32, #tpu.memory_space<vmem>>, %arg9: memref<32x512xf32, #tpu.memory_space<vmem>>, %arg10: memref<32x512xf32, #tpu.memory_space<vmem>>, %arg11: memref<!tpu.dma_semaphore, #tpu.memory_space<semaphore_mem>>, %arg12: memref<!tpu.dma_semaphore, #tpu.memory_space<semaphore_mem>>, %arg13: memref<!tpu.dma_semaphore, #tpu.memory_space<semaphore_mem>>, %arg14: memref<!tpu.dma_semaphore, #tpu.memory_space<semaphore_mem>>, %arg15: memref<!tpu.dma_semaphore, #tpu.memory_space<semaphore_mem>>, %arg16: memref<!tpu.dma_semaphore, #tpu.memory_space<semaphore_mem>>) attributes {dimension_semantics = [#tpu.dimension_semantics<core_parallel>, #tpu.dimension_semantics<subcore_parallel>], iteration_bounds = array<i64: 2, 16>, scalar_prefetch = 0 : i64, scratch_operands = 12 : i64, tpu.core_type = #tpu.core_type<sc_vector_subcore>, window_params = [{transform_indices = #map}, {transform_indices = #map}, {transform_indices = #map}]} {
    %mul3A = arith.constant 2 : i32
    %mul3A_0 = arith.muli %arg1, %mul3A : i32
    %add3A = arith.addi %mul3A_0, %arg0 : i32
    %mul3A_1 = arith.constant 2048 : i32
    %mul3A_2 = arith.muli %add3A, %mul3A_1 : i32
    %iota3A = tpu.iota {dimensions = array<i32: 0>} : vector<16xi32>
    %add3A_3 = arith.constant 0 : i32
    %add3A_4 = vector.broadcast %add3A_3 : i32 to vector<16xi32>
    %add3A_5 = arith.addi %iota3A, %add3A_4 : vector<16xi32>
    %iota3A_6 = tpu.iota {dimensions = array<i32: 0>} : vector<16xi32>
    %add3A_7 = arith.constant 16 : i32
    %add3A_8 = vector.broadcast %add3A_7 : i32 to vector<16xi32>
    %add3A_9 = arith.addi %iota3A_6, %add3A_8 : vector<16xi32>
    %add3A_10 = arith.constant 0 : i32
    %add3A_11 = arith.addi %mul3A_2, %add3A_10 : i32
    %dma_start3A = arith.constant 0 : i32
    %dma_start3A_12 = tpu.memref_slice %arg2[%add3A_11, %dma_start3A] : memref<65536x512xf32, #tpu.memory_space<hbm>> -> memref<32x512xf32, #tpu.memory_space<hbm>>
    %dma_start3A_13 = arith.constant 0 : i32
    %dma_start3A_14 = tpu.memref_slice %arg2[%add3A_11, %dma_start3A_13] : memref<65536x512xf32, #tpu.memory_space<hbm>> -> memref<32x512xf32, #tpu.memory_space<hbm>>
    tpu.enqueue_dma source(%dma_start3A_14 : memref<32x512xf32, #tpu.memory_space<hbm>>) target(%arg5 : memref<32x512xf32, #tpu.memory_space<vmem>>) target_semaphore(%arg11 : memref<!tpu.dma_semaphore, #tpu.memory_space<semaphore_mem>>)
    %dma_start3A_15 = arith.constant 0 : i32
    %dma_start3A_16 = tpu.memref_slice %arg3[%add3A_11, %dma_start3A_15] : memref<65536x512xf32, #tpu.memory_space<hbm>> -> memref<32x512xf32, #tpu.memory_space<hbm>>
    %dma_start3A_17 = arith.constant 0 : i32
    %dma_start3A_18 = tpu.memref_slice %arg3[%add3A_11, %dma_start3A_17] : memref<65536x512xf32, #tpu.memory_space<hbm>> -> memref<32x512xf32, #tpu.memory_space<hbm>>
    tpu.enqueue_dma source(%dma_start3A_18 : memref<32x512xf32, #tpu.memory_space<hbm>>) target(%arg7 : memref<32x512xf32, #tpu.memory_space<vmem>>) target_semaphore(%arg13 : memref<!tpu.dma_semaphore, #tpu.memory_space<semaphore_mem>>)
    %scan3A = arith.constant 0 : i32
    %scan3A_19 = arith.constant 0 : i32
    %scan3A_20 = arith.constant 32 : i32
    %scan3A_21 = arith.addi %scan3A_19, %scan3A_20 : i32
    %scan3A_22 = arith.constant 1 : i32
    scf.for %scan3A_35 = %scan3A_19 to %scan3A_21 step %scan3A_22  : i32 {
      %mul3A_36 = arith.constant 2 : i32
      %mul3A_37 = arith.muli %scan3A_35, %mul3A_36 : i32
      %add3A_38 = arith.constant 0 : i32
      %add3A_39 = arith.addi %mul3A_37, %add3A_38 : i32
      %add3A_40 = arith.constant 1 : i32
      %add3A_41 = arith.addi %add3A_39, %add3A_40 : i32
      %lt3A = arith.constant 64 : i32
      %lt3A_42 = arith.cmpi slt, %add3A_41, %lt3A : i32
      %convert_element_type3A = arith.extui %lt3A_42 : i1 to i32
      %cond3A = arith.constant 0 : i32
      %cond3A_43 = arith.cmpi ne, %convert_element_type3A, %cond3A : i32
      scf.if %cond3A_43 {
        %mul3A_107 = arith.constant 32 : i32
        %mul3A_108 = arith.muli %add3A_41, %mul3A_107 : i32
        %add3A_109 = arith.addi %mul3A_2, %mul3A_108 : i32
        %dma_start3A_110 = arith.constant 0 : i32
        %dma_start3A_111 = tpu.memref_slice %arg2[%add3A_109, %dma_start3A_110] : memref<65536x512xf32, #tpu.memory_space<hbm>> -> memref<32x512xf32, #tpu.memory_space<hbm>>
        %dma_start3A_112 = arith.constant 0 : i32
        %dma_start3A_113 = tpu.memref_slice %arg2[%add3A_109, %dma_start3A_112] : memref<65536x512xf32, #tpu.memory_space<hbm>> -> memref<32x512xf32, #tpu.memory_space<hbm>>
        tpu.enqueue_dma source(%dma_start3A_113 : memref<32x512xf32, #tpu.memory_space<hbm>>) target(%arg6 : memref<32x512xf32, #tpu.memory_space<vmem>>) target_semaphore(%arg12 : memref<!tpu.dma_semaphore, #tpu.memory_space<semaphore_mem>>)
        %dma_start3A_114 = arith.constant 0 : i32
        %dma_start3A_115 = tpu.memref_slice %arg3[%add3A_109, %dma_start3A_114] : memref<65536x512xf32, #tpu.memory_space<hbm>> -> memref<32x512xf32, #tpu.memory_space<hbm>>
        %dma_start3A_116 = arith.constant 0 : i32
        %dma_start3A_117 = tpu.memref_slice %arg3[%add3A_109, %dma_start3A_116] : memref<65536x512xf32, #tpu.memory_space<hbm>> -> memref<32x512xf32, #tpu.memory_space<hbm>>
        tpu.enqueue_dma source(%dma_start3A_117 : memref<32x512xf32, #tpu.memory_space<hbm>>) target(%arg8 : memref<32x512xf32, #tpu.memory_space<vmem>>) target_semaphore(%arg14 : memref<!tpu.dma_semaphore, #tpu.memory_space<semaphore_mem>>)
      } else {
      }
      %dma_wait3A_44 = arith.constant 0 : i32
      %dma_wait3A_45 = arith.constant 0 : i32
      %dma_wait3A_46 = tpu.memref_slice %arg2[%dma_wait3A_44, %dma_wait3A_45] : memref<65536x512xf32, #tpu.memory_space<hbm>> -> memref<32x512xf32, #tpu.memory_space<hbm>>
      %dma_wait3A_47 = arith.constant 0 : i32
      %dma_wait3A_48 = arith.constant 0 : i32
      %dma_wait3A_49 = tpu.memref_slice %arg2[%dma_wait3A_47, %dma_wait3A_48] : memref<65536x512xf32, #tpu.memory_space<hbm>> -> memref<32x512xf32, #tpu.memory_space<hbm>>
      tpu.wait_dma2 semaphore(%arg11 : memref<!tpu.dma_semaphore, #tpu.memory_space<semaphore_mem>>) src(%dma_wait3A_49 : memref<32x512xf32, #tpu.memory_space<hbm>>) dst(%arg5 : memref<32x512xf32, #tpu.memory_space<vmem>>)
      %dma_wait3A_50 = arith.constant 0 : i32
      %dma_wait3A_51 = arith.constant 0 : i32
      %dma_wait3A_52 = tpu.memref_slice %arg3[%dma_wait3A_50, %dma_wait3A_51] : memref<65536x512xf32, #tpu.memory_space<hbm>> -> memref<32x512xf32, #tpu.memory_space<hbm>>
      %dma_wait3A_53 = arith.constant 0 : i32
      %dma_wait3A_54 = arith.constant 0 : i32
      %dma_wait3A_55 = tpu.memref_slice %arg3[%dma_wait3A_53, %dma_wait3A_54] : memref<65536x512xf32, #tpu.memory_space<hbm>> -> memref<32x512xf32, #tpu.memory_space<hbm>>
      tpu.wait_dma2 semaphore(%arg13 : memref<!tpu.dma_semaphore, #tpu.memory_space<semaphore_mem>>) src(%dma_wait3A_55 : memref<32x512xf32, #tpu.memory_space<hbm>>) dst(%arg7 : memref<32x512xf32, #tpu.memory_space<vmem>>)
      %gt3A = arith.constant 0 : i32
      %gt3A_56 = arith.cmpi sgt, %scan3A_35, %gt3A : i32
      %convert_element_type3A_57 = arith.extui %gt3A_56 : i1 to i32
      %cond3A_58 = arith.constant 0 : i32
      %cond3A_59 = arith.cmpi ne, %convert_element_type3A_57, %cond3A_58 : i32
      scf.if %cond3A_59 {
        %dma_wait3A_107 = arith.constant 0 : i32
        %dma_wait3A_108 = arith.constant 0 : i32
        %dma_wait3A_109 = tpu.memref_slice %arg4[%dma_wait3A_107, %dma_wait3A_108] : memref<65536x512xf32, #tpu.memory_space<hbm>> -> memref<32x512xf32, #tpu.memory_space<hbm>>
        %dma_wait3A_110 = arith.constant 0 : i32
        %dma_wait3A_111 = arith.constant 0 : i32
        %dma_wait3A_112 = tpu.memref_slice %arg4[%dma_wait3A_110, %dma_wait3A_111] : memref<65536x512xf32, #tpu.memory_space<hbm>> -> memref<32x512xf32, #tpu.memory_space<hbm>>
        tpu.wait_dma2 semaphore(%arg15 : memref<!tpu.dma_semaphore, #tpu.memory_space<semaphore_mem>>) src(%arg9 : memref<32x512xf32, #tpu.memory_space<vmem>>) dst(%dma_wait3A_112 : memref<32x512xf32, #tpu.memory_space<hbm>>)
      } else {
      }
      %parallel_loop3A = arith.constant 0 : i32
      %parallel_loop3A_60 = arith.constant 32 : i32
      %parallel_loop3A_61 = arith.constant 1 : i32
      scf.for %parallel_loop3A_107 = %parallel_loop3A to %parallel_loop3A_60 step %parallel_loop3A_61  : i32 {
        %parallel_loop3A_108 = arith.constant 0.000000e+00 : f32
        %parallel_loop3A_109 = vector.broadcast %parallel_loop3A_108 : f32 to vector<16xf32>
        %parallel_loop3A_110 = arith.index_cast %parallel_loop3A_107 : i32 to index
        %parallel_loop3A_111 = arith.constant 0 : index
        %parallel_loop3A_112 = tpu.vector_load %arg5[%parallel_loop3A_110, %parallel_loop3A_111] {strides = array<i32>} : memref<32x512xf32, #tpu.memory_space<vmem>>, vector<16xf32>,
        %parallel_loop3A_113 = arith.index_cast %parallel_loop3A_107 : i32 to index
        %parallel_loop3A_114 = arith.constant 0 : index
        %parallel_loop3A_115 = tpu.vector_load %arg7[%parallel_loop3A_113, %parallel_loop3A_114] {strides = array<i32>} : memref<32x512xf32, #tpu.memory_space<vmem>>, vector<16xf32>,
        %parallel_loop3A_116 = arith.mulf %parallel_loop3A_112, %parallel_loop3A_115 : vector<16xf32>
        %parallel_loop3A_117 = arith.constant true
        %parallel_loop3A_118 = vector.broadcast %parallel_loop3A_117 : i1 to vector<16xi1>
        %parallel_loop3A_119 = tpu.scan <sum>, %parallel_loop3A_116 masked %parallel_loop3A_118 : vector<16xf32>, vector<16xi1> -> vector<16xf32>
        %parallel_loop3A_120 = arith.addf %parallel_loop3A_119, %parallel_loop3A_109 : vector<16xf32>
        %parallel_loop3A_121 = arith.index_cast %parallel_loop3A_107 : i32 to index
        %parallel_loop3A_122 = arith.constant 0 : index
        %parallel_loop3A_123 = tpu.vector_load %arg9[%parallel_loop3A_121, %parallel_loop3A_122] {strides = array<i32>} : memref<32x512xf32, #tpu.memory_space<vmem>>, vector<16xf32>,
        tpu.vector_store %arg9[%parallel_loop3A_121, %parallel_loop3A_122], %parallel_loop3A_120 {strides = array<i32>} : memref<32x512xf32, #tpu.memory_space<vmem>>, vector<16xf32>,
        %parallel_loop3A_124 = arith.constant true
        %parallel_loop3A_125 = vector.broadcast %parallel_loop3A_124 : i1 to vector<16xi1>
        %parallel_loop3A_126 = tpu.scan <sum>, %parallel_loop3A_116 masked %parallel_loop3A_125 : vector<16xf32>, vector<16xi1> -> vector<16xf32>
        %parallel_loop3A_127 = vector.extract %parallel_loop3A_126[15] : f32 from vector<16xf32>
        %parallel_loop3A_128 = vector.broadcast %parallel_loop3A_127 : f32 to vector<16xf32>
        %parallel_loop3A_129 = arith.addf %parallel_loop3A_109, %parallel_loop3A_128 : vector<16xf32>
        %parallel_loop3A_130 = arith.index_cast %parallel_loop3A_107 : i32 to index
        %parallel_loop3A_131 = arith.constant 16 : index
        %parallel_loop3A_132 = tpu.vector_load %arg5[%parallel_loop3A_130, %parallel_loop3A_131] {strides = array<i32>} : memref<32x512xf32, #tpu.memory_space<vmem>>, vector<16xf32>,
        %parallel_loop3A_133 = arith.index_cast %parallel_loop3A_107 : i32 to index
        %parallel_loop3A_134 = arith.constant 16 : index
        %parallel_loop3A_135 = tpu.vector_load %arg7[%parallel_loop3A_133, %parallel_loop3A_134] {strides = array<i32>} : memref<32x512xf32, #tpu.memory_space<vmem>>, vector<16xf32>,
        %parallel_loop3A_136 = arith.mulf %parallel_loop3A_132, %parallel_loop3A_135 : vector<16xf32>
        %parallel_loop3A_137 = arith.constant true
        %parallel_loop3A_138 = vector.broadcast %parallel_loop3A_137 : i1 to vector<16xi1>
        %parallel_loop3A_139 = tpu.scan <sum>, %parallel_loop3A_136 masked %parallel_loop3A_138 : vector<16xf32>, vector<16xi1> -> vector<16xf32>
        %parallel_loop3A_140 = arith.addf %parallel_loop3A_139, %parallel_loop3A_129 : vector<16xf32>
        %parallel_loop3A_141 = arith.index_cast %parallel_loop3A_107 : i32 to index
        %parallel_loop3A_142 = arith.constant 16 : index
        %parallel_loop3A_143 = tpu.vector_load %arg9[%parallel_loop3A_141, %parallel_loop3A_142] {strides = array<i32>} : memref<32x512xf32, #tpu.memory_space<vmem>>, vector<16xf32>,
        tpu.vector_store %arg9[%parallel_loop3A_141, %parallel_loop3A_142], %parallel_loop3A_140 {strides = array<i32>} : memref<32x512xf32, #tpu.memory_space<vmem>>, vector<16xf32>,
        %parallel_loop3A_144 = arith.constant true
        %parallel_loop3A_145 = vector.broadcast %parallel_loop3A_144 : i1 to vector<16xi1>
        %parallel_loop3A_146 = tpu.scan <sum>, %parallel_loop3A_136 masked %parallel_loop3A_145 : vector<16xf32>, vector<16xi1> -> vector<16xf32>
        %parallel_loop3A_147 = vector.extract %parallel_loop3A_146[15] : f32 from vector<16xf32>
        %parallel_loop3A_148 = vector.broadcast %parallel_loop3A_147 : f32 to vector<16xf32>
        %parallel_loop3A_149 = arith.addf %parallel_loop3A_129, %parallel_loop3A_148 : vector<16xf32>
        %parallel_loop3A_150 = arith.index_cast %parallel_loop3A_107 : i32 to index
        %parallel_loop3A_151 = arith.constant 32 : index
        %parallel_loop3A_152 = tpu.vector_load %arg5[%parallel_loop3A_150, %parallel_loop3A_151] {strides = array<i32>} : memref<32x512xf32, #tpu.memory_space<vmem>>, vector<16xf32>,
        %parallel_loop3A_153 = arith.index_cast %parallel_loop3A_107 : i32 to index
        %parallel_loop3A_154 = arith.constant 32 : index
        %parallel_loop3A_155 = tpu.vector_load %arg7[%parallel_loop3A_153, %parallel_loop3A_154] {strides = array<i32>} : memref<32x512xf32, #tpu.memory_space<vmem>>, vector<16xf32>,
        %parallel_loop3A_156 = arith.mulf %parallel_loop3A_152, %parallel_loop3A_155 : vector<16xf32>
        %parallel_loop3A_157 = arith.constant true
        %parallel_loop3A_158 = vector.broadcast %parallel_loop3A_157 : i1 to vector<16xi1>
        %parallel_loop3A_159 = tpu.scan <sum>, %parallel_loop3A_156 masked %parallel_loop3A_158 : vector<16xf32>, vector<16xi1> -> vector<16xf32>
        %parallel_loop3A_160 = arith.addf %parallel_loop3A_159, %parallel_loop3A_149 : vector<16xf32>
        %parallel_loop3A_161 = arith.index_cast %parallel_loop3A_107 : i32 to index
        %parallel_loop3A_162 = arith.constant 32 : index
        %parallel_loop3A_163 = tpu.vector_load %arg9[%parallel_loop3A_161, %parallel_loop3A_162] {strides = array<i32>} : memref<32x512xf32, #tpu.memory_space<vmem>>, vector<16xf32>,
        tpu.vector_store %arg9[%parallel_loop3A_161, %parallel_loop3A_162], %parallel_loop3A_160 {strides = array<i32>} : memref<32x512xf32, #tpu.memory_space<vmem>>, vector<16xf32>,
        %parallel_loop3A_164 = arith.constant true
        %parallel_loop3A_165 = vector.broadcast %parallel_loop3A_164 : i1 to vector<16xi1>
        %parallel_loop3A_166 = tpu.scan <sum>, %parallel_loop3A_156 masked %parallel_loop3A_165 : vector<16xf32>, vector<16xi1> -> vector<16xf32>
        %parallel_loop3A_167 = vector.extract %parallel_loop3A_166[15] : f32 from vector<16xf32>
        %parallel_loop3A_168 = vector.broadcast %parallel_loop3A_167 : f32 to vector<16xf32>
        %parallel_loop3A_169 = arith.addf %parallel_loop3A_149, %parallel_loop3A_168 : vector<16xf32>
        %parallel_loop3A_170 = arith.index_cast %parallel_loop3A_107 : i32 to index
        %parallel_loop3A_171 = arith.constant 48 : index
        %parallel_loop3A_172 = tpu.vector_load %arg5[%parallel_loop3A_170, %parallel_loop3A_171] {strides = array<i32>} : memref<32x512xf32, #tpu.memory_space<vmem>>, vector<16xf32>,
        %parallel_loop3A_173 = arith.index_cast %parallel_loop3A_107 : i32 to index
        %parallel_loop3A_174 = arith.constant 48 : index
        %parallel_loop3A_175 = tpu.vector_load %arg7[%parallel_loop3A_173, %parallel_loop3A_174] {strides = array<i32>} : memref<32x512xf32, #tpu.memory_space<vmem>>, vector<16xf32>,
        %parallel_loop3A_176 = arith.mulf %parallel_loop3A_172, %parallel_loop3A_175 : vector<16xf32>
        %parallel_loop3A_177 = arith.constant true
        %parallel_loop3A_178 = vector.broadcast %parallel_loop3A_177 : i1 to vector<16xi1>
        %parallel_loop3A_179 = tpu.scan <sum>, %parallel_loop3A_176 masked %parallel_loop3A_178 : vector<16xf32>, vector<16xi1> -> vector<16xf32>
        %parallel_loop3A_180 = arith.addf %parallel_loop3A_179, %parallel_loop3A_169 : vector<16xf32>
        %parallel_loop3A_181 = arith.index_cast %parallel_loop3A_107 : i32 to index
        %parallel_loop3A_182 = arith.constant 48 : index
        %parallel_loop3A_183 = tpu.vector_load %arg9[%parallel_loop3A_181, %parallel_loop3A_182] {strides = array<i32>} : memref<32x512xf32, #tpu.memory_space<vmem>>, vector<16xf32>,
        tpu.vector_store %arg9[%parallel_loop3A_181, %parallel_loop3A_182], %parallel_loop3A_180 {strides = array<i32>} : memref<32x512xf32, #tpu.memory_space<vmem>>, vector<16xf32>,
        %parallel_loop3A_184 = arith.constant true
        %parallel_loop3A_185 = vector.broadcast %parallel_loop3A_184 : i1 to vector<16xi1>
        %parallel_loop3A_186 = tpu.scan <sum>, %parallel_loop3A_176 masked %parallel_loop3A_185 : vector<16xf32>, vector<16xi1> -> vector<16xf32>
        %parallel_loop3A_187 = vector.extract %parallel_loop3A_186[15] : f32 from vector<16xf32>
        %parallel_loop3A_188 = vector.broadcast %parallel_loop3A_187 : f32 to vector<16xf32>
        %parallel_loop3A_189 = arith.addf %parallel_loop3A_169, %parallel_loop3A_188 : vector<16xf32>
        %parallel_loop3A_190 = arith.index_cast %parallel_loop3A_107 : i32 to index
        %parallel_loop3A_191 = arith.constant 64 : index
        %parallel_loop3A_192 = tpu.vector_load %arg5[%parallel_loop3A_190, %parallel_loop3A_191] {strides = array<i32>} : memref<32x512xf32, #tpu.memory_space<vmem>>, vector<16xf32>,
        %parallel_loop3A_193 = arith.index_cast %parallel_loop3A_107 : i32 to index
        %parallel_loop3A_194 = arith.constant 64 : index
        %parallel_loop3A_195 = tpu.vector_load %arg7[%parallel_loop3A_193, %parallel_loop3A_194] {strides = array<i32>} : memref<32x512xf32, #tpu.memory_space<vmem>>, vector<16xf32>,
        %parallel_loop3A_196 = arith.mulf %parallel_loop3A_192, %parallel_loop3A_195 : vector<16xf32>
        %parallel_loop3A_197 = arith.constant true
        %parallel_loop3A_198 = vector.broadcast %parallel_loop3A_197 : i1 to vector<16xi1>
        %parallel_loop3A_199 = tpu.scan <sum>, %parallel_loop3A_196 masked %parallel_loop3A_198 : vector<16xf32>, vector<16xi1> -> vector<16xf32>
        %parallel_loop3A_200 = arith.addf %parallel_loop3A_199, %parallel_loop3A_189 : vector<16xf32>
        %parallel_loop3A_201 = arith.index_cast %parallel_loop3A_107 : i32 to index
        %parallel_loop3A_202 = arith.constant 64 : index
        %parallel_loop3A_203 = tpu.vector_load %arg9[%parallel_loop3A_201, %parallel_loop3A_202] {strides = array<i32>} : memref<32x512xf32, #tpu.memory_space<vmem>>, vector<16xf32>,
        tpu.vector_store %arg9[%parallel_loop3A_201, %parallel_loop3A_202], %parallel_loop3A_200 {strides = array<i32>} : memref<32x512xf32, #tpu.memory_space<vmem>>, vector<16xf32>,
        %parallel_loop3A_204 = arith.constant true
        %parallel_loop3A_205 = vector.broadcast %parallel_loop3A_204 : i1 to vector<16xi1>
        %parallel_loop3A_206 = tpu.scan <sum>, %parallel_loop3A_196 masked %parallel_loop3A_205 : vector<16xf32>, vector<16xi1> -> vector<16xf32>
        %parallel_loop3A_207 = vector.extract %parallel_loop3A_206[15] : f32 from vector<16xf32>
        %parallel_loop3A_208 = vector.broadcast %parallel_loop3A_207 : f32 to vector<16xf32>
        %parallel_loop3A_209 = arith.addf %parallel_loop3A_189, %parallel_loop3A_208 : vector<16xf32>
        %parallel_loop3A_210 = arith.index_cast %parallel_loop3A_107 : i32 to index
        %parallel_loop3A_211 = arith.constant 80 : index
        %parallel_loop3A_212 = tpu.vector_load %arg5[%parallel_loop3A_210, %parallel_loop3A_211] {strides = array<i32>} : memref<32x512xf32, #tpu.memory_space<vmem>>, vector<16xf32>,
        %parallel_loop3A_213 = arith.index_cast %parallel_loop3A_107 : i32 to index
        %parallel_loop3A_214 = arith.constant 80 : index
        %parallel_loop3A_215 = tpu.vector_load %arg7[%parallel_loop3A_213, %parallel_loop3A_214] {strides = array<i32>} : memref<32x512xf32, #tpu.memory_space<vmem>>, vector<16xf32>,
        %parallel_loop3A_216 = arith.mulf %parallel_loop3A_212, %parallel_loop3A_215 : vector<16xf32>
        %parallel_loop3A_217 = arith.constant true
        %parallel_loop3A_218 = vector.broadcast %parallel_loop3A_217 : i1 to vector<16xi1>
        %parallel_loop3A_219 = tpu.scan <sum>, %parallel_loop3A_216 masked %parallel_loop3A_218 : vector<16xf32>, vector<16xi1> -> vector<16xf32>
        %parallel_loop3A_220 = arith.addf %parallel_loop3A_219, %parallel_loop3A_209 : vector<16xf32>
        %parallel_loop3A_221 = arith.index_cast %parallel_loop3A_107 : i32 to index
        %parallel_loop3A_222 = arith.constant 80 : index
        %parallel_loop3A_223 = tpu.vector_load %arg9[%parallel_loop3A_221, %parallel_loop3A_222] {strides = array<i32>} : memref<32x512xf32, #tpu.memory_space<vmem>>, vector<16xf32>,
        tpu.vector_store %arg9[%parallel_loop3A_221, %parallel_loop3A_222], %parallel_loop3A_220 {strides = array<i32>} : memref<32x512xf32, #tpu.memory_space<vmem>>, vector<16xf32>,
        %parallel_loop3A_224 = arith.constant true
        %parallel_loop3A_225 = vector.broadcast %parallel_loop3A_224 : i1 to vector<16xi1>
        %parallel_loop3A_226 = tpu.scan <sum>, %parallel_loop3A_216 masked %parallel_loop3A_225 : vector<16xf32>, vector<16xi1> -> vector<16xf32>
        %parallel_loop3A_227 = vector.extract %parallel_loop3A_226[15] : f32 from vector<16xf32>
        %parallel_loop3A_228 = vector.broadcast %parallel_loop3A_227 : f32 to vector<16xf32>
        %parallel_loop3A_229 = arith.addf %parallel_loop3A_209, %parallel_loop3A_228 : vector<16xf32>
        %parallel_loop3A_230 = arith.index_cast %parallel_loop3A_107 : i32 to index
        %parallel_loop3A_231 = arith.constant 96 : index
        %parallel_loop3A_232 = tpu.vector_load %arg5[%parallel_loop3A_230, %parallel_loop3A_231] {strides = array<i32>} : memref<32x512xf32, #tpu.memory_space<vmem>>, vector<16xf32>,
        %parallel_loop3A_233 = arith.index_cast %parallel_loop3A_107 : i32 to index
        %parallel_loop3A_234 = arith.constant 96 : index
        %parallel_loop3A_235 = tpu.vector_load %arg7[%parallel_loop3A_233, %parallel_loop3A_234] {strides = array<i32>} : memref<32x512xf32, #tpu.memory_space<vmem>>, vector<16xf32>,
        %parallel_loop3A_236 = arith.mulf %parallel_loop3A_232, %parallel_loop3A_235 : vector<16xf32>
        %parallel_loop3A_237 = arith.constant true
        %parallel_loop3A_238 = vector.broadcast %parallel_loop3A_237 : i1 to vector<16xi1>
        %parallel_loop3A_239 = tpu.scan <sum>, %parallel_loop3A_236 masked %parallel_loop3A_238 : vector<16xf32>, vector<16xi1> -> vector<16xf32>
        %parallel_loop3A_240 = arith.addf %parallel_loop3A_239, %parallel_loop3A_229 : vector<16xf32>
        %parallel_loop3A_241 = arith.index_cast %parallel_loop3A_107 : i32 to index
        %parallel_loop3A_242 = arith.constant 96 : index
        %parallel_loop3A_243 = tpu.vector_load %arg9[%parallel_loop3A_241, %parallel_loop3A_242] {strides = array<i32>} : memref<32x512xf32, #tpu.memory_space<vmem>>, vector<16xf32>,
        tpu.vector_store %arg9[%parallel_loop3A_241, %parallel_loop3A_242], %parallel_loop3A_240 {strides = array<i32>} : memref<32x512xf32, #tpu.memory_space<vmem>>, vector<16xf32>,
        %parallel_loop3A_244 = arith.constant true
        %parallel_loop3A_245 = vector.broadcast %parallel_loop3A_244 : i1 to vector<16xi1>
        %parallel_loop3A_246 = tpu.scan <sum>, %parallel_loop3A_236 masked %parallel_loop3A_245 : vector<16xf32>, vector<16xi1> -> vector<16xf32>
        %parallel_loop3A_247 = vector.extract %parallel_loop3A_246[15] : f32 from vector<16xf32>
        %parallel_loop3A_248 = vector.broadcast %parallel_loop3A_247 : f32 to vector<16xf32>
        %parallel_loop3A_249 = arith.addf %parallel_loop3A_229, %parallel_loop3A_248 : vector<16xf32>
        %parallel_loop3A_250 = arith.index_cast %parallel_loop3A_107 : i32 to index
        %parallel_loop3A_251 = arith.constant 112 : index
        %parallel_loop3A_252 = tpu.vector_load %arg5[%parallel_loop3A_250, %parallel_loop3A_251] {strides = array<i32>} : memref<32x512xf32, #tpu.memory_space<vmem>>, vector<16xf32>,
        %parallel_loop3A_253 = arith.index_cast %parallel_loop3A_107 : i32 to index
        %parallel_loop3A_254 = arith.constant 112 : index
        %parallel_loop3A_255 = tpu.vector_load %arg7[%parallel_loop3A_253, %parallel_loop3A_254] {strides = array<i32>} : memref<32x512xf32, #tpu.memory_space<vmem>>, vector<16xf32>,
        %parallel_loop3A_256 = arith.mulf %parallel_loop3A_252, %parallel_loop3A_255 : vector<16xf32>
        %parallel_loop3A_257 = arith.constant true
        %parallel_loop3A_258 = vector.broadcast %parallel_loop3A_257 : i1 to vector<16xi1>
        %parallel_loop3A_259 = tpu.scan <sum>, %parallel_loop3A_256 masked %parallel_loop3A_258 : vector<16xf32>, vector<16xi1> -> vector<16xf32>
        %parallel_loop3A_260 = arith.addf %parallel_loop3A_259, %parallel_loop3A_249 : vector<16xf32>
        %parallel_loop3A_261 = arith.index_cast %parallel_loop3A_107 : i32 to index
        %parallel_loop3A_262 = arith.constant 112 : index
        %parallel_loop3A_263 = tpu.vector_load %arg9[%parallel_loop3A_261, %parallel_loop3A_262] {strides = array<i32>} : memref<32x512xf32, #tpu.memory_space<vmem>>, vector<16xf32>,
        tpu.vector_store %arg9[%parallel_loop3A_261, %parallel_loop3A_262], %parallel_loop3A_260 {strides = array<i32>} : memref<32x512xf32, #tpu.memory_space<vmem>>, vector<16xf32>,
        %parallel_loop3A_264 = arith.constant true
        %parallel_loop3A_265 = vector.broadcast %parallel_loop3A_264 : i1 to vector<16xi1>
        %parallel_loop3A_266 = tpu.scan <sum>, %parallel_loop3A_256 masked %parallel_loop3A_265 : vector<16xf32>, vector<16xi1> -> vector<16xf32>
        %parallel_loop3A_267 = vector.extract %parallel_loop3A_266[15] : f32 from vector<16xf32>
        %parallel_loop3A_268 = vector.broadcast %parallel_loop3A_267 : f32 to vector<16xf32>
        %parallel_loop3A_269 = arith.addf %parallel_loop3A_249, %parallel_loop3A_268 : vector<16xf32>
        %parallel_loop3A_270 = arith.index_cast %parallel_loop3A_107 : i32 to index
        %parallel_loop3A_271 = arith.constant 128 : index
        %parallel_loop3A_272 = tpu.vector_load %arg5[%parallel_loop3A_270, %parallel_loop3A_271] {strides = array<i32>} : memref<32x512xf32, #tpu.memory_space<vmem>>, vector<16xf32>,
        %parallel_loop3A_273 = arith.index_cast %parallel_loop3A_107 : i32 to index
        %parallel_loop3A_274 = arith.constant 128 : index
        %parallel_loop3A_275 = tpu.vector_load %arg7[%parallel_loop3A_273, %parallel_loop3A_274] {strides = array<i32>} : memref<32x512xf32, #tpu.memory_space<vmem>>, vector<16xf32>,
        %parallel_loop3A_276 = arith.mulf %parallel_loop3A_272, %parallel_loop3A_275 : vector<16xf32>
        %parallel_loop3A_277 = arith.constant true
        %parallel_loop3A_278 = vector.broadcast %parallel_loop3A_277 : i1 to vector<16xi1>
        %parallel_loop3A_279 = tpu.scan <sum>, %parallel_loop3A_276 masked %parallel_loop3A_278 : vector<16xf32>, vector<16xi1> -> vector<16xf32>
        %parallel_loop3A_280 = arith.addf %parallel_loop3A_279, %parallel_loop3A_269 : vector<16xf32>
        %parallel_loop3A_281 = arith.index_cast %parallel_loop3A_107 : i32 to index
        %parallel_loop3A_282 = arith.constant 128 : index
        %parallel_loop3A_283 = tpu.vector_load %arg9[%parallel_loop3A_281, %parallel_loop3A_282] {strides = array<i32>} : memref<32x512xf32, #tpu.memory_space<vmem>>, vector<16xf32>,
        tpu.vector_store %arg9[%parallel_loop3A_281, %parallel_loop3A_282], %parallel_loop3A_280 {strides = array<i32>} : memref<32x512xf32, #tpu.memory_space<vmem>>, vector<16xf32>,
        %parallel_loop3A_284 = arith.constant true
        %parallel_loop3A_285 = vector.broadcast %parallel_loop3A_284 : i1 to vector<16xi1>
        %parallel_loop3A_286 = tpu.scan <sum>, %parallel_loop3A_276 masked %parallel_loop3A_285 : vector<16xf32>, vector<16xi1> -> vector<16xf32>
        %parallel_loop3A_287 = vector.extract %parallel_loop3A_286[15] : f32 from vector<16xf32>
        %parallel_loop3A_288 = vector.broadcast %parallel_loop3A_287 : f32 to vector<16xf32>
        %parallel_loop3A_289 = arith.addf %parallel_loop3A_269, %parallel_loop3A_288 : vector<16xf32>
        %parallel_loop3A_290 = arith.index_cast %parallel_loop3A_107 : i32 to index
        %parallel_loop3A_291 = arith.constant 144 : index
        %parallel_loop3A_292 = tpu.vector_load %arg5[%parallel_loop3A_290, %parallel_loop3A_291] {strides = array<i32>} : memref<32x512xf32, #tpu.memory_space<vmem>>, vector<16xf32>,
        %parallel_loop3A_293 = arith.index_cast %parallel_loop3A_107 : i32 to index
        %parallel_loop3A_294 = arith.constant 144 : index
        %parallel_loop3A_295 = tpu.vector_load %arg7[%parallel_loop3A_293, %parallel_loop3A_294] {strides = array<i32>} : memref<32x512xf32, #tpu.memory_space<vmem>>, vector<16xf32>,
        %parallel_loop3A_296 = arith.mulf %parallel_loop3A_292, %parallel_loop3A_295 : vector<16xf32>
        %parallel_loop3A_297 = arith.constant true
        %parallel_loop3A_298 = vector.broadcast %parallel_loop3A_297 : i1 to vector<16xi1>
        %parallel_loop3A_299 = tpu.scan <sum>, %parallel_loop3A_296 masked %parallel_loop3A_298 : vector<16xf32>, vector<16xi1> -> vector<16xf32>
        %parallel_loop3A_300 = arith.addf %parallel_loop3A_299, %parallel_loop3A_289 : vector<16xf32>
        %parallel_loop3A_301 = arith.index_cast %parallel_loop3A_107 : i32 to index
        %parallel_loop3A_302 = arith.constant 144 : index
        %parallel_loop3A_303 = tpu.vector_load %arg9[%parallel_loop3A_301, %parallel_loop3A_302] {strides = array<i32>} : memref<32x512xf32, #tpu.memory_space<vmem>>, vector<16xf32>,
        tpu.vector_store %arg9[%parallel_loop3A_301, %parallel_loop3A_302], %parallel_loop3A_300 {strides = array<i32>} : memref<32x512xf32, #tpu.memory_space<vmem>>, vector<16xf32>,
        %parallel_loop3A_304 = arith.constant true
        %parallel_loop3A_305 = vector.broadcast %parallel_loop3A_304 : i1 to vector<16xi1>
        %parallel_loop3A_306 = tpu.scan <sum>, %parallel_loop3A_296 masked %parallel_loop3A_305 : vector<16xf32>, vector<16xi1> -> vector<16xf32>
        %parallel_loop3A_307 = vector.extract %parallel_loop3A_306[15] : f32 from vector<16xf32>
        %parallel_loop3A_308 = vector.broadcast %parallel_loop3A_307 : f32 to vector<16xf32>
        %parallel_loop3A_309 = arith.addf %parallel_loop3A_289, %parallel_loop3A_308 : vector<16xf32>
        %parallel_loop3A_310 = arith.index_cast %parallel_loop3A_107 : i32 to index
        %parallel_loop3A_311 = arith.constant 160 : index
        %parallel_loop3A_312 = tpu.vector_load %arg5[%parallel_loop3A_310, %parallel_loop3A_311] {strides = array<i32>} : memref<32x512xf32, #tpu.memory_space<vmem>>, vector<16xf32>,
        %parallel_loop3A_313 = arith.index_cast %parallel_loop3A_107 : i32 to index
        %parallel_loop3A_314 = arith.constant 160 : index
        %parallel_loop3A_315 = tpu.vector_load %arg7[%parallel_loop3A_313, %parallel_loop3A_314] {strides = array<i32>} : memref<32x512xf32, #tpu.memory_space<vmem>>, vector<16xf32>,
        %parallel_loop3A_316 = arith.mulf %parallel_loop3A_312, %parallel_loop3A_315 : vector<16xf32>
        %parallel_loop3A_317 = arith.constant true
        %parallel_loop3A_318 = vector.broadcast %parallel_loop3A_317 : i1 to vector<16xi1>
        %parallel_loop3A_319 = tpu.scan <sum>, %parallel_loop3A_316 masked %parallel_loop3A_318 : vector<16xf32>, vector<16xi1> -> vector<16xf32>
        %parallel_loop3A_320 = arith.addf %parallel_loop3A_319, %parallel_loop3A_309 : vector<16xf32>
        %parallel_loop3A_321 = arith.index_cast %parallel_loop3A_107 : i32 to index
        %parallel_loop3A_322 = arith.constant 160 : index
        %parallel_loop3A_323 = tpu.vector_load %arg9[%parallel_loop3A_321, %parallel_loop3A_322] {strides = array<i32>} : memref<32x512xf32, #tpu.memory_space<vmem>>, vector<16xf32>,
        tpu.vector_store %arg9[%parallel_loop3A_321, %parallel_loop3A_322], %parallel_loop3A_320 {strides = array<i32>} : memref<32x512xf32, #tpu.memory_space<vmem>>, vector<16xf32>,
        %parallel_loop3A_324 = arith.constant true
        %parallel_loop3A_325 = vector.broadcast %parallel_loop3A_324 : i1 to vector<16xi1>
        %parallel_loop3A_326 = tpu.scan <sum>, %parallel_loop3A_316 masked %parallel_loop3A_325 : vector<16xf32>, vector<16xi1> -> vector<16xf32>
        %parallel_loop3A_327 = vector.extract %parallel_loop3A_326[15] : f32 from vector<16xf32>
        %parallel_loop3A_328 = vector.broadcast %parallel_loop3A_327 : f32 to vector<16xf32>
        %parallel_loop3A_329 = arith.addf %parallel_loop3A_309, %parallel_loop3A_328 : vector<16xf32>
        %parallel_loop3A_330 = arith.index_cast %parallel_loop3A_107 : i32 to index
        %parallel_loop3A_331 = arith.constant 176 : index
        %parallel_loop3A_332 = tpu.vector_load %arg5[%parallel_loop3A_330, %parallel_loop3A_331] {strides = array<i32>} : memref<32x512xf32, #tpu.memory_space<vmem>>, vector<16xf32>,
        %parallel_loop3A_333 = arith.index_cast %parallel_loop3A_107 : i32 to index
        %parallel_loop3A_334 = arith.constant 176 : index
        %parallel_loop3A_335 = tpu.vector_load %arg7[%parallel_loop3A_333, %parallel_loop3A_334] {strides = array<i32>} : memref<32x512xf32, #tpu.memory_space<vmem>>, vector<16xf32>,
        %parallel_loop3A_336 = arith.mulf %parallel_loop3A_332, %parallel_loop3A_335 : vector<16xf32>
        %parallel_loop3A_337 = arith.constant true
        %parallel_loop3A_338 = vector.broadcast %parallel_loop3A_337 : i1 to vector<16xi1>
        %parallel_loop3A_339 = tpu.scan <sum>, %parallel_loop3A_336 masked %parallel_loop3A_338 : vector<16xf32>, vector<16xi1> -> vector<16xf32>
        %parallel_loop3A_340 = arith.addf %parallel_loop3A_339, %parallel_loop3A_329 : vector<16xf32>
        %parallel_loop3A_341 = arith.index_cast %parallel_loop3A_107 : i32 to index
        %parallel_loop3A_342 = arith.constant 176 : index
        %parallel_loop3A_343 = tpu.vector_load %arg9[%parallel_loop3A_341, %parallel_loop3A_342] {strides = array<i32>} : memref<32x512xf32, #tpu.memory_space<vmem>>, vector<16xf32>,
        tpu.vector_store %arg9[%parallel_loop3A_341, %parallel_loop3A_342], %parallel_loop3A_340 {strides = array<i32>} : memref<32x512xf32, #tpu.memory_space<vmem>>, vector<16xf32>,
        %parallel_loop3A_344 = arith.constant true
        %parallel_loop3A_345 = vector.broadcast %parallel_loop3A_344 : i1 to vector<16xi1>
        %parallel_loop3A_346 = tpu.scan <sum>, %parallel_loop3A_336 masked %parallel_loop3A_345 : vector<16xf32>, vector<16xi1> -> vector<16xf32>
        %parallel_loop3A_347 = vector.extract %parallel_loop3A_346[15] : f32 from vector<16xf32>
        %parallel_loop3A_348 = vector.broadcast %parallel_loop3A_347 : f32 to vector<16xf32>
        %parallel_loop3A_349 = arith.addf %parallel_loop3A_329, %parallel_loop3A_348 : vector<16xf32>
        %parallel_loop3A_350 = arith.index_cast %parallel_loop3A_107 : i32 to index
        %parallel_loop3A_351 = arith.constant 192 : index
        %parallel_loop3A_352 = tpu.vector_load %arg5[%parallel_loop3A_350, %parallel_loop3A_351] {strides = array<i32>} : memref<32x512xf32, #tpu.memory_space<vmem>>, vector<16xf32>,
        %parallel_loop3A_353 = arith.index_cast %parallel_loop3A_107 : i32 to index
        %parallel_loop3A_354 = arith.constant 192 : index
        %parallel_loop3A_355 = tpu.vector_load %arg7[%parallel_loop3A_353, %parallel_loop3A_354] {strides = array<i32>} : memref<32x512xf32, #tpu.memory_space<vmem>>, vector<16xf32>,
        %parallel_loop3A_356 = arith.mulf %parallel_loop3A_352, %parallel_loop3A_355 : vector<16xf32>
        %parallel_loop3A_357 = arith.constant true
        %parallel_loop3A_358 = vector.broadcast %parallel_loop3A_357 : i1 to vector<16xi1>
        %parallel_loop3A_359 = tpu.scan <sum>, %parallel_loop3A_356 masked %parallel_loop3A_358 : vector<16xf32>, vector<16xi1> -> vector<16xf32>
        %parallel_loop3A_360 = arith.addf %parallel_loop3A_359, %parallel_loop3A_349 : vector<16xf32>
        %parallel_loop3A_361 = arith.index_cast %parallel_loop3A_107 : i32 to index
        %parallel_loop3A_362 = arith.constant 192 : index
        %parallel_loop3A_363 = tpu.vector_load %arg9[%parallel_loop3A_361, %parallel_loop3A_362] {strides = array<i32>} : memref<32x512xf32, #tpu.memory_space<vmem>>, vector<16xf32>,
        tpu.vector_store %arg9[%parallel_loop3A_361, %parallel_loop3A_362], %parallel_loop3A_360 {strides = array<i32>} : memref<32x512xf32, #tpu.memory_space<vmem>>, vector<16xf32>,
        %parallel_loop3A_364 = arith.constant true
        %parallel_loop3A_365 = vector.broadcast %parallel_loop3A_364 : i1 to vector<16xi1>
        %parallel_loop3A_366 = tpu.scan <sum>, %parallel_loop3A_356 masked %parallel_loop3A_365 : vector<16xf32>, vector<16xi1> -> vector<16xf32>
        %parallel_loop3A_367 = vector.extract %parallel_loop3A_366[15] : f32 from vector<16xf32>
        %parallel_loop3A_368 = vector.broadcast %parallel_loop3A_367 : f32 to vector<16xf32>
        %parallel_loop3A_369 = arith.addf %parallel_loop3A_349, %parallel_loop3A_368 : vector<16xf32>
        %parallel_loop3A_370 = arith.index_cast %parallel_loop3A_107 : i32 to index
        %parallel_loop3A_371 = arith.constant 208 : index
        %parallel_loop3A_372 = tpu.vector_load %arg5[%parallel_loop3A_370, %parallel_loop3A_371] {strides = array<i32>} : memref<32x512xf32, #tpu.memory_space<vmem>>, vector<16xf32>,
        %parallel_loop3A_373 = arith.index_cast %parallel_loop3A_107 : i32 to index
        %parallel_loop3A_374 = arith.constant 208 : index
        %parallel_loop3A_375 = tpu.vector_load %arg7[%parallel_loop3A_373, %parallel_loop3A_374] {strides = array<i32>} : memref<32x512xf32, #tpu.memory_space<vmem>>, vector<16xf32>,
        %parallel_loop3A_376 = arith.mulf %parallel_loop3A_372, %parallel_loop3A_375 : vector<16xf32>
        %parallel_loop3A_377 = arith.constant true
        %parallel_loop3A_378 = vector.broadcast %parallel_loop3A_377 : i1 to vector<16xi1>
        %parallel_loop3A_379 = tpu.scan <sum>, %parallel_loop3A_376 masked %parallel_loop3A_378 : vector<16xf32>, vector<16xi1> -> vector<16xf32>
        %parallel_loop3A_380 = arith.addf %parallel_loop3A_379, %parallel_loop3A_369 : vector<16xf32>
        %parallel_loop3A_381 = arith.index_cast %parallel_loop3A_107 : i32 to index
        %parallel_loop3A_382 = arith.constant 208 : index
        %parallel_loop3A_383 = tpu.vector_load %arg9[%parallel_loop3A_381, %parallel_loop3A_382] {strides = array<i32>} : memref<32x512xf32, #tpu.memory_space<vmem>>, vector<16xf32>,
        tpu.vector_store %arg9[%parallel_loop3A_381, %parallel_loop3A_382], %parallel_loop3A_380 {strides = array<i32>} : memref<32x512xf32, #tpu.memory_space<vmem>>, vector<16xf32>,
        %parallel_loop3A_384 = arith.constant true
        %parallel_loop3A_385 = vector.broadcast %parallel_loop3A_384 : i1 to vector<16xi1>
        %parallel_loop3A_386 = tpu.scan <sum>, %parallel_loop3A_376 masked %parallel_loop3A_385 : vector<16xf32>, vector<16xi1> -> vector<16xf32>
        %parallel_loop3A_387 = vector.extract %parallel_loop3A_386[15] : f32 from vector<16xf32>
        %parallel_loop3A_388 = vector.broadcast %parallel_loop3A_387 : f32 to vector<16xf32>
        %parallel_loop3A_389 = arith.addf %parallel_loop3A_369, %parallel_loop3A_388 : vector<16xf32>
        %parallel_loop3A_390 = arith.index_cast %parallel_loop3A_107 : i32 to index
        %parallel_loop3A_391 = arith.constant 224 : index
        %parallel_loop3A_392 = tpu.vector_load %arg5[%parallel_loop3A_390, %parallel_loop3A_391] {strides = array<i32>} : memref<32x512xf32, #tpu.memory_space<vmem>>, vector<16xf32>,
        %parallel_loop3A_393 = arith.index_cast %parallel_loop3A_107 : i32 to index
        %parallel_loop3A_394 = arith.constant 224 : index
        %parallel_loop3A_395 = tpu.vector_load %arg7[%parallel_loop3A_393, %parallel_loop3A_394] {strides = array<i32>} : memref<32x512xf32, #tpu.memory_space<vmem>>, vector<16xf32>,
        %parallel_loop3A_396 = arith.mulf %parallel_loop3A_392, %parallel_loop3A_395 : vector<16xf32>
        %parallel_loop3A_397 = arith.constant true
        %parallel_loop3A_398 = vector.broadcast %parallel_loop3A_397 : i1 to vector<16xi1>
        %parallel_loop3A_399 = tpu.scan <sum>, %parallel_loop3A_396 masked %parallel_loop3A_398 : vector<16xf32>, vector<16xi1> -> vector<16xf32>
        %parallel_loop3A_400 = arith.addf %parallel_loop3A_399, %parallel_loop3A_389 : vector<16xf32>
        %parallel_loop3A_401 = arith.index_cast %parallel_loop3A_107 : i32 to index
        %parallel_loop3A_402 = arith.constant 224 : index
        %parallel_loop3A_403 = tpu.vector_load %arg9[%parallel_loop3A_401, %parallel_loop3A_402] {strides = array<i32>} : memref<32x512xf32, #tpu.memory_space<vmem>>, vector<16xf32>,
        tpu.vector_store %arg9[%parallel_loop3A_401, %parallel_loop3A_402], %parallel_loop3A_400 {strides = array<i32>} : memref<32x512xf32, #tpu.memory_space<vmem>>, vector<16xf32>,
        %parallel_loop3A_404 = arith.constant true
        %parallel_loop3A_405 = vector.broadcast %parallel_loop3A_404 : i1 to vector<16xi1>
        %parallel_loop3A_406 = tpu.scan <sum>, %parallel_loop3A_396 masked %parallel_loop3A_405 : vector<16xf32>, vector<16xi1> -> vector<16xf32>
        %parallel_loop3A_407 = vector.extract %parallel_loop3A_406[15] : f32 from vector<16xf32>
        %parallel_loop3A_408 = vector.broadcast %parallel_loop3A_407 : f32 to vector<16xf32>
        %parallel_loop3A_409 = arith.addf %parallel_loop3A_389, %parallel_loop3A_408 : vector<16xf32>
        %parallel_loop3A_410 = arith.index_cast %parallel_loop3A_107 : i32 to index
        %parallel_loop3A_411 = arith.constant 240 : index
        %parallel_loop3A_412 = tpu.vector_load %arg5[%parallel_loop3A_410, %parallel_loop3A_411] {strides = array<i32>} : memref<32x512xf32, #tpu.memory_space<vmem>>, vector<16xf32>,
        %parallel_loop3A_413 = arith.index_cast %parallel_loop3A_107 : i32 to index
        %parallel_loop3A_414 = arith.constant 240 : index
        %parallel_loop3A_415 = tpu.vector_load %arg7[%parallel_loop3A_413, %parallel_loop3A_414] {strides = array<i32>} : memref<32x512xf32, #tpu.memory_space<vmem>>, vector<16xf32>,
        %parallel_loop3A_416 = arith.mulf %parallel_loop3A_412, %parallel_loop3A_415 : vector<16xf32>
        %parallel_loop3A_417 = arith.constant true
        %parallel_loop3A_418 = vector.broadcast %parallel_loop3A_417 : i1 to vector<16xi1>
        %parallel_loop3A_419 = tpu.scan <sum>, %parallel_loop3A_416 masked %parallel_loop3A_418 : vector<16xf32>, vector<16xi1> -> vector<16xf32>
        %parallel_loop3A_420 = arith.addf %parallel_loop3A_419, %parallel_loop3A_409 : vector<16xf32>
        %parallel_loop3A_421 = arith.index_cast %parallel_loop3A_107 : i32 to index
        %parallel_loop3A_422 = arith.constant 240 : index
        %parallel_loop3A_423 = tpu.vector_load %arg9[%parallel_loop3A_421, %parallel_loop3A_422] {strides = array<i32>} : memref<32x512xf32, #tpu.memory_space<vmem>>, vector<16xf32>,
        tpu.vector_store %arg9[%parallel_loop3A_421, %parallel_loop3A_422], %parallel_loop3A_420 {strides = array<i32>} : memref<32x512xf32, #tpu.memory_space<vmem>>, vector<16xf32>,
        %parallel_loop3A_424 = arith.constant true
        %parallel_loop3A_425 = vector.broadcast %parallel_loop3A_424 : i1 to vector<16xi1>
        %parallel_loop3A_426 = tpu.scan <sum>, %parallel_loop3A_416 masked %parallel_loop3A_425 : vector<16xf32>, vector<16xi1> -> vector<16xf32>
        %parallel_loop3A_427 = vector.extract %parallel_loop3A_426[15] : f32 from vector<16xf32>
        %parallel_loop3A_428 = vector.broadcast %parallel_loop3A_427 : f32 to vector<16xf32>
        %parallel_loop3A_429 = arith.addf %parallel_loop3A_409, %parallel_loop3A_428 : vector<16xf32>
        %parallel_loop3A_430 = arith.index_cast %parallel_loop3A_107 : i32 to index
        %parallel_loop3A_431 = arith.constant 256 : index
        %parallel_loop3A_432 = tpu.vector_load %arg5[%parallel_loop3A_430, %parallel_loop3A_431] {strides = array<i32>} : memref<32x512xf32, #tpu.memory_space<vmem>>, vector<16xf32>,
        %parallel_loop3A_433 = arith.index_cast %parallel_loop3A_107 : i32 to index
        %parallel_loop3A_434 = arith.constant 256 : index
        %parallel_loop3A_435 = tpu.vector_load %arg7[%parallel_loop3A_433, %parallel_loop3A_434] {strides = array<i32>} : memref<32x512xf32, #tpu.memory_space<vmem>>, vector<16xf32>,
        %parallel_loop3A_436 = arith.mulf %parallel_loop3A_432, %parallel_loop3A_435 : vector<16xf32>
        %parallel_loop3A_437 = arith.constant true
        %parallel_loop3A_438 = vector.broadcast %parallel_loop3A_437 : i1 to vector<16xi1>
        %parallel_loop3A_439 = tpu.scan <sum>, %parallel_loop3A_436 masked %parallel_loop3A_438 : vector<16xf32>, vector<16xi1> -> vector<16xf32>
        %parallel_loop3A_440 = arith.addf %parallel_loop3A_439, %parallel_loop3A_429 : vector<16xf32>
        %parallel_loop3A_441 = arith.index_cast %parallel_loop3A_107 : i32 to index
        %parallel_loop3A_442 = arith.constant 256 : index
        %parallel_loop3A_443 = tpu.vector_load %arg9[%parallel_loop3A_441, %parallel_loop3A_442] {strides = array<i32>} : memref<32x512xf32, #tpu.memory_space<vmem>>, vector<16xf32>,
        tpu.vector_store %arg9[%parallel_loop3A_441, %parallel_loop3A_442], %parallel_loop3A_440 {strides = array<i32>} : memref<32x512xf32, #tpu.memory_space<vmem>>, vector<16xf32>,
        %parallel_loop3A_444 = arith.constant true
        %parallel_loop3A_445 = vector.broadcast %parallel_loop3A_444 : i1 to vector<16xi1>
        %parallel_loop3A_446 = tpu.scan <sum>, %parallel_loop3A_436 masked %parallel_loop3A_445 : vector<16xf32>, vector<16xi1> -> vector<16xf32>
        %parallel_loop3A_447 = vector.extract %parallel_loop3A_446[15] : f32 from vector<16xf32>
        %parallel_loop3A_448 = vector.broadcast %parallel_loop3A_447 : f32 to vector<16xf32>
        %parallel_loop3A_449 = arith.addf %parallel_loop3A_429, %parallel_loop3A_448 : vector<16xf32>
        %parallel_loop3A_450 = arith.index_cast %parallel_loop3A_107 : i32 to index
        %parallel_loop3A_451 = arith.constant 272 : index
        %parallel_loop3A_452 = tpu.vector_load %arg5[%parallel_loop3A_450, %parallel_loop3A_451] {strides = array<i32>} : memref<32x512xf32, #tpu.memory_space<vmem>>, vector<16xf32>,
        %parallel_loop3A_453 = arith.index_cast %parallel_loop3A_107 : i32 to index
        %parallel_loop3A_454 = arith.constant 272 : index
        %parallel_loop3A_455 = tpu.vector_load %arg7[%parallel_loop3A_453, %parallel_loop3A_454] {strides = array<i32>} : memref<32x512xf32, #tpu.memory_space<vmem>>, vector<16xf32>,
        %parallel_loop3A_456 = arith.mulf %parallel_loop3A_452, %parallel_loop3A_455 : vector<16xf32>
        %parallel_loop3A_457 = arith.constant true
        %parallel_loop3A_458 = vector.broadcast %parallel_loop3A_457 : i1 to vector<16xi1>
        %parallel_loop3A_459 = tpu.scan <sum>, %parallel_loop3A_456 masked %parallel_loop3A_458 : vector<16xf32>, vector<16xi1> -> vector<16xf32>
        %parallel_loop3A_460 = arith.addf %parallel_loop3A_459, %parallel_loop3A_449 : vector<16xf32>
        %parallel_loop3A_461 = arith.index_cast %parallel_loop3A_107 : i32 to index
        %parallel_loop3A_462 = arith.constant 272 : index
        %parallel_loop3A_463 = tpu.vector_load %arg9[%parallel_loop3A_461, %parallel_loop3A_462] {strides = array<i32>} : memref<32x512xf32, #tpu.memory_space<vmem>>, vector<16xf32>,
        tpu.vector_store %arg9[%parallel_loop3A_461, %parallel_loop3A_462], %parallel_loop3A_460 {strides = array<i32>} : memref<32x512xf32, #tpu.memory_space<vmem>>, vector<16xf32>,
        %parallel_loop3A_464 = arith.constant true
        %parallel_loop3A_465 = vector.broadcast %parallel_loop3A_464 : i1 to vector<16xi1>
        %parallel_loop3A_466 = tpu.scan <sum>, %parallel_loop3A_456 masked %parallel_loop3A_465 : vector<16xf32>, vector<16xi1> -> vector<16xf32>
        %parallel_loop3A_467 = vector.extract %parallel_loop3A_466[15] : f32 from vector<16xf32>
        %parallel_loop3A_468 = vector.broadcast %parallel_loop3A_467 : f32 to vector<16xf32>
        %parallel_loop3A_469 = arith.addf %parallel_loop3A_449, %parallel_loop3A_468 : vector<16xf32>
        %parallel_loop3A_470 = arith.index_cast %parallel_loop3A_107 : i32 to index
        %parallel_loop3A_471 = arith.constant 288 : index
        %parallel_loop3A_472 = tpu.vector_load %arg5[%parallel_loop3A_470, %parallel_loop3A_471] {strides = array<i32>} : memref<32x512xf32, #tpu.memory_space<vmem>>, vector<16xf32>,
        %parallel_loop3A_473 = arith.index_cast %parallel_loop3A_107 : i32 to index
        %parallel_loop3A_474 = arith.constant 288 : index
        %parallel_loop3A_475 = tpu.vector_load %arg7[%parallel_loop3A_473, %parallel_loop3A_474] {strides = array<i32>} : memref<32x512xf32, #tpu.memory_space<vmem>>, vector<16xf32>,
        %parallel_loop3A_476 = arith.mulf %parallel_loop3A_472, %parallel_loop3A_475 : vector<16xf32>
        %parallel_loop3A_477 = arith.constant true
        %parallel_loop3A_478 = vector.broadcast %parallel_loop3A_477 : i1 to vector<16xi1>
        %parallel_loop3A_479 = tpu.scan <sum>, %parallel_loop3A_476 masked %parallel_loop3A_478 : vector<16xf32>, vector<16xi1> -> vector<16xf32>
        %parallel_loop3A_480 = arith.addf %parallel_loop3A_479, %parallel_loop3A_469 : vector<16xf32>
        %parallel_loop3A_481 = arith.index_cast %parallel_loop3A_107 : i32 to index
        %parallel_loop3A_482 = arith.constant 288 : index
        %parallel_loop3A_483 = tpu.vector_load %arg9[%parallel_loop3A_481, %parallel_loop3A_482] {strides = array<i32>} : memref<32x512xf32, #tpu.memory_space<vmem>>, vector<16xf32>,
        tpu.vector_store %arg9[%parallel_loop3A_481, %parallel_loop3A_482], %parallel_loop3A_480 {strides = array<i32>} : memref<32x512xf32, #tpu.memory_space<vmem>>, vector<16xf32>,
        %parallel_loop3A_484 = arith.constant true
        %parallel_loop3A_485 = vector.broadcast %parallel_loop3A_484 : i1 to vector<16xi1>
        %parallel_loop3A_486 = tpu.scan <sum>, %parallel_loop3A_476 masked %parallel_loop3A_485 : vector<16xf32>, vector<16xi1> -> vector<16xf32>
        %parallel_loop3A_487 = vector.extract %parallel_loop3A_486[15] : f32 from vector<16xf32>
        %parallel_loop3A_488 = vector.broadcast %parallel_loop3A_487 : f32 to vector<16xf32>
        %parallel_loop3A_489 = arith.addf %parallel_loop3A_469, %parallel_loop3A_488 : vector<16xf32>
        %parallel_loop3A_490 = arith.index_cast %parallel_loop3A_107 : i32 to index
        %parallel_loop3A_491 = arith.constant 304 : index
        %parallel_loop3A_492 = tpu.vector_load %arg5[%parallel_loop3A_490, %parallel_loop3A_491] {strides = array<i32>} : memref<32x512xf32, #tpu.memory_space<vmem>>, vector<16xf32>,
        %parallel_loop3A_493 = arith.index_cast %parallel_loop3A_107 : i32 to index
        %parallel_loop3A_494 = arith.constant 304 : index
        %parallel_loop3A_495 = tpu.vector_load %arg7[%parallel_loop3A_493, %parallel_loop3A_494] {strides = array<i32>} : memref<32x512xf32, #tpu.memory_space<vmem>>, vector<16xf32>,
        %parallel_loop3A_496 = arith.mulf %parallel_loop3A_492, %parallel_loop3A_495 : vector<16xf32>
        %parallel_loop3A_497 = arith.constant true
        %parallel_loop3A_498 = vector.broadcast %parallel_loop3A_497 : i1 to vector<16xi1>
        %parallel_loop3A_499 = tpu.scan <sum>, %parallel_loop3A_496 masked %parallel_loop3A_498 : vector<16xf32>, vector<16xi1> -> vector<16xf32>
        %parallel_loop3A_500 = arith.addf %parallel_loop3A_499, %parallel_loop3A_489 : vector<16xf32>
        %parallel_loop3A_501 = arith.index_cast %parallel_loop3A_107 : i32 to index
        %parallel_loop3A_502 = arith.constant 304 : index
        %parallel_loop3A_503 = tpu.vector_load %arg9[%parallel_loop3A_501, %parallel_loop3A_502] {strides = array<i32>} : memref<32x512xf32, #tpu.memory_space<vmem>>, vector<16xf32>,
        tpu.vector_store %arg9[%parallel_loop3A_501, %parallel_loop3A_502], %parallel_loop3A_500 {strides = array<i32>} : memref<32x512xf32, #tpu.memory_space<vmem>>, vector<16xf32>,
        %parallel_loop3A_504 = arith.constant true
        %parallel_loop3A_505 = vector.broadcast %parallel_loop3A_504 : i1 to vector<16xi1>
        %parallel_loop3A_506 = tpu.scan <sum>, %parallel_loop3A_496 masked %parallel_loop3A_505 : vector<16xf32>, vector<16xi1> -> vector<16xf32>
        %parallel_loop3A_507 = vector.extract %parallel_loop3A_506[15] : f32 from vector<16xf32>
        %parallel_loop3A_508 = vector.broadcast %parallel_loop3A_507 : f32 to vector<16xf32>
        %parallel_loop3A_509 = arith.addf %parallel_loop3A_489, %parallel_loop3A_508 : vector<16xf32>
        %parallel_loop3A_510 = arith.index_cast %parallel_loop3A_107 : i32 to index
        %parallel_loop3A_511 = arith.constant 320 : index
        %parallel_loop3A_512 = tpu.vector_load %arg5[%parallel_loop3A_510, %parallel_loop3A_511] {strides = array<i32>} : memref<32x512xf32, #tpu.memory_space<vmem>>, vector<16xf32>,
        %parallel_loop3A_513 = arith.index_cast %parallel_loop3A_107 : i32 to index
        %parallel_loop3A_514 = arith.constant 320 : index
        %parallel_loop3A_515 = tpu.vector_load %arg7[%parallel_loop3A_513, %parallel_loop3A_514] {strides = array<i32>} : memref<32x512xf32, #tpu.memory_space<vmem>>, vector<16xf32>,
        %parallel_loop3A_516 = arith.mulf %parallel_loop3A_512, %parallel_loop3A_515 : vector<16xf32>
        %parallel_loop3A_517 = arith.constant true
        %parallel_loop3A_518 = vector.broadcast %parallel_loop3A_517 : i1 to vector<16xi1>
        %parallel_loop3A_519 = tpu.scan <sum>, %parallel_loop3A_516 masked %parallel_loop3A_518 : vector<16xf32>, vector<16xi1> -> vector<16xf32>
        %parallel_loop3A_520 = arith.addf %parallel_loop3A_519, %parallel_loop3A_509 : vector<16xf32>
        %parallel_loop3A_521 = arith.index_cast %parallel_loop3A_107 : i32 to index
        %parallel_loop3A_522 = arith.constant 320 : index
        %parallel_loop3A_523 = tpu.vector_load %arg9[%parallel_loop3A_521, %parallel_loop3A_522] {strides = array<i32>} : memref<32x512xf32, #tpu.memory_space<vmem>>, vector<16xf32>,
        tpu.vector_store %arg9[%parallel_loop3A_521, %parallel_loop3A_522], %parallel_loop3A_520 {strides = array<i32>} : memref<32x512xf32, #tpu.memory_space<vmem>>, vector<16xf32>,
        %parallel_loop3A_524 = arith.constant true
        %parallel_loop3A_525 = vector.broadcast %parallel_loop3A_524 : i1 to vector<16xi1>
        %parallel_loop3A_526 = tpu.scan <sum>, %parallel_loop3A_516 masked %parallel_loop3A_525 : vector<16xf32>, vector<16xi1> -> vector<16xf32>
        %parallel_loop3A_527 = vector.extract %parallel_loop3A_526[15] : f32 from vector<16xf32>
        %parallel_loop3A_528 = vector.broadcast %parallel_loop3A_527 : f32 to vector<16xf32>
        %parallel_loop3A_529 = arith.addf %parallel_loop3A_509, %parallel_loop3A_528 : vector<16xf32>
        %parallel_loop3A_530 = arith.index_cast %parallel_loop3A_107 : i32 to index
        %parallel_loop3A_531 = arith.constant 336 : index
        %parallel_loop3A_532 = tpu.vector_load %arg5[%parallel_loop3A_530, %parallel_loop3A_531] {strides = array<i32>} : memref<32x512xf32, #tpu.memory_space<vmem>>, vector<16xf32>,
        %parallel_loop3A_533 = arith.index_cast %parallel_loop3A_107 : i32 to index
        %parallel_loop3A_534 = arith.constant 336 : index
        %parallel_loop3A_535 = tpu.vector_load %arg7[%parallel_loop3A_533, %parallel_loop3A_534] {strides = array<i32>} : memref<32x512xf32, #tpu.memory_space<vmem>>, vector<16xf32>,
        %parallel_loop3A_536 = arith.mulf %parallel_loop3A_532, %parallel_loop3A_535 : vector<16xf32>
        %parallel_loop3A_537 = arith.constant true
        %parallel_loop3A_538 = vector.broadcast %parallel_loop3A_537 : i1 to vector<16xi1>
        %parallel_loop3A_539 = tpu.scan <sum>, %parallel_loop3A_536 masked %parallel_loop3A_538 : vector<16xf32>, vector<16xi1> -> vector<16xf32>
        %parallel_loop3A_540 = arith.addf %parallel_loop3A_539, %parallel_loop3A_529 : vector<16xf32>
        %parallel_loop3A_541 = arith.index_cast %parallel_loop3A_107 : i32 to index
        %parallel_loop3A_542 = arith.constant 336 : index
        %parallel_loop3A_543 = tpu.vector_load %arg9[%parallel_loop3A_541, %parallel_loop3A_542] {strides = array<i32>} : memref<32x512xf32, #tpu.memory_space<vmem>>, vector<16xf32>,
        tpu.vector_store %arg9[%parallel_loop3A_541, %parallel_loop3A_542], %parallel_loop3A_540 {strides = array<i32>} : memref<32x512xf32, #tpu.memory_space<vmem>>, vector<16xf32>,
        %parallel_loop3A_544 = arith.constant true
        %parallel_loop3A_545 = vector.broadcast %parallel_loop3A_544 : i1 to vector<16xi1>
        %parallel_loop3A_546 = tpu.scan <sum>, %parallel_loop3A_536 masked %parallel_loop3A_545 : vector<16xf32>, vector<16xi1> -> vector<16xf32>
        %parallel_loop3A_547 = vector.extract %parallel_loop3A_546[15] : f32 from vector<16xf32>
        %parallel_loop3A_548 = vector.broadcast %parallel_loop3A_547 : f32 to vector<16xf32>
        %parallel_loop3A_549 = arith.addf %parallel_loop3A_529, %parallel_loop3A_548 : vector<16xf32>
        %parallel_loop3A_550 = arith.index_cast %parallel_loop3A_107 : i32 to index
        %parallel_loop3A_551 = arith.constant 352 : index
        %parallel_loop3A_552 = tpu.vector_load %arg5[%parallel_loop3A_550, %parallel_loop3A_551] {strides = array<i32>} : memref<32x512xf32, #tpu.memory_space<vmem>>, vector<16xf32>,
        %parallel_loop3A_553 = arith.index_cast %parallel_loop3A_107 : i32 to index
        %parallel_loop3A_554 = arith.constant 352 : index
        %parallel_loop3A_555 = tpu.vector_load %arg7[%parallel_loop3A_553, %parallel_loop3A_554] {strides = array<i32>} : memref<32x512xf32, #tpu.memory_space<vmem>>, vector<16xf32>,
        %parallel_loop3A_556 = arith.mulf %parallel_loop3A_552, %parallel_loop3A_555 : vector<16xf32>
        %parallel_loop3A_557 = arith.constant true
        %parallel_loop3A_558 = vector.broadcast %parallel_loop3A_557 : i1 to vector<16xi1>
        %parallel_loop3A_559 = tpu.scan <sum>, %parallel_loop3A_556 masked %parallel_loop3A_558 : vector<16xf32>, vector<16xi1> -> vector<16xf32>
        %parallel_loop3A_560 = arith.addf %parallel_loop3A_559, %parallel_loop3A_549 : vector<16xf32>
        %parallel_loop3A_561 = arith.index_cast %parallel_loop3A_107 : i32 to index
        %parallel_loop3A_562 = arith.constant 352 : index
        %parallel_loop3A_563 = tpu.vector_load %arg9[%parallel_loop3A_561, %parallel_loop3A_562] {strides = array<i32>} : memref<32x512xf32, #tpu.memory_space<vmem>>, vector<16xf32>,
        tpu.vector_store %arg9[%parallel_loop3A_561, %parallel_loop3A_562], %parallel_loop3A_560 {strides = array<i32>} : memref<32x512xf32, #tpu.memory_space<vmem>>, vector<16xf32>,
        %parallel_loop3A_564 = arith.constant true
        %parallel_loop3A_565 = vector.broadcast %parallel_loop3A_564 : i1 to vector<16xi1>
        %parallel_loop3A_566 = tpu.scan <sum>, %parallel_loop3A_556 masked %parallel_loop3A_565 : vector<16xf32>, vector<16xi1> -> vector<16xf32>
        %parallel_loop3A_567 = vector.extract %parallel_loop3A_566[15] : f32 from vector<16xf32>
        %parallel_loop3A_568 = vector.broadcast %parallel_loop3A_567 : f32 to vector<16xf32>
        %parallel_loop3A_569 = arith.addf %parallel_loop3A_549, %parallel_loop3A_568 : vector<16xf32>
        %parallel_loop3A_570 = arith.index_cast %parallel_loop3A_107 : i32 to index
        %parallel_loop3A_571 = arith.constant 368 : index
        %parallel_loop3A_572 = tpu.vector_load %arg5[%parallel_loop3A_570, %parallel_loop3A_571] {strides = array<i32>} : memref<32x512xf32, #tpu.memory_space<vmem>>, vector<16xf32>,
        %parallel_loop3A_573 = arith.index_cast %parallel_loop3A_107 : i32 to index
        %parallel_loop3A_574 = arith.constant 368 : index
        %parallel_loop3A_575 = tpu.vector_load %arg7[%parallel_loop3A_573, %parallel_loop3A_574] {strides = array<i32>} : memref<32x512xf32, #tpu.memory_space<vmem>>, vector<16xf32>,
        %parallel_loop3A_576 = arith.mulf %parallel_loop3A_572, %parallel_loop3A_575 : vector<16xf32>
        %parallel_loop3A_577 = arith.constant true
        %parallel_loop3A_578 = vector.broadcast %parallel_loop3A_577 : i1 to vector<16xi1>
        %parallel_loop3A_579 = tpu.scan <sum>, %parallel_loop3A_576 masked %parallel_loop3A_578 : vector<16xf32>, vector<16xi1> -> vector<16xf32>
        %parallel_loop3A_580 = arith.addf %parallel_loop3A_579, %parallel_loop3A_569 : vector<16xf32>
        %parallel_loop3A_581 = arith.index_cast %parallel_loop3A_107 : i32 to index
        %parallel_loop3A_582 = arith.constant 368 : index
        %parallel_loop3A_583 = tpu.vector_load %arg9[%parallel_loop3A_581, %parallel_loop3A_582] {strides = array<i32>} : memref<32x512xf32, #tpu.memory_space<vmem>>, vector<16xf32>,
        tpu.vector_store %arg9[%parallel_loop3A_581, %parallel_loop3A_582], %parallel_loop3A_580 {strides = array<i32>} : memref<32x512xf32, #tpu.memory_space<vmem>>, vector<16xf32>,
        %parallel_loop3A_584 = arith.constant true
        %parallel_loop3A_585 = vector.broadcast %parallel_loop3A_584 : i1 to vector<16xi1>
        %parallel_loop3A_586 = tpu.scan <sum>, %parallel_loop3A_576 masked %parallel_loop3A_585 : vector<16xf32>, vector<16xi1> -> vector<16xf32>
        %parallel_loop3A_587 = vector.extract %parallel_loop3A_586[15] : f32 from vector<16xf32>
        %parallel_loop3A_588 = vector.broadcast %parallel_loop3A_587 : f32 to vector<16xf32>
        %parallel_loop3A_589 = arith.addf %parallel_loop3A_569, %parallel_loop3A_588 : vector<16xf32>
        %parallel_loop3A_590 = arith.index_cast %parallel_loop3A_107 : i32 to index
        %parallel_loop3A_591 = arith.constant 384 : index
        %parallel_loop3A_592 = tpu.vector_load %arg5[%parallel_loop3A_590, %parallel_loop3A_591] {strides = array<i32>} : memref<32x512xf32, #tpu.memory_space<vmem>>, vector<16xf32>,
        %parallel_loop3A_593 = arith.index_cast %parallel_loop3A_107 : i32 to index
        %parallel_loop3A_594 = arith.constant 384 : index
        %parallel_loop3A_595 = tpu.vector_load %arg7[%parallel_loop3A_593, %parallel_loop3A_594] {strides = array<i32>} : memref<32x512xf32, #tpu.memory_space<vmem>>, vector<16xf32>,
        %parallel_loop3A_596 = arith.mulf %parallel_loop3A_592, %parallel_loop3A_595 : vector<16xf32>
        %parallel_loop3A_597 = arith.constant true
        %parallel_loop3A_598 = vector.broadcast %parallel_loop3A_597 : i1 to vector<16xi1>
        %parallel_loop3A_599 = tpu.scan <sum>, %parallel_loop3A_596 masked %parallel_loop3A_598 : vector<16xf32>, vector<16xi1> -> vector<16xf32>
        %parallel_loop3A_600 = arith.addf %parallel_loop3A_599, %parallel_loop3A_589 : vector<16xf32>
        %parallel_loop3A_601 = arith.index_cast %parallel_loop3A_107 : i32 to index
        %parallel_loop3A_602 = arith.constant 384 : index
        %parallel_loop3A_603 = tpu.vector_load %arg9[%parallel_loop3A_601, %parallel_loop3A_602] {strides = array<i32>} : memref<32x512xf32, #tpu.memory_space<vmem>>, vector<16xf32>,
        tpu.vector_store %arg9[%parallel_loop3A_601, %parallel_loop3A_602], %parallel_loop3A_600 {strides = array<i32>} : memref<32x512xf32, #tpu.memory_space<vmem>>, vector<16xf32>,
        %parallel_loop3A_604 = arith.constant true
        %parallel_loop3A_605 = vector.broadcast %parallel_loop3A_604 : i1 to vector<16xi1>
        %parallel_loop3A_606 = tpu.scan <sum>, %parallel_loop3A_596 masked %parallel_loop3A_605 : vector<16xf32>, vector<16xi1> -> vector<16xf32>
        %parallel_loop3A_607 = vector.extract %parallel_loop3A_606[15] : f32 from vector<16xf32>
        %parallel_loop3A_608 = vector.broadcast %parallel_loop3A_607 : f32 to vector<16xf32>
        %parallel_loop3A_609 = arith.addf %parallel_loop3A_589, %parallel_loop3A_608 : vector<16xf32>
        %parallel_loop3A_610 = arith.index_cast %parallel_loop3A_107 : i32 to index
        %parallel_loop3A_611 = arith.constant 400 : index
        %parallel_loop3A_612 = tpu.vector_load %arg5[%parallel_loop3A_610, %parallel_loop3A_611] {strides = array<i32>} : memref<32x512xf32, #tpu.memory_space<vmem>>, vector<16xf32>,
        %parallel_loop3A_613 = arith.index_cast %parallel_loop3A_107 : i32 to index
        %parallel_loop3A_614 = arith.constant 400 : index
        %parallel_loop3A_615 = tpu.vector_load %arg7[%parallel_loop3A_613, %parallel_loop3A_614] {strides = array<i32>} : memref<32x512xf32, #tpu.memory_space<vmem>>, vector<16xf32>,
        %parallel_loop3A_616 = arith.mulf %parallel_loop3A_612, %parallel_loop3A_615 : vector<16xf32>
        %parallel_loop3A_617 = arith.constant true
        %parallel_loop3A_618 = vector.broadcast %parallel_loop3A_617 : i1 to vector<16xi1>
        %parallel_loop3A_619 = tpu.scan <sum>, %parallel_loop3A_616 masked %parallel_loop3A_618 : vector<16xf32>, vector<16xi1> -> vector<16xf32>
        %parallel_loop3A_620 = arith.addf %parallel_loop3A_619, %parallel_loop3A_609 : vector<16xf32>
        %parallel_loop3A_621 = arith.index_cast %parallel_loop3A_107 : i32 to index
        %parallel_loop3A_622 = arith.constant 400 : index
        %parallel_loop3A_623 = tpu.vector_load %arg9[%parallel_loop3A_621, %parallel_loop3A_622] {strides = array<i32>} : memref<32x512xf32, #tpu.memory_space<vmem>>, vector<16xf32>,
        tpu.vector_store %arg9[%parallel_loop3A_621, %parallel_loop3A_622], %parallel_loop3A_620 {strides = array<i32>} : memref<32x512xf32, #tpu.memory_space<vmem>>, vector<16xf32>,
        %parallel_loop3A_624 = arith.constant true
        %parallel_loop3A_625 = vector.broadcast %parallel_loop3A_624 : i1 to vector<16xi1>
        %parallel_loop3A_626 = tpu.scan <sum>, %parallel_loop3A_616 masked %parallel_loop3A_625 : vector<16xf32>, vector<16xi1> -> vector<16xf32>
        %parallel_loop3A_627 = vector.extract %parallel_loop3A_626[15] : f32 from vector<16xf32>
        %parallel_loop3A_628 = vector.broadcast %parallel_loop3A_627 : f32 to vector<16xf32>
        %parallel_loop3A_629 = arith.addf %parallel_loop3A_609, %parallel_loop3A_628 : vector<16xf32>
        %parallel_loop3A_630 = arith.index_cast %parallel_loop3A_107 : i32 to index
        %parallel_loop3A_631 = arith.constant 416 : index
        %parallel_loop3A_632 = tpu.vector_load %arg5[%parallel_loop3A_630, %parallel_loop3A_631] {strides = array<i32>} : memref<32x512xf32, #tpu.memory_space<vmem>>, vector<16xf32>,
        %parallel_loop3A_633 = arith.index_cast %parallel_loop3A_107 : i32 to index
        %parallel_loop3A_634 = arith.constant 416 : index
        %parallel_loop3A_635 = tpu.vector_load %arg7[%parallel_loop3A_633, %parallel_loop3A_634] {strides = array<i32>} : memref<32x512xf32, #tpu.memory_space<vmem>>, vector<16xf32>,
        %parallel_loop3A_636 = arith.mulf %parallel_loop3A_632, %parallel_loop3A_635 : vector<16xf32>
        %parallel_loop3A_637 = arith.constant true
        %parallel_loop3A_638 = vector.broadcast %parallel_loop3A_637 : i1 to vector<16xi1>
        %parallel_loop3A_639 = tpu.scan <sum>, %parallel_loop3A_636 masked %parallel_loop3A_638 : vector<16xf32>, vector<16xi1> -> vector<16xf32>
        %parallel_loop3A_640 = arith.addf %parallel_loop3A_639, %parallel_loop3A_629 : vector<16xf32>
        %parallel_loop3A_641 = arith.index_cast %parallel_loop3A_107 : i32 to index
        %parallel_loop3A_642 = arith.constant 416 : index
        %parallel_loop3A_643 = tpu.vector_load %arg9[%parallel_loop3A_641, %parallel_loop3A_642] {strides = array<i32>} : memref<32x512xf32, #tpu.memory_space<vmem>>, vector<16xf32>,
        tpu.vector_store %arg9[%parallel_loop3A_641, %parallel_loop3A_642], %parallel_loop3A_640 {strides = array<i32>} : memref<32x512xf32, #tpu.memory_space<vmem>>, vector<16xf32>,
        %parallel_loop3A_644 = arith.constant true
        %parallel_loop3A_645 = vector.broadcast %parallel_loop3A_644 : i1 to vector<16xi1>
        %parallel_loop3A_646 = tpu.scan <sum>, %parallel_loop3A_636 masked %parallel_loop3A_645 : vector<16xf32>, vector<16xi1> -> vector<16xf32>
        %parallel_loop3A_647 = vector.extract %parallel_loop3A_646[15] : f32 from vector<16xf32>
        %parallel_loop3A_648 = vector.broadcast %parallel_loop3A_647 : f32 to vector<16xf32>
        %parallel_loop3A_649 = arith.addf %parallel_loop3A_629, %parallel_loop3A_648 : vector<16xf32>
        %parallel_loop3A_650 = arith.index_cast %parallel_loop3A_107 : i32 to index
        %parallel_loop3A_651 = arith.constant 432 : index
        %parallel_loop3A_652 = tpu.vector_load %arg5[%parallel_loop3A_650, %parallel_loop3A_651] {strides = array<i32>} : memref<32x512xf32, #tpu.memory_space<vmem>>, vector<16xf32>,
        %parallel_loop3A_653 = arith.index_cast %parallel_loop3A_107 : i32 to index
        %parallel_loop3A_654 = arith.constant 432 : index
        %parallel_loop3A_655 = tpu.vector_load %arg7[%parallel_loop3A_653, %parallel_loop3A_654] {strides = array<i32>} : memref<32x512xf32, #tpu.memory_space<vmem>>, vector<16xf32>,
        %parallel_loop3A_656 = arith.mulf %parallel_loop3A_652, %parallel_loop3A_655 : vector<16xf32>
        %parallel_loop3A_657 = arith.constant true
        %parallel_loop3A_658 = vector.broadcast %parallel_loop3A_657 : i1 to vector<16xi1>
        %parallel_loop3A_659 = tpu.scan <sum>, %parallel_loop3A_656 masked %parallel_loop3A_658 : vector<16xf32>, vector<16xi1> -> vector<16xf32>
        %parallel_loop3A_660 = arith.addf %parallel_loop3A_659, %parallel_loop3A_649 : vector<16xf32>
        %parallel_loop3A_661 = arith.index_cast %parallel_loop3A_107 : i32 to index
        %parallel_loop3A_662 = arith.constant 432 : index
        %parallel_loop3A_663 = tpu.vector_load %arg9[%parallel_loop3A_661, %parallel_loop3A_662] {strides = array<i32>} : memref<32x512xf32, #tpu.memory_space<vmem>>, vector<16xf32>,
        tpu.vector_store %arg9[%parallel_loop3A_661, %parallel_loop3A_662], %parallel_loop3A_660 {strides = array<i32>} : memref<32x512xf32, #tpu.memory_space<vmem>>, vector<16xf32>,
        %parallel_loop3A_664 = arith.constant true
        %parallel_loop3A_665 = vector.broadcast %parallel_loop3A_664 : i1 to vector<16xi1>
        %parallel_loop3A_666 = tpu.scan <sum>, %parallel_loop3A_656 masked %parallel_loop3A_665 : vector<16xf32>, vector<16xi1> -> vector<16xf32>
        %parallel_loop3A_667 = vector.extract %parallel_loop3A_666[15] : f32 from vector<16xf32>
        %parallel_loop3A_668 = vector.broadcast %parallel_loop3A_667 : f32 to vector<16xf32>
        %parallel_loop3A_669 = arith.addf %parallel_loop3A_649, %parallel_loop3A_668 : vector<16xf32>
        %parallel_loop3A_670 = arith.index_cast %parallel_loop3A_107 : i32 to index
        %parallel_loop3A_671 = arith.constant 448 : index
        %parallel_loop3A_672 = tpu.vector_load %arg5[%parallel_loop3A_670, %parallel_loop3A_671] {strides = array<i32>} : memref<32x512xf32, #tpu.memory_space<vmem>>, vector<16xf32>,
        %parallel_loop3A_673 = arith.index_cast %parallel_loop3A_107 : i32 to index
        %parallel_loop3A_674 = arith.constant 448 : index
        %parallel_loop3A_675 = tpu.vector_load %arg7[%parallel_loop3A_673, %parallel_loop3A_674] {strides = array<i32>} : memref<32x512xf32, #tpu.memory_space<vmem>>, vector<16xf32>,
        %parallel_loop3A_676 = arith.mulf %parallel_loop3A_672, %parallel_loop3A_675 : vector<16xf32>
        %parallel_loop3A_677 = arith.constant true
        %parallel_loop3A_678 = vector.broadcast %parallel_loop3A_677 : i1 to vector<16xi1>
        %parallel_loop3A_679 = tpu.scan <sum>, %parallel_loop3A_676 masked %parallel_loop3A_678 : vector<16xf32>, vector<16xi1> -> vector<16xf32>
        %parallel_loop3A_680 = arith.addf %parallel_loop3A_679, %parallel_loop3A_669 : vector<16xf32>
        %parallel_loop3A_681 = arith.index_cast %parallel_loop3A_107 : i32 to index
        %parallel_loop3A_682 = arith.constant 448 : index
        %parallel_loop3A_683 = tpu.vector_load %arg9[%parallel_loop3A_681, %parallel_loop3A_682] {strides = array<i32>} : memref<32x512xf32, #tpu.memory_space<vmem>>, vector<16xf32>,
        tpu.vector_store %arg9[%parallel_loop3A_681, %parallel_loop3A_682], %parallel_loop3A_680 {strides = array<i32>} : memref<32x512xf32, #tpu.memory_space<vmem>>, vector<16xf32>,
        %parallel_loop3A_684 = arith.constant true
        %parallel_loop3A_685 = vector.broadcast %parallel_loop3A_684 : i1 to vector<16xi1>
        %parallel_loop3A_686 = tpu.scan <sum>, %parallel_loop3A_676 masked %parallel_loop3A_685 : vector<16xf32>, vector<16xi1> -> vector<16xf32>
        %parallel_loop3A_687 = vector.extract %parallel_loop3A_686[15] : f32 from vector<16xf32>
        %parallel_loop3A_688 = vector.broadcast %parallel_loop3A_687 : f32 to vector<16xf32>
        %parallel_loop3A_689 = arith.addf %parallel_loop3A_669, %parallel_loop3A_688 : vector<16xf32>
        %parallel_loop3A_690 = arith.index_cast %parallel_loop3A_107 : i32 to index
        %parallel_loop3A_691 = arith.constant 464 : index
        %parallel_loop3A_692 = tpu.vector_load %arg5[%parallel_loop3A_690, %parallel_loop3A_691] {strides = array<i32>} : memref<32x512xf32, #tpu.memory_space<vmem>>, vector<16xf32>,
        %parallel_loop3A_693 = arith.index_cast %parallel_loop3A_107 : i32 to index
        %parallel_loop3A_694 = arith.constant 464 : index
        %parallel_loop3A_695 = tpu.vector_load %arg7[%parallel_loop3A_693, %parallel_loop3A_694] {strides = array<i32>} : memref<32x512xf32, #tpu.memory_space<vmem>>, vector<16xf32>,
        %parallel_loop3A_696 = arith.mulf %parallel_loop3A_692, %parallel_loop3A_695 : vector<16xf32>
        %parallel_loop3A_697 = arith.constant true
        %parallel_loop3A_698 = vector.broadcast %parallel_loop3A_697 : i1 to vector<16xi1>
        %parallel_loop3A_699 = tpu.scan <sum>, %parallel_loop3A_696 masked %parallel_loop3A_698 : vector<16xf32>, vector<16xi1> -> vector<16xf32>
        %parallel_loop3A_700 = arith.addf %parallel_loop3A_699, %parallel_loop3A_689 : vector<16xf32>
        %parallel_loop3A_701 = arith.index_cast %parallel_loop3A_107 : i32 to index
        %parallel_loop3A_702 = arith.constant 464 : index
        %parallel_loop3A_703 = tpu.vector_load %arg9[%parallel_loop3A_701, %parallel_loop3A_702] {strides = array<i32>} : memref<32x512xf32, #tpu.memory_space<vmem>>, vector<16xf32>,
        tpu.vector_store %arg9[%parallel_loop3A_701, %parallel_loop3A_702], %parallel_loop3A_700 {strides = array<i32>} : memref<32x512xf32, #tpu.memory_space<vmem>>, vector<16xf32>,
        %parallel_loop3A_704 = arith.constant true
        %parallel_loop3A_705 = vector.broadcast %parallel_loop3A_704 : i1 to vector<16xi1>
        %parallel_loop3A_706 = tpu.scan <sum>, %parallel_loop3A_696 masked %parallel_loop3A_705 : vector<16xf32>, vector<16xi1> -> vector<16xf32>
        %parallel_loop3A_707 = vector.extract %parallel_loop3A_706[15] : f32 from vector<16xf32>
        %parallel_loop3A_708 = vector.broadcast %parallel_loop3A_707 : f32 to vector<16xf32>
        %parallel_loop3A_709 = arith.addf %parallel_loop3A_689, %parallel_loop3A_708 : vector<16xf32>
        %parallel_loop3A_710 = arith.index_cast %parallel_loop3A_107 : i32 to index
        %parallel_loop3A_711 = arith.constant 480 : index
        %parallel_loop3A_712 = tpu.vector_load %arg5[%parallel_loop3A_710, %parallel_loop3A_711] {strides = array<i32>} : memref<32x512xf32, #tpu.memory_space<vmem>>, vector<16xf32>,
        %parallel_loop3A_713 = arith.index_cast %parallel_loop3A_107 : i32 to index
        %parallel_loop3A_714 = arith.constant 480 : index
        %parallel_loop3A_715 = tpu.vector_load %arg7[%parallel_loop3A_713, %parallel_loop3A_714] {strides = array<i32>} : memref<32x512xf32, #tpu.memory_space<vmem>>, vector<16xf32>,
        %parallel_loop3A_716 = arith.mulf %parallel_loop3A_712, %parallel_loop3A_715 : vector<16xf32>
        %parallel_loop3A_717 = arith.constant true
        %parallel_loop3A_718 = vector.broadcast %parallel_loop3A_717 : i1 to vector<16xi1>
        %parallel_loop3A_719 = tpu.scan <sum>, %parallel_loop3A_716 masked %parallel_loop3A_718 : vector<16xf32>, vector<16xi1> -> vector<16xf32>
        %parallel_loop3A_720 = arith.addf %parallel_loop3A_719, %parallel_loop3A_709 : vector<16xf32>
        %parallel_loop3A_721 = arith.index_cast %parallel_loop3A_107 : i32 to index
        %parallel_loop3A_722 = arith.constant 480 : index
        %parallel_loop3A_723 = tpu.vector_load %arg9[%parallel_loop3A_721, %parallel_loop3A_722] {strides = array<i32>} : memref<32x512xf32, #tpu.memory_space<vmem>>, vector<16xf32>,
        tpu.vector_store %arg9[%parallel_loop3A_721, %parallel_loop3A_722], %parallel_loop3A_720 {strides = array<i32>} : memref<32x512xf32, #tpu.memory_space<vmem>>, vector<16xf32>,
        %parallel_loop3A_724 = arith.constant true
        %parallel_loop3A_725 = vector.broadcast %parallel_loop3A_724 : i1 to vector<16xi1>
        %parallel_loop3A_726 = tpu.scan <sum>, %parallel_loop3A_716 masked %parallel_loop3A_725 : vector<16xf32>, vector<16xi1> -> vector<16xf32>
        %parallel_loop3A_727 = vector.extract %parallel_loop3A_726[15] : f32 from vector<16xf32>
        %parallel_loop3A_728 = vector.broadcast %parallel_loop3A_727 : f32 to vector<16xf32>
        %parallel_loop3A_729 = arith.addf %parallel_loop3A_709, %parallel_loop3A_728 : vector<16xf32>
        %parallel_loop3A_730 = arith.index_cast %parallel_loop3A_107 : i32 to index
        %parallel_loop3A_731 = arith.constant 496 : index
        %parallel_loop3A_732 = tpu.vector_load %arg5[%parallel_loop3A_730, %parallel_loop3A_731] {strides = array<i32>} : memref<32x512xf32, #tpu.memory_space<vmem>>, vector<16xf32>,
        %parallel_loop3A_733 = arith.index_cast %parallel_loop3A_107 : i32 to index
        %parallel_loop3A_734 = arith.constant 496 : index
        %parallel_loop3A_735 = tpu.vector_load %arg7[%parallel_loop3A_733, %parallel_loop3A_734] {strides = array<i32>} : memref<32x512xf32, #tpu.memory_space<vmem>>, vector<16xf32>,
        %parallel_loop3A_736 = arith.mulf %parallel_loop3A_732, %parallel_loop3A_735 : vector<16xf32>
        %parallel_loop3A_737 = arith.constant true
        %parallel_loop3A_738 = vector.broadcast %parallel_loop3A_737 : i1 to vector<16xi1>
        %parallel_loop3A_739 = tpu.scan <sum>, %parallel_loop3A_736 masked %parallel_loop3A_738 : vector<16xf32>, vector<16xi1> -> vector<16xf32>
        %parallel_loop3A_740 = arith.addf %parallel_loop3A_739, %parallel_loop3A_729 : vector<16xf32>
        %parallel_loop3A_741 = arith.index_cast %parallel_loop3A_107 : i32 to index
        %parallel_loop3A_742 = arith.constant 496 : index
        %parallel_loop3A_743 = tpu.vector_load %arg9[%parallel_loop3A_741, %parallel_loop3A_742] {strides = array<i32>} : memref<32x512xf32, #tpu.memory_space<vmem>>, vector<16xf32>,
        tpu.vector_store %arg9[%parallel_loop3A_741, %parallel_loop3A_742], %parallel_loop3A_740 {strides = array<i32>} : memref<32x512xf32, #tpu.memory_space<vmem>>, vector<16xf32>,
        %parallel_loop3A_744 = arith.constant true
        %parallel_loop3A_745 = vector.broadcast %parallel_loop3A_744 : i1 to vector<16xi1>
        %parallel_loop3A_746 = tpu.scan <sum>, %parallel_loop3A_736 masked %parallel_loop3A_745 : vector<16xf32>, vector<16xi1> -> vector<16xf32>
        %parallel_loop3A_747 = vector.extract %parallel_loop3A_746[15] : f32 from vector<16xf32>
        %parallel_loop3A_748 = vector.broadcast %parallel_loop3A_747 : f32 to vector<16xf32>
        %parallel_loop3A_749 = arith.addf %parallel_loop3A_729, %parallel_loop3A_748 : vector<16xf32>
      } {sc.loop_unroll_factor = 4 : i64, sc.parallel_access}
      %mul3A_62 = arith.constant 32 : i32
      %mul3A_63 = arith.muli %add3A_39, %mul3A_62 : i32
      %add3A_64 = arith.addi %mul3A_2, %mul3A_63 : i32
      %dma_start3A_65 = arith.constant 0 : i32
      %dma_start3A_66 = tpu.memref_slice %arg4[%add3A_64, %dma_start3A_65] : memref<65536x512xf32, #tpu.memory_space<hbm>> -> memref<32x512xf32, #tpu.memory_space<hbm>>
      %dma_start3A_67 = arith.constant 0 : i32
      %dma_start3A_68 = tpu.memref_slice %arg4[%add3A_64, %dma_start3A_67] : memref<65536x512xf32, #tpu.memory_space<hbm>> -> memref<32x512xf32, #tpu.memory_space<hbm>>
      tpu.enqueue_dma source(%arg9 : memref<32x512xf32, #tpu.memory_space<vmem>>) target(%dma_start3A_68 : memref<32x512xf32, #tpu.memory_space<hbm>>) target_semaphore(%arg15 : memref<!tpu.dma_semaphore, #tpu.memory_space<semaphore_mem>>)
      %mul3A_69 = arith.constant 2 : i32
      %mul3A_70 = arith.muli %scan3A_35, %mul3A_69 : i32
      %add3A_71 = arith.constant 1 : i32
      %add3A_72 = arith.addi %mul3A_70, %add3A_71 : i32
      %add3A_73 = arith.constant 1 : i32
      %add3A_74 = arith.addi %add3A_72, %add3A_73 : i32
      %lt3A_75 = arith.constant 64 : i32
      %lt3A_76 = arith.cmpi slt, %add3A_74, %lt3A_75 : i32
      %convert_element_type3A_77 = arith.extui %lt3A_76 : i1 to i32
      %cond3A_78 = arith.constant 0 : i32
      %cond3A_79 = arith.cmpi ne, %convert_element_type3A_77, %cond3A_78 : i32
      scf.if %cond3A_79 {
        %mul3A_107 = arith.constant 32 : i32
        %mul3A_108 = arith.muli %add3A_74, %mul3A_107 : i32
        %add3A_109 = arith.addi %mul3A_2, %mul3A_108 : i32
        %dma_start3A_110 = arith.constant 0 : i32
        %dma_start3A_111 = tpu.memref_slice %arg2[%add3A_109, %dma_start3A_110] : memref<65536x512xf32, #tpu.memory_space<hbm>> -> memref<32x512xf32, #tpu.memory_space<hbm>>
        %dma_start3A_112 = arith.constant 0 : i32
        %dma_start3A_113 = tpu.memref_slice %arg2[%add3A_109, %dma_start3A_112] : memref<65536x512xf32, #tpu.memory_space<hbm>> -> memref<32x512xf32, #tpu.memory_space<hbm>>
        tpu.enqueue_dma source(%dma_start3A_113 : memref<32x512xf32, #tpu.memory_space<hbm>>) target(%arg5 : memref<32x512xf32, #tpu.memory_space<vmem>>) target_semaphore(%arg11 : memref<!tpu.dma_semaphore, #tpu.memory_space<semaphore_mem>>)
        %dma_start3A_114 = arith.constant 0 : i32
        %dma_start3A_115 = tpu.memref_slice %arg3[%add3A_109, %dma_start3A_114] : memref<65536x512xf32, #tpu.memory_space<hbm>> -> memref<32x512xf32, #tpu.memory_space<hbm>>
        %dma_start3A_116 = arith.constant 0 : i32
        %dma_start3A_117 = tpu.memref_slice %arg3[%add3A_109, %dma_start3A_116] : memref<65536x512xf32, #tpu.memory_space<hbm>> -> memref<32x512xf32, #tpu.memory_space<hbm>>
        tpu.enqueue_dma source(%dma_start3A_117 : memref<32x512xf32, #tpu.memory_space<hbm>>) target(%arg7 : memref<32x512xf32, #tpu.memory_space<vmem>>) target_semaphore(%arg13 : memref<!tpu.dma_semaphore, #tpu.memory_space<semaphore_mem>>)
      } else {
      }
      %dma_wait3A_80 = arith.constant 0 : i32
      %dma_wait3A_81 = arith.constant 0 : i32
      %dma_wait3A_82 = tpu.memref_slice %arg2[%dma_wait3A_80, %dma_wait3A_81] : memref<65536x512xf32, #tpu.memory_space<hbm>> -> memref<32x512xf32, #tpu.memory_space<hbm>>
      %dma_wait3A_83 = arith.constant 0 : i32
      %dma_wait3A_84 = arith.constant 0 : i32
      %dma_wait3A_85 = tpu.memref_slice %arg2[%dma_wait3A_83, %dma_wait3A_84] : memref<65536x512xf32, #tpu.memory_space<hbm>> -> memref<32x512xf32, #tpu.memory_space<hbm>>
      tpu.wait_dma2 semaphore(%arg12 : memref<!tpu.dma_semaphore, #tpu.memory_space<semaphore_mem>>) src(%dma_wait3A_85 : memref<32x512xf32, #tpu.memory_space<hbm>>) dst(%arg6 : memref<32x512xf32, #tpu.memory_space<vmem>>)
      %dma_wait3A_86 = arith.constant 0 : i32
      %dma_wait3A_87 = arith.constant 0 : i32
      %dma_wait3A_88 = tpu.memref_slice %arg3[%dma_wait3A_86, %dma_wait3A_87] : memref<65536x512xf32, #tpu.memory_space<hbm>> -> memref<32x512xf32, #tpu.memory_space<hbm>>
      %dma_wait3A_89 = arith.constant 0 : i32
      %dma_wait3A_90 = arith.constant 0 : i32
      %dma_wait3A_91 = tpu.memref_slice %arg3[%dma_wait3A_89, %dma_wait3A_90] : memref<65536x512xf32, #tpu.memory_space<hbm>> -> memref<32x512xf32, #tpu.memory_space<hbm>>
      tpu.wait_dma2 semaphore(%arg14 : memref<!tpu.dma_semaphore, #tpu.memory_space<semaphore_mem>>) src(%dma_wait3A_91 : memref<32x512xf32, #tpu.memory_space<hbm>>) dst(%arg8 : memref<32x512xf32, #tpu.memory_space<vmem>>)
      %gt3A_92 = arith.constant 0 : i32
      %gt3A_93 = arith.cmpi sgt, %scan3A_35, %gt3A_92 : i32
      %convert_element_type3A_94 = arith.extui %gt3A_93 : i1 to i32
      %cond3A_95 = arith.constant 0 : i32
      %cond3A_96 = arith.cmpi ne, %convert_element_type3A_94, %cond3A_95 : i32
      scf.if %cond3A_96 {
        %dma_wait3A_107 = arith.constant 0 : i32
        %dma_wait3A_108 = arith.constant 0 : i32
        %dma_wait3A_109 = tpu.memref_slice %arg4[%dma_wait3A_107, %dma_wait3A_108] : memref<65536x512xf32, #tpu.memory_space<hbm>> -> memref<32x512xf32, #tpu.memory_space<hbm>>
        %dma_wait3A_110 = arith.constant 0 : i32
        %dma_wait3A_111 = arith.constant 0 : i32
        %dma_wait3A_112 = tpu.memref_slice %arg4[%dma_wait3A_110, %dma_wait3A_111] : memref<65536x512xf32, #tpu.memory_space<hbm>> -> memref<32x512xf32, #tpu.memory_space<hbm>>
        tpu.wait_dma2 semaphore(%arg16 : memref<!tpu.dma_semaphore, #tpu.memory_space<semaphore_mem>>) src(%arg10 : memref<32x512xf32, #tpu.memory_space<vmem>>) dst(%dma_wait3A_112 : memref<32x512xf32, #tpu.memory_space<hbm>>)
      } else {
      }
      %parallel_loop3A_97 = arith.constant 0 : i32
      %parallel_loop3A_98 = arith.constant 32 : i32
      %parallel_loop3A_99 = arith.constant 1 : i32
      scf.for %parallel_loop3A_107 = %parallel_loop3A_97 to %parallel_loop3A_98 step %parallel_loop3A_99  : i32 {
        %parallel_loop3A_108 = arith.constant 0.000000e+00 : f32
        %parallel_loop3A_109 = vector.broadcast %parallel_loop3A_108 : f32 to vector<16xf32>
        %parallel_loop3A_110 = arith.index_cast %parallel_loop3A_107 : i32 to index
        %parallel_loop3A_111 = arith.constant 0 : index
        %parallel_loop3A_112 = tpu.vector_load %arg6[%parallel_loop3A_110, %parallel_loop3A_111] {strides = array<i32>} : memref<32x512xf32, #tpu.memory_space<vmem>>, vector<16xf32>,
        %parallel_loop3A_113 = arith.index_cast %parallel_loop3A_107 : i32 to index
        %parallel_loop3A_114 = arith.constant 0 : index
        %parallel_loop3A_115 = tpu.vector_load %arg8[%parallel_loop3A_113, %parallel_loop3A_114] {strides = array<i32>} : memref<32x512xf32, #tpu.memory_space<vmem>>, vector<16xf32>,
        %parallel_loop3A_116 = arith.mulf %parallel_loop3A_112, %parallel_loop3A_115 : vector<16xf32>
        %parallel_loop3A_117 = arith.constant true
        %parallel_loop3A_118 = vector.broadcast %parallel_loop3A_117 : i1 to vector<16xi1>
        %parallel_loop3A_119 = tpu.scan <sum>, %parallel_loop3A_116 masked %parallel_loop3A_118 : vector<16xf32>, vector<16xi1> -> vector<16xf32>
        %parallel_loop3A_120 = arith.addf %parallel_loop3A_119, %parallel_loop3A_109 : vector<16xf32>
        %parallel_loop3A_121 = arith.index_cast %parallel_loop3A_107 : i32 to index
        %parallel_loop3A_122 = arith.constant 0 : index
        %parallel_loop3A_123 = tpu.vector_load %arg10[%parallel_loop3A_121, %parallel_loop3A_122] {strides = array<i32>} : memref<32x512xf32, #tpu.memory_space<vmem>>, vector<16xf32>,
        tpu.vector_store %arg10[%parallel_loop3A_121, %parallel_loop3A_122], %parallel_loop3A_120 {strides = array<i32>} : memref<32x512xf32, #tpu.memory_space<vmem>>, vector<16xf32>,
        %parallel_loop3A_124 = arith.constant true
        %parallel_loop3A_125 = vector.broadcast %parallel_loop3A_124 : i1 to vector<16xi1>
        %parallel_loop3A_126 = tpu.scan <sum>, %parallel_loop3A_116 masked %parallel_loop3A_125 : vector<16xf32>, vector<16xi1> -> vector<16xf32>
        %parallel_loop3A_127 = vector.extract %parallel_loop3A_126[15] : f32 from vector<16xf32>
        %parallel_loop3A_128 = vector.broadcast %parallel_loop3A_127 : f32 to vector<16xf32>
        %parallel_loop3A_129 = arith.addf %parallel_loop3A_109, %parallel_loop3A_128 : vector<16xf32>
        %parallel_loop3A_130 = arith.index_cast %parallel_loop3A_107 : i32 to index
        %parallel_loop3A_131 = arith.constant 16 : index
        %parallel_loop3A_132 = tpu.vector_load %arg6[%parallel_loop3A_130, %parallel_loop3A_131] {strides = array<i32>} : memref<32x512xf32, #tpu.memory_space<vmem>>, vector<16xf32>,
        %parallel_loop3A_133 = arith.index_cast %parallel_loop3A_107 : i32 to index
        %parallel_loop3A_134 = arith.constant 16 : index
        %parallel_loop3A_135 = tpu.vector_load %arg8[%parallel_loop3A_133, %parallel_loop3A_134] {strides = array<i32>} : memref<32x512xf32, #tpu.memory_space<vmem>>, vector<16xf32>,
        %parallel_loop3A_136 = arith.mulf %parallel_loop3A_132, %parallel_loop3A_135 : vector<16xf32>
        %parallel_loop3A_137 = arith.constant true
        %parallel_loop3A_138 = vector.broadcast %parallel_loop3A_137 : i1 to vector<16xi1>
        %parallel_loop3A_139 = tpu.scan <sum>, %parallel_loop3A_136 masked %parallel_loop3A_138 : vector<16xf32>, vector<16xi1> -> vector<16xf32>
        %parallel_loop3A_140 = arith.addf %parallel_loop3A_139, %parallel_loop3A_129 : vector<16xf32>
        %parallel_loop3A_141 = arith.index_cast %parallel_loop3A_107 : i32 to index
        %parallel_loop3A_142 = arith.constant 16 : index
        %parallel_loop3A_143 = tpu.vector_load %arg10[%parallel_loop3A_141, %parallel_loop3A_142] {strides = array<i32>} : memref<32x512xf32, #tpu.memory_space<vmem>>, vector<16xf32>,
        tpu.vector_store %arg10[%parallel_loop3A_141, %parallel_loop3A_142], %parallel_loop3A_140 {strides = array<i32>} : memref<32x512xf32, #tpu.memory_space<vmem>>, vector<16xf32>,
        %parallel_loop3A_144 = arith.constant true
        %parallel_loop3A_145 = vector.broadcast %parallel_loop3A_144 : i1 to vector<16xi1>
        %parallel_loop3A_146 = tpu.scan <sum>, %parallel_loop3A_136 masked %parallel_loop3A_145 : vector<16xf32>, vector<16xi1> -> vector<16xf32>
        %parallel_loop3A_147 = vector.extract %parallel_loop3A_146[15] : f32 from vector<16xf32>
        %parallel_loop3A_148 = vector.broadcast %parallel_loop3A_147 : f32 to vector<16xf32>
        %parallel_loop3A_149 = arith.addf %parallel_loop3A_129, %parallel_loop3A_148 : vector<16xf32>
        %parallel_loop3A_150 = arith.index_cast %parallel_loop3A_107 : i32 to index
        %parallel_loop3A_151 = arith.constant 32 : index
        %parallel_loop3A_152 = tpu.vector_load %arg6[%parallel_loop3A_150, %parallel_loop3A_151] {strides = array<i32>} : memref<32x512xf32, #tpu.memory_space<vmem>>, vector<16xf32>,
        %parallel_loop3A_153 = arith.index_cast %parallel_loop3A_107 : i32 to index
        %parallel_loop3A_154 = arith.constant 32 : index
        %parallel_loop3A_155 = tpu.vector_load %arg8[%parallel_loop3A_153, %parallel_loop3A_154] {strides = array<i32>} : memref<32x512xf32, #tpu.memory_space<vmem>>, vector<16xf32>,
        %parallel_loop3A_156 = arith.mulf %parallel_loop3A_152, %parallel_loop3A_155 : vector<16xf32>
        %parallel_loop3A_157 = arith.constant true
        %parallel_loop3A_158 = vector.broadcast %parallel_loop3A_157 : i1 to vector<16xi1>
        %parallel_loop3A_159 = tpu.scan <sum>, %parallel_loop3A_156 masked %parallel_loop3A_158 : vector<16xf32>, vector<16xi1> -> vector<16xf32>
        %parallel_loop3A_160 = arith.addf %parallel_loop3A_159, %parallel_loop3A_149 : vector<16xf32>
        %parallel_loop3A_161 = arith.index_cast %parallel_loop3A_107 : i32 to index
        %parallel_loop3A_162 = arith.constant 32 : index
        %parallel_loop3A_163 = tpu.vector_load %arg10[%parallel_loop3A_161, %parallel_loop3A_162] {strides = array<i32>} : memref<32x512xf32, #tpu.memory_space<vmem>>, vector<16xf32>,
        tpu.vector_store %arg10[%parallel_loop3A_161, %parallel_loop3A_162], %parallel_loop3A_160 {strides = array<i32>} : memref<32x512xf32, #tpu.memory_space<vmem>>, vector<16xf32>,
        %parallel_loop3A_164 = arith.constant true
        %parallel_loop3A_165 = vector.broadcast %parallel_loop3A_164 : i1 to vector<16xi1>
        %parallel_loop3A_166 = tpu.scan <sum>, %parallel_loop3A_156 masked %parallel_loop3A_165 : vector<16xf32>, vector<16xi1> -> vector<16xf32>
        %parallel_loop3A_167 = vector.extract %parallel_loop3A_166[15] : f32 from vector<16xf32>
        %parallel_loop3A_168 = vector.broadcast %parallel_loop3A_167 : f32 to vector<16xf32>
        %parallel_loop3A_169 = arith.addf %parallel_loop3A_149, %parallel_loop3A_168 : vector<16xf32>
        %parallel_loop3A_170 = arith.index_cast %parallel_loop3A_107 : i32 to index
        %parallel_loop3A_171 = arith.constant 48 : index
        %parallel_loop3A_172 = tpu.vector_load %arg6[%parallel_loop3A_170, %parallel_loop3A_171] {strides = array<i32>} : memref<32x512xf32, #tpu.memory_space<vmem>>, vector<16xf32>,
        %parallel_loop3A_173 = arith.index_cast %parallel_loop3A_107 : i32 to index
        %parallel_loop3A_174 = arith.constant 48 : index
        %parallel_loop3A_175 = tpu.vector_load %arg8[%parallel_loop3A_173, %parallel_loop3A_174] {strides = array<i32>} : memref<32x512xf32, #tpu.memory_space<vmem>>, vector<16xf32>,
        %parallel_loop3A_176 = arith.mulf %parallel_loop3A_172, %parallel_loop3A_175 : vector<16xf32>
        %parallel_loop3A_177 = arith.constant true
        %parallel_loop3A_178 = vector.broadcast %parallel_loop3A_177 : i1 to vector<16xi1>
        %parallel_loop3A_179 = tpu.scan <sum>, %parallel_loop3A_176 masked %parallel_loop3A_178 : vector<16xf32>, vector<16xi1> -> vector<16xf32>
        %parallel_loop3A_180 = arith.addf %parallel_loop3A_179, %parallel_loop3A_169 : vector<16xf32>
        %parallel_loop3A_181 = arith.index_cast %parallel_loop3A_107 : i32 to index
        %parallel_loop3A_182 = arith.constant 48 : index
        %parallel_loop3A_183 = tpu.vector_load %arg10[%parallel_loop3A_181, %parallel_loop3A_182] {strides = array<i32>} : memref<32x512xf32, #tpu.memory_space<vmem>>, vector<16xf32>,
        tpu.vector_store %arg10[%parallel_loop3A_181, %parallel_loop3A_182], %parallel_loop3A_180 {strides = array<i32>} : memref<32x512xf32, #tpu.memory_space<vmem>>, vector<16xf32>,
        %parallel_loop3A_184 = arith.constant true
        %parallel_loop3A_185 = vector.broadcast %parallel_loop3A_184 : i1 to vector<16xi1>
        %parallel_loop3A_186 = tpu.scan <sum>, %parallel_loop3A_176 masked %parallel_loop3A_185 : vector<16xf32>, vector<16xi1> -> vector<16xf32>
        %parallel_loop3A_187 = vector.extract %parallel_loop3A_186[15] : f32 from vector<16xf32>
        %parallel_loop3A_188 = vector.broadcast %parallel_loop3A_187 : f32 to vector<16xf32>
        %parallel_loop3A_189 = arith.addf %parallel_loop3A_169, %parallel_loop3A_188 : vector<16xf32>
        %parallel_loop3A_190 = arith.index_cast %parallel_loop3A_107 : i32 to index
        %parallel_loop3A_191 = arith.constant 64 : index
        %parallel_loop3A_192 = tpu.vector_load %arg6[%parallel_loop3A_190, %parallel_loop3A_191] {strides = array<i32>} : memref<32x512xf32, #tpu.memory_space<vmem>>, vector<16xf32>,
        %parallel_loop3A_193 = arith.index_cast %parallel_loop3A_107 : i32 to index
        %parallel_loop3A_194 = arith.constant 64 : index
        %parallel_loop3A_195 = tpu.vector_load %arg8[%parallel_loop3A_193, %parallel_loop3A_194] {strides = array<i32>} : memref<32x512xf32, #tpu.memory_space<vmem>>, vector<16xf32>,
        %parallel_loop3A_196 = arith.mulf %parallel_loop3A_192, %parallel_loop3A_195 : vector<16xf32>
        %parallel_loop3A_197 = arith.constant true
        %parallel_loop3A_198 = vector.broadcast %parallel_loop3A_197 : i1 to vector<16xi1>
        %parallel_loop3A_199 = tpu.scan <sum>, %parallel_loop3A_196 masked %parallel_loop3A_198 : vector<16xf32>, vector<16xi1> -> vector<16xf32>
        %parallel_loop3A_200 = arith.addf %parallel_loop3A_199, %parallel_loop3A_189 : vector<16xf32>
        %parallel_loop3A_201 = arith.index_cast %parallel_loop3A_107 : i32 to index
        %parallel_loop3A_202 = arith.constant 64 : index
        %parallel_loop3A_203 = tpu.vector_load %arg10[%parallel_loop3A_201, %parallel_loop3A_202] {strides = array<i32>} : memref<32x512xf32, #tpu.memory_space<vmem>>, vector<16xf32>,
        tpu.vector_store %arg10[%parallel_loop3A_201, %parallel_loop3A_202], %parallel_loop3A_200 {strides = array<i32>} : memref<32x512xf32, #tpu.memory_space<vmem>>, vector<16xf32>,
        %parallel_loop3A_204 = arith.constant true
        %parallel_loop3A_205 = vector.broadcast %parallel_loop3A_204 : i1 to vector<16xi1>
        %parallel_loop3A_206 = tpu.scan <sum>, %parallel_loop3A_196 masked %parallel_loop3A_205 : vector<16xf32>, vector<16xi1> -> vector<16xf32>
        %parallel_loop3A_207 = vector.extract %parallel_loop3A_206[15] : f32 from vector<16xf32>
        %parallel_loop3A_208 = vector.broadcast %parallel_loop3A_207 : f32 to vector<16xf32>
        %parallel_loop3A_209 = arith.addf %parallel_loop3A_189, %parallel_loop3A_208 : vector<16xf32>
        %parallel_loop3A_210 = arith.index_cast %parallel_loop3A_107 : i32 to index
        %parallel_loop3A_211 = arith.constant 80 : index
        %parallel_loop3A_212 = tpu.vector_load %arg6[%parallel_loop3A_210, %parallel_loop3A_211] {strides = array<i32>} : memref<32x512xf32, #tpu.memory_space<vmem>>, vector<16xf32>,
        %parallel_loop3A_213 = arith.index_cast %parallel_loop3A_107 : i32 to index
        %parallel_loop3A_214 = arith.constant 80 : index
        %parallel_loop3A_215 = tpu.vector_load %arg8[%parallel_loop3A_213, %parallel_loop3A_214] {strides = array<i32>} : memref<32x512xf32, #tpu.memory_space<vmem>>, vector<16xf32>,
        %parallel_loop3A_216 = arith.mulf %parallel_loop3A_212, %parallel_loop3A_215 : vector<16xf32>
        %parallel_loop3A_217 = arith.constant true
        %parallel_loop3A_218 = vector.broadcast %parallel_loop3A_217 : i1 to vector<16xi1>
        %parallel_loop3A_219 = tpu.scan <sum>, %parallel_loop3A_216 masked %parallel_loop3A_218 : vector<16xf32>, vector<16xi1> -> vector<16xf32>
        %parallel_loop3A_220 = arith.addf %parallel_loop3A_219, %parallel_loop3A_209 : vector<16xf32>
        %parallel_loop3A_221 = arith.index_cast %parallel_loop3A_107 : i32 to index
        %parallel_loop3A_222 = arith.constant 80 : index
        %parallel_loop3A_223 = tpu.vector_load %arg10[%parallel_loop3A_221, %parallel_loop3A_222] {strides = array<i32>} : memref<32x512xf32, #tpu.memory_space<vmem>>, vector<16xf32>,
        tpu.vector_store %arg10[%parallel_loop3A_221, %parallel_loop3A_222], %parallel_loop3A_220 {strides = array<i32>} : memref<32x512xf32, #tpu.memory_space<vmem>>, vector<16xf32>,
        %parallel_loop3A_224 = arith.constant true
        %parallel_loop3A_225 = vector.broadcast %parallel_loop3A_224 : i1 to vector<16xi1>
        %parallel_loop3A_226 = tpu.scan <sum>, %parallel_loop3A_216 masked %parallel_loop3A_225 : vector<16xf32>, vector<16xi1> -> vector<16xf32>
        %parallel_loop3A_227 = vector.extract %parallel_loop3A_226[15] : f32 from vector<16xf32>
        %parallel_loop3A_228 = vector.broadcast %parallel_loop3A_227 : f32 to vector<16xf32>
        %parallel_loop3A_229 = arith.addf %parallel_loop3A_209, %parallel_loop3A_228 : vector<16xf32>
        %parallel_loop3A_230 = arith.index_cast %parallel_loop3A_107 : i32 to index
        %parallel_loop3A_231 = arith.constant 96 : index
        %parallel_loop3A_232 = tpu.vector_load %arg6[%parallel_loop3A_230, %parallel_loop3A_231] {strides = array<i32>} : memref<32x512xf32, #tpu.memory_space<vmem>>, vector<16xf32>,
        %parallel_loop3A_233 = arith.index_cast %parallel_loop3A_107 : i32 to index
        %parallel_loop3A_234 = arith.constant 96 : index
        %parallel_loop3A_235 = tpu.vector_load %arg8[%parallel_loop3A_233, %parallel_loop3A_234] {strides = array<i32>} : memref<32x512xf32, #tpu.memory_space<vmem>>, vector<16xf32>,
        %parallel_loop3A_236 = arith.mulf %parallel_loop3A_232, %parallel_loop3A_235 : vector<16xf32>
        %parallel_loop3A_237 = arith.constant true
        %parallel_loop3A_238 = vector.broadcast %parallel_loop3A_237 : i1 to vector<16xi1>
        %parallel_loop3A_239 = tpu.scan <sum>, %parallel_loop3A_236 masked %parallel_loop3A_238 : vector<16xf32>, vector<16xi1> -> vector<16xf32>
        %parallel_loop3A_240 = arith.addf %parallel_loop3A_239, %parallel_loop3A_229 : vector<16xf32>
        %parallel_loop3A_241 = arith.index_cast %parallel_loop3A_107 : i32 to index
        %parallel_loop3A_242 = arith.constant 96 : index
        %parallel_loop3A_243 = tpu.vector_load %arg10[%parallel_loop3A_241, %parallel_loop3A_242] {strides = array<i32>} : memref<32x512xf32, #tpu.memory_space<vmem>>, vector<16xf32>,
        tpu.vector_store %arg10[%parallel_loop3A_241, %parallel_loop3A_242], %parallel_loop3A_240 {strides = array<i32>} : memref<32x512xf32, #tpu.memory_space<vmem>>, vector<16xf32>,
        %parallel_loop3A_244 = arith.constant true
        %parallel_loop3A_245 = vector.broadcast %parallel_loop3A_244 : i1 to vector<16xi1>
        %parallel_loop3A_246 = tpu.scan <sum>, %parallel_loop3A_236 masked %parallel_loop3A_245 : vector<16xf32>, vector<16xi1> -> vector<16xf32>
        %parallel_loop3A_247 = vector.extract %parallel_loop3A_246[15] : f32 from vector<16xf32>
        %parallel_loop3A_248 = vector.broadcast %parallel_loop3A_247 : f32 to vector<16xf32>
        %parallel_loop3A_249 = arith.addf %parallel_loop3A_229, %parallel_loop3A_248 : vector<16xf32>
        %parallel_loop3A_250 = arith.index_cast %parallel_loop3A_107 : i32 to index
        %parallel_loop3A_251 = arith.constant 112 : index
        %parallel_loop3A_252 = tpu.vector_load %arg6[%parallel_loop3A_250, %parallel_loop3A_251] {strides = array<i32>} : memref<32x512xf32, #tpu.memory_space<vmem>>, vector<16xf32>,
        %parallel_loop3A_253 = arith.index_cast %parallel_loop3A_107 : i32 to index
        %parallel_loop3A_254 = arith.constant 112 : index
        %parallel_loop3A_255 = tpu.vector_load %arg8[%parallel_loop3A_253, %parallel_loop3A_254] {strides = array<i32>} : memref<32x512xf32, #tpu.memory_space<vmem>>, vector<16xf32>,
        %parallel_loop3A_256 = arith.mulf %parallel_loop3A_252, %parallel_loop3A_255 : vector<16xf32>
        %parallel_loop3A_257 = arith.constant true
        %parallel_loop3A_258 = vector.broadcast %parallel_loop3A_257 : i1 to vector<16xi1>
        %parallel_loop3A_259 = tpu.scan <sum>, %parallel_loop3A_256 masked %parallel_loop3A_258 : vector<16xf32>, vector<16xi1> -> vector<16xf32>
        %parallel_loop3A_260 = arith.addf %parallel_loop3A_259, %parallel_loop3A_249 : vector<16xf32>
        %parallel_loop3A_261 = arith.index_cast %parallel_loop3A_107 : i32 to index
        %parallel_loop3A_262 = arith.constant 112 : index
        %parallel_loop3A_263 = tpu.vector_load %arg10[%parallel_loop3A_261, %parallel_loop3A_262] {strides = array<i32>} : memref<32x512xf32, #tpu.memory_space<vmem>>, vector<16xf32>,
        tpu.vector_store %arg10[%parallel_loop3A_261, %parallel_loop3A_262], %parallel_loop3A_260 {strides = array<i32>} : memref<32x512xf32, #tpu.memory_space<vmem>>, vector<16xf32>,
        %parallel_loop3A_264 = arith.constant true
        %parallel_loop3A_265 = vector.broadcast %parallel_loop3A_264 : i1 to vector<16xi1>
        %parallel_loop3A_266 = tpu.scan <sum>, %parallel_loop3A_256 masked %parallel_loop3A_265 : vector<16xf32>, vector<16xi1> -> vector<16xf32>
        %parallel_loop3A_267 = vector.extract %parallel_loop3A_266[15] : f32 from vector<16xf32>
        %parallel_loop3A_268 = vector.broadcast %parallel_loop3A_267 : f32 to vector<16xf32>
        %parallel_loop3A_269 = arith.addf %parallel_loop3A_249, %parallel_loop3A_268 : vector<16xf32>
        %parallel_loop3A_270 = arith.index_cast %parallel_loop3A_107 : i32 to index
        %parallel_loop3A_271 = arith.constant 128 : index
        %parallel_loop3A_272 = tpu.vector_load %arg6[%parallel_loop3A_270, %parallel_loop3A_271] {strides = array<i32>} : memref<32x512xf32, #tpu.memory_space<vmem>>, vector<16xf32>,
        %parallel_loop3A_273 = arith.index_cast %parallel_loop3A_107 : i32 to index
        %parallel_loop3A_274 = arith.constant 128 : index
        %parallel_loop3A_275 = tpu.vector_load %arg8[%parallel_loop3A_273, %parallel_loop3A_274] {strides = array<i32>} : memref<32x512xf32, #tpu.memory_space<vmem>>, vector<16xf32>,
        %parallel_loop3A_276 = arith.mulf %parallel_loop3A_272, %parallel_loop3A_275 : vector<16xf32>
        %parallel_loop3A_277 = arith.constant true
        %parallel_loop3A_278 = vector.broadcast %parallel_loop3A_277 : i1 to vector<16xi1>
        %parallel_loop3A_279 = tpu.scan <sum>, %parallel_loop3A_276 masked %parallel_loop3A_278 : vector<16xf32>, vector<16xi1> -> vector<16xf32>
        %parallel_loop3A_280 = arith.addf %parallel_loop3A_279, %parallel_loop3A_269 : vector<16xf32>
        %parallel_loop3A_281 = arith.index_cast %parallel_loop3A_107 : i32 to index
        %parallel_loop3A_282 = arith.constant 128 : index
        %parallel_loop3A_283 = tpu.vector_load %arg10[%parallel_loop3A_281, %parallel_loop3A_282] {strides = array<i32>} : memref<32x512xf32, #tpu.memory_space<vmem>>, vector<16xf32>,
        tpu.vector_store %arg10[%parallel_loop3A_281, %parallel_loop3A_282], %parallel_loop3A_280 {strides = array<i32>} : memref<32x512xf32, #tpu.memory_space<vmem>>, vector<16xf32>,
        %parallel_loop3A_284 = arith.constant true
        %parallel_loop3A_285 = vector.broadcast %parallel_loop3A_284 : i1 to vector<16xi1>
        %parallel_loop3A_286 = tpu.scan <sum>, %parallel_loop3A_276 masked %parallel_loop3A_285 : vector<16xf32>, vector<16xi1> -> vector<16xf32>
        %parallel_loop3A_287 = vector.extract %parallel_loop3A_286[15] : f32 from vector<16xf32>
        %parallel_loop3A_288 = vector.broadcast %parallel_loop3A_287 : f32 to vector<16xf32>
        %parallel_loop3A_289 = arith.addf %parallel_loop3A_269, %parallel_loop3A_288 : vector<16xf32>
        %parallel_loop3A_290 = arith.index_cast %parallel_loop3A_107 : i32 to index
        %parallel_loop3A_291 = arith.constant 144 : index
        %parallel_loop3A_292 = tpu.vector_load %arg6[%parallel_loop3A_290, %parallel_loop3A_291] {strides = array<i32>} : memref<32x512xf32, #tpu.memory_space<vmem>>, vector<16xf32>,
        %parallel_loop3A_293 = arith.index_cast %parallel_loop3A_107 : i32 to index
        %parallel_loop3A_294 = arith.constant 144 : index
        %parallel_loop3A_295 = tpu.vector_load %arg8[%parallel_loop3A_293, %parallel_loop3A_294] {strides = array<i32>} : memref<32x512xf32, #tpu.memory_space<vmem>>, vector<16xf32>,
        %parallel_loop3A_296 = arith.mulf %parallel_loop3A_292, %parallel_loop3A_295 : vector<16xf32>
        %parallel_loop3A_297 = arith.constant true
        %parallel_loop3A_298 = vector.broadcast %parallel_loop3A_297 : i1 to vector<16xi1>
        %parallel_loop3A_299 = tpu.scan <sum>, %parallel_loop3A_296 masked %parallel_loop3A_298 : vector<16xf32>, vector<16xi1> -> vector<16xf32>
        %parallel_loop3A_300 = arith.addf %parallel_loop3A_299, %parallel_loop3A_289 : vector<16xf32>
        %parallel_loop3A_301 = arith.index_cast %parallel_loop3A_107 : i32 to index
        %parallel_loop3A_302 = arith.constant 144 : index
        %parallel_loop3A_303 = tpu.vector_load %arg10[%parallel_loop3A_301, %parallel_loop3A_302] {strides = array<i32>} : memref<32x512xf32, #tpu.memory_space<vmem>>, vector<16xf32>,
        tpu.vector_store %arg10[%parallel_loop3A_301, %parallel_loop3A_302], %parallel_loop3A_300 {strides = array<i32>} : memref<32x512xf32, #tpu.memory_space<vmem>>, vector<16xf32>,
        %parallel_loop3A_304 = arith.constant true
        %parallel_loop3A_305 = vector.broadcast %parallel_loop3A_304 : i1 to vector<16xi1>
        %parallel_loop3A_306 = tpu.scan <sum>, %parallel_loop3A_296 masked %parallel_loop3A_305 : vector<16xf32>, vector<16xi1> -> vector<16xf32>
        %parallel_loop3A_307 = vector.extract %parallel_loop3A_306[15] : f32 from vector<16xf32>
        %parallel_loop3A_308 = vector.broadcast %parallel_loop3A_307 : f32 to vector<16xf32>
        %parallel_loop3A_309 = arith.addf %parallel_loop3A_289, %parallel_loop3A_308 : vector<16xf32>
        %parallel_loop3A_310 = arith.index_cast %parallel_loop3A_107 : i32 to index
        %parallel_loop3A_311 = arith.constant 160 : index
        %parallel_loop3A_312 = tpu.vector_load %arg6[%parallel_loop3A_310, %parallel_loop3A_311] {strides = array<i32>} : memref<32x512xf32, #tpu.memory_space<vmem>>, vector<16xf32>,
        %parallel_loop3A_313 = arith.index_cast %parallel_loop3A_107 : i32 to index
        %parallel_loop3A_314 = arith.constant 160 : index
        %parallel_loop3A_315 = tpu.vector_load %arg8[%parallel_loop3A_313, %parallel_loop3A_314] {strides = array<i32>} : memref<32x512xf32, #tpu.memory_space<vmem>>, vector<16xf32>,
        %parallel_loop3A_316 = arith.mulf %parallel_loop3A_312, %parallel_loop3A_315 : vector<16xf32>
        %parallel_loop3A_317 = arith.constant true
        %parallel_loop3A_318 = vector.broadcast %parallel_loop3A_317 : i1 to vector<16xi1>
        %parallel_loop3A_319 = tpu.scan <sum>, %parallel_loop3A_316 masked %parallel_loop3A_318 : vector<16xf32>, vector<16xi1> -> vector<16xf32>
        %parallel_loop3A_320 = arith.addf %parallel_loop3A_319, %parallel_loop3A_309 : vector<16xf32>
        %parallel_loop3A_321 = arith.index_cast %parallel_loop3A_107 : i32 to index
        %parallel_loop3A_322 = arith.constant 160 : index
        %parallel_loop3A_323 = tpu.vector_load %arg10[%parallel_loop3A_321, %parallel_loop3A_322] {strides = array<i32>} : memref<32x512xf32, #tpu.memory_space<vmem>>, vector<16xf32>,
        tpu.vector_store %arg10[%parallel_loop3A_321, %parallel_loop3A_322], %parallel_loop3A_320 {strides = array<i32>} : memref<32x512xf32, #tpu.memory_space<vmem>>, vector<16xf32>,
        %parallel_loop3A_324 = arith.constant true
        %parallel_loop3A_325 = vector.broadcast %parallel_loop3A_324 : i1 to vector<16xi1>
        %parallel_loop3A_326 = tpu.scan <sum>, %parallel_loop3A_316 masked %parallel_loop3A_325 : vector<16xf32>, vector<16xi1> -> vector<16xf32>
        %parallel_loop3A_327 = vector.extract %parallel_loop3A_326[15] : f32 from vector<16xf32>
        %parallel_loop3A_328 = vector.broadcast %parallel_loop3A_327 : f32 to vector<16xf32>
        %parallel_loop3A_329 = arith.addf %parallel_loop3A_309, %parallel_loop3A_328 : vector<16xf32>
        %parallel_loop3A_330 = arith.index_cast %parallel_loop3A_107 : i32 to index
        %parallel_loop3A_331 = arith.constant 176 : index
        %parallel_loop3A_332 = tpu.vector_load %arg6[%parallel_loop3A_330, %parallel_loop3A_331] {strides = array<i32>} : memref<32x512xf32, #tpu.memory_space<vmem>>, vector<16xf32>,
        %parallel_loop3A_333 = arith.index_cast %parallel_loop3A_107 : i32 to index
        %parallel_loop3A_334 = arith.constant 176 : index
        %parallel_loop3A_335 = tpu.vector_load %arg8[%parallel_loop3A_333, %parallel_loop3A_334] {strides = array<i32>} : memref<32x512xf32, #tpu.memory_space<vmem>>, vector<16xf32>,
        %parallel_loop3A_336 = arith.mulf %parallel_loop3A_332, %parallel_loop3A_335 : vector<16xf32>
        %parallel_loop3A_337 = arith.constant true
        %parallel_loop3A_338 = vector.broadcast %parallel_loop3A_337 : i1 to vector<16xi1>
        %parallel_loop3A_339 = tpu.scan <sum>, %parallel_loop3A_336 masked %parallel_loop3A_338 : vector<16xf32>, vector<16xi1> -> vector<16xf32>
        %parallel_loop3A_340 = arith.addf %parallel_loop3A_339, %parallel_loop3A_329 : vector<16xf32>
        %parallel_loop3A_341 = arith.index_cast %parallel_loop3A_107 : i32 to index
        %parallel_loop3A_342 = arith.constant 176 : index
        %parallel_loop3A_343 = tpu.vector_load %arg10[%parallel_loop3A_341, %parallel_loop3A_342] {strides = array<i32>} : memref<32x512xf32, #tpu.memory_space<vmem>>, vector<16xf32>,
        tpu.vector_store %arg10[%parallel_loop3A_341, %parallel_loop3A_342], %parallel_loop3A_340 {strides = array<i32>} : memref<32x512xf32, #tpu.memory_space<vmem>>, vector<16xf32>,
        %parallel_loop3A_344 = arith.constant true
        %parallel_loop3A_345 = vector.broadcast %parallel_loop3A_344 : i1 to vector<16xi1>
        %parallel_loop3A_346 = tpu.scan <sum>, %parallel_loop3A_336 masked %parallel_loop3A_345 : vector<16xf32>, vector<16xi1> -> vector<16xf32>
        %parallel_loop3A_347 = vector.extract %parallel_loop3A_346[15] : f32 from vector<16xf32>
        %parallel_loop3A_348 = vector.broadcast %parallel_loop3A_347 : f32 to vector<16xf32>
        %parallel_loop3A_349 = arith.addf %parallel_loop3A_329, %parallel_loop3A_348 : vector<16xf32>
        %parallel_loop3A_350 = arith.index_cast %parallel_loop3A_107 : i32 to index
        %parallel_loop3A_351 = arith.constant 192 : index
        %parallel_loop3A_352 = tpu.vector_load %arg6[%parallel_loop3A_350, %parallel_loop3A_351] {strides = array<i32>} : memref<32x512xf32, #tpu.memory_space<vmem>>, vector<16xf32>,
        %parallel_loop3A_353 = arith.index_cast %parallel_loop3A_107 : i32 to index
        %parallel_loop3A_354 = arith.constant 192 : index
        %parallel_loop3A_355 = tpu.vector_load %arg8[%parallel_loop3A_353, %parallel_loop3A_354] {strides = array<i32>} : memref<32x512xf32, #tpu.memory_space<vmem>>, vector<16xf32>,
        %parallel_loop3A_356 = arith.mulf %parallel_loop3A_352, %parallel_loop3A_355 : vector<16xf32>
        %parallel_loop3A_357 = arith.constant true
        %parallel_loop3A_358 = vector.broadcast %parallel_loop3A_357 : i1 to vector<16xi1>
        %parallel_loop3A_359 = tpu.scan <sum>, %parallel_loop3A_356 masked %parallel_loop3A_358 : vector<16xf32>, vector<16xi1> -> vector<16xf32>
        %parallel_loop3A_360 = arith.addf %parallel_loop3A_359, %parallel_loop3A_349 : vector<16xf32>
        %parallel_loop3A_361 = arith.index_cast %parallel_loop3A_107 : i32 to index
        %parallel_loop3A_362 = arith.constant 192 : index
        %parallel_loop3A_363 = tpu.vector_load %arg10[%parallel_loop3A_361, %parallel_loop3A_362] {strides = array<i32>} : memref<32x512xf32, #tpu.memory_space<vmem>>, vector<16xf32>,
        tpu.vector_store %arg10[%parallel_loop3A_361, %parallel_loop3A_362], %parallel_loop3A_360 {strides = array<i32>} : memref<32x512xf32, #tpu.memory_space<vmem>>, vector<16xf32>,
        %parallel_loop3A_364 = arith.constant true
        %parallel_loop3A_365 = vector.broadcast %parallel_loop3A_364 : i1 to vector<16xi1>
        %parallel_loop3A_366 = tpu.scan <sum>, %parallel_loop3A_356 masked %parallel_loop3A_365 : vector<16xf32>, vector<16xi1> -> vector<16xf32>
        %parallel_loop3A_367 = vector.extract %parallel_loop3A_366[15] : f32 from vector<16xf32>
        %parallel_loop3A_368 = vector.broadcast %parallel_loop3A_367 : f32 to vector<16xf32>
        %parallel_loop3A_369 = arith.addf %parallel_loop3A_349, %parallel_loop3A_368 : vector<16xf32>
        %parallel_loop3A_370 = arith.index_cast %parallel_loop3A_107 : i32 to index
        %parallel_loop3A_371 = arith.constant 208 : index
        %parallel_loop3A_372 = tpu.vector_load %arg6[%parallel_loop3A_370, %parallel_loop3A_371] {strides = array<i32>} : memref<32x512xf32, #tpu.memory_space<vmem>>, vector<16xf32>,
        %parallel_loop3A_373 = arith.index_cast %parallel_loop3A_107 : i32 to index
        %parallel_loop3A_374 = arith.constant 208 : index
        %parallel_loop3A_375 = tpu.vector_load %arg8[%parallel_loop3A_373, %parallel_loop3A_374] {strides = array<i32>} : memref<32x512xf32, #tpu.memory_space<vmem>>, vector<16xf32>,
        %parallel_loop3A_376 = arith.mulf %parallel_loop3A_372, %parallel_loop3A_375 : vector<16xf32>
        %parallel_loop3A_377 = arith.constant true
        %parallel_loop3A_378 = vector.broadcast %parallel_loop3A_377 : i1 to vector<16xi1>
        %parallel_loop3A_379 = tpu.scan <sum>, %parallel_loop3A_376 masked %parallel_loop3A_378 : vector<16xf32>, vector<16xi1> -> vector<16xf32>
        %parallel_loop3A_380 = arith.addf %parallel_loop3A_379, %parallel_loop3A_369 : vector<16xf32>
        %parallel_loop3A_381 = arith.index_cast %parallel_loop3A_107 : i32 to index
        %parallel_loop3A_382 = arith.constant 208 : index
        %parallel_loop3A_383 = tpu.vector_load %arg10[%parallel_loop3A_381, %parallel_loop3A_382] {strides = array<i32>} : memref<32x512xf32, #tpu.memory_space<vmem>>, vector<16xf32>,
        tpu.vector_store %arg10[%parallel_loop3A_381, %parallel_loop3A_382], %parallel_loop3A_380 {strides = array<i32>} : memref<32x512xf32, #tpu.memory_space<vmem>>, vector<16xf32>,
        %parallel_loop3A_384 = arith.constant true
        %parallel_loop3A_385 = vector.broadcast %parallel_loop3A_384 : i1 to vector<16xi1>
        %parallel_loop3A_386 = tpu.scan <sum>, %parallel_loop3A_376 masked %parallel_loop3A_385 : vector<16xf32>, vector<16xi1> -> vector<16xf32>
        %parallel_loop3A_387 = vector.extract %parallel_loop3A_386[15] : f32 from vector<16xf32>
        %parallel_loop3A_388 = vector.broadcast %parallel_loop3A_387 : f32 to vector<16xf32>
        %parallel_loop3A_389 = arith.addf %parallel_loop3A_369, %parallel_loop3A_388 : vector<16xf32>
        %parallel_loop3A_390 = arith.index_cast %parallel_loop3A_107 : i32 to index
        %parallel_loop3A_391 = arith.constant 224 : index
        %parallel_loop3A_392 = tpu.vector_load %arg6[%parallel_loop3A_390, %parallel_loop3A_391] {strides = array<i32>} : memref<32x512xf32, #tpu.memory_space<vmem>>, vector<16xf32>,
        %parallel_loop3A_393 = arith.index_cast %parallel_loop3A_107 : i32 to index
        %parallel_loop3A_394 = arith.constant 224 : index
        %parallel_loop3A_395 = tpu.vector_load %arg8[%parallel_loop3A_393, %parallel_loop3A_394] {strides = array<i32>} : memref<32x512xf32, #tpu.memory_space<vmem>>, vector<16xf32>,
        %parallel_loop3A_396 = arith.mulf %parallel_loop3A_392, %parallel_loop3A_395 : vector<16xf32>
        %parallel_loop3A_397 = arith.constant true
        %parallel_loop3A_398 = vector.broadcast %parallel_loop3A_397 : i1 to vector<16xi1>
        %parallel_loop3A_399 = tpu.scan <sum>, %parallel_loop3A_396 masked %parallel_loop3A_398 : vector<16xf32>, vector<16xi1> -> vector<16xf32>
        %parallel_loop3A_400 = arith.addf %parallel_loop3A_399, %parallel_loop3A_389 : vector<16xf32>
        %parallel_loop3A_401 = arith.index_cast %parallel_loop3A_107 : i32 to index
        %parallel_loop3A_402 = arith.constant 224 : index
        %parallel_loop3A_403 = tpu.vector_load %arg10[%parallel_loop3A_401, %parallel_loop3A_402] {strides = array<i32>} : memref<32x512xf32, #tpu.memory_space<vmem>>, vector<16xf32>,
        tpu.vector_store %arg10[%parallel_loop3A_401, %parallel_loop3A_402], %parallel_loop3A_400 {strides = array<i32>} : memref<32x512xf32, #tpu.memory_space<vmem>>, vector<16xf32>,
        %parallel_loop3A_404 = arith.constant true
        %parallel_loop3A_405 = vector.broadcast %parallel_loop3A_404 : i1 to vector<16xi1>
        %parallel_loop3A_406 = tpu.scan <sum>, %parallel_loop3A_396 masked %parallel_loop3A_405 : vector<16xf32>, vector<16xi1> -> vector<16xf32>
        %parallel_loop3A_407 = vector.extract %parallel_loop3A_406[15] : f32 from vector<16xf32>
        %parallel_loop3A_408 = vector.broadcast %parallel_loop3A_407 : f32 to vector<16xf32>
        %parallel_loop3A_409 = arith.addf %parallel_loop3A_389, %parallel_loop3A_408 : vector<16xf32>
        %parallel_loop3A_410 = arith.index_cast %parallel_loop3A_107 : i32 to index
        %parallel_loop3A_411 = arith.constant 240 : index
        %parallel_loop3A_412 = tpu.vector_load %arg6[%parallel_loop3A_410, %parallel_loop3A_411] {strides = array<i32>} : memref<32x512xf32, #tpu.memory_space<vmem>>, vector<16xf32>,
        %parallel_loop3A_413 = arith.index_cast %parallel_loop3A_107 : i32 to index
        %parallel_loop3A_414 = arith.constant 240 : index
        %parallel_loop3A_415 = tpu.vector_load %arg8[%parallel_loop3A_413, %parallel_loop3A_414] {strides = array<i32>} : memref<32x512xf32, #tpu.memory_space<vmem>>, vector<16xf32>,
        %parallel_loop3A_416 = arith.mulf %parallel_loop3A_412, %parallel_loop3A_415 : vector<16xf32>
        %parallel_loop3A_417 = arith.constant true
        %parallel_loop3A_418 = vector.broadcast %parallel_loop3A_417 : i1 to vector<16xi1>
        %parallel_loop3A_419 = tpu.scan <sum>, %parallel_loop3A_416 masked %parallel_loop3A_418 : vector<16xf32>, vector<16xi1> -> vector<16xf32>
        %parallel_loop3A_420 = arith.addf %parallel_loop3A_419, %parallel_loop3A_409 : vector<16xf32>
        %parallel_loop3A_421 = arith.index_cast %parallel_loop3A_107 : i32 to index
        %parallel_loop3A_422 = arith.constant 240 : index
        %parallel_loop3A_423 = tpu.vector_load %arg10[%parallel_loop3A_421, %parallel_loop3A_422] {strides = array<i32>} : memref<32x512xf32, #tpu.memory_space<vmem>>, vector<16xf32>,
        tpu.vector_store %arg10[%parallel_loop3A_421, %parallel_loop3A_422], %parallel_loop3A_420 {strides = array<i32>} : memref<32x512xf32, #tpu.memory_space<vmem>>, vector<16xf32>,
        %parallel_loop3A_424 = arith.constant true
        %parallel_loop3A_425 = vector.broadcast %parallel_loop3A_424 : i1 to vector<16xi1>
        %parallel_loop3A_426 = tpu.scan <sum>, %parallel_loop3A_416 masked %parallel_loop3A_425 : vector<16xf32>, vector<16xi1> -> vector<16xf32>
        %parallel_loop3A_427 = vector.extract %parallel_loop3A_426[15] : f32 from vector<16xf32>
        %parallel_loop3A_428 = vector.broadcast %parallel_loop3A_427 : f32 to vector<16xf32>
        %parallel_loop3A_429 = arith.addf %parallel_loop3A_409, %parallel_loop3A_428 : vector<16xf32>
        %parallel_loop3A_430 = arith.index_cast %parallel_loop3A_107 : i32 to index
        %parallel_loop3A_431 = arith.constant 256 : index
        %parallel_loop3A_432 = tpu.vector_load %arg6[%parallel_loop3A_430, %parallel_loop3A_431] {strides = array<i32>} : memref<32x512xf32, #tpu.memory_space<vmem>>, vector<16xf32>,
        %parallel_loop3A_433 = arith.index_cast %parallel_loop3A_107 : i32 to index
        %parallel_loop3A_434 = arith.constant 256 : index
        %parallel_loop3A_435 = tpu.vector_load %arg8[%parallel_loop3A_433, %parallel_loop3A_434] {strides = array<i32>} : memref<32x512xf32, #tpu.memory_space<vmem>>, vector<16xf32>,
        %parallel_loop3A_436 = arith.mulf %parallel_loop3A_432, %parallel_loop3A_435 : vector<16xf32>
        %parallel_loop3A_437 = arith.constant true
        %parallel_loop3A_438 = vector.broadcast %parallel_loop3A_437 : i1 to vector<16xi1>
        %parallel_loop3A_439 = tpu.scan <sum>, %parallel_loop3A_436 masked %parallel_loop3A_438 : vector<16xf32>, vector<16xi1> -> vector<16xf32>
        %parallel_loop3A_440 = arith.addf %parallel_loop3A_439, %parallel_loop3A_429 : vector<16xf32>
        %parallel_loop3A_441 = arith.index_cast %parallel_loop3A_107 : i32 to index
        %parallel_loop3A_442 = arith.constant 256 : index
        %parallel_loop3A_443 = tpu.vector_load %arg10[%parallel_loop3A_441, %parallel_loop3A_442] {strides = array<i32>} : memref<32x512xf32, #tpu.memory_space<vmem>>, vector<16xf32>,
        tpu.vector_store %arg10[%parallel_loop3A_441, %parallel_loop3A_442], %parallel_loop3A_440 {strides = array<i32>} : memref<32x512xf32, #tpu.memory_space<vmem>>, vector<16xf32>,
        %parallel_loop3A_444 = arith.constant true
        %parallel_loop3A_445 = vector.broadcast %parallel_loop3A_444 : i1 to vector<16xi1>
        %parallel_loop3A_446 = tpu.scan <sum>, %parallel_loop3A_436 masked %parallel_loop3A_445 : vector<16xf32>, vector<16xi1> -> vector<16xf32>
        %parallel_loop3A_447 = vector.extract %parallel_loop3A_446[15] : f32 from vector<16xf32>
        %parallel_loop3A_448 = vector.broadcast %parallel_loop3A_447 : f32 to vector<16xf32>
        %parallel_loop3A_449 = arith.addf %parallel_loop3A_429, %parallel_loop3A_448 : vector<16xf32>
        %parallel_loop3A_450 = arith.index_cast %parallel_loop3A_107 : i32 to index
        %parallel_loop3A_451 = arith.constant 272 : index
        %parallel_loop3A_452 = tpu.vector_load %arg6[%parallel_loop3A_450, %parallel_loop3A_451] {strides = array<i32>} : memref<32x512xf32, #tpu.memory_space<vmem>>, vector<16xf32>,
        %parallel_loop3A_453 = arith.index_cast %parallel_loop3A_107 : i32 to index
        %parallel_loop3A_454 = arith.constant 272 : index
        %parallel_loop3A_455 = tpu.vector_load %arg8[%parallel_loop3A_453, %parallel_loop3A_454] {strides = array<i32>} : memref<32x512xf32, #tpu.memory_space<vmem>>, vector<16xf32>,
        %parallel_loop3A_456 = arith.mulf %parallel_loop3A_452, %parallel_loop3A_455 : vector<16xf32>
        %parallel_loop3A_457 = arith.constant true
        %parallel_loop3A_458 = vector.broadcast %parallel_loop3A_457 : i1 to vector<16xi1>
        %parallel_loop3A_459 = tpu.scan <sum>, %parallel_loop3A_456 masked %parallel_loop3A_458 : vector<16xf32>, vector<16xi1> -> vector<16xf32>
        %parallel_loop3A_460 = arith.addf %parallel_loop3A_459, %parallel_loop3A_449 : vector<16xf32>
        %parallel_loop3A_461 = arith.index_cast %parallel_loop3A_107 : i32 to index
        %parallel_loop3A_462 = arith.constant 272 : index
        %parallel_loop3A_463 = tpu.vector_load %arg10[%parallel_loop3A_461, %parallel_loop3A_462] {strides = array<i32>} : memref<32x512xf32, #tpu.memory_space<vmem>>, vector<16xf32>,
        tpu.vector_store %arg10[%parallel_loop3A_461, %parallel_loop3A_462], %parallel_loop3A_460 {strides = array<i32>} : memref<32x512xf32, #tpu.memory_space<vmem>>, vector<16xf32>,
        %parallel_loop3A_464 = arith.constant true
        %parallel_loop3A_465 = vector.broadcast %parallel_loop3A_464 : i1 to vector<16xi1>
        %parallel_loop3A_466 = tpu.scan <sum>, %parallel_loop3A_456 masked %parallel_loop3A_465 : vector<16xf32>, vector<16xi1> -> vector<16xf32>
        %parallel_loop3A_467 = vector.extract %parallel_loop3A_466[15] : f32 from vector<16xf32>
        %parallel_loop3A_468 = vector.broadcast %parallel_loop3A_467 : f32 to vector<16xf32>
        %parallel_loop3A_469 = arith.addf %parallel_loop3A_449, %parallel_loop3A_468 : vector<16xf32>
        %parallel_loop3A_470 = arith.index_cast %parallel_loop3A_107 : i32 to index
        %parallel_loop3A_471 = arith.constant 288 : index
        %parallel_loop3A_472 = tpu.vector_load %arg6[%parallel_loop3A_470, %parallel_loop3A_471] {strides = array<i32>} : memref<32x512xf32, #tpu.memory_space<vmem>>, vector<16xf32>,
        %parallel_loop3A_473 = arith.index_cast %parallel_loop3A_107 : i32 to index
        %parallel_loop3A_474 = arith.constant 288 : index
        %parallel_loop3A_475 = tpu.vector_load %arg8[%parallel_loop3A_473, %parallel_loop3A_474] {strides = array<i32>} : memref<32x512xf32, #tpu.memory_space<vmem>>, vector<16xf32>,
        %parallel_loop3A_476 = arith.mulf %parallel_loop3A_472, %parallel_loop3A_475 : vector<16xf32>
        %parallel_loop3A_477 = arith.constant true
        %parallel_loop3A_478 = vector.broadcast %parallel_loop3A_477 : i1 to vector<16xi1>
        %parallel_loop3A_479 = tpu.scan <sum>, %parallel_loop3A_476 masked %parallel_loop3A_478 : vector<16xf32>, vector<16xi1> -> vector<16xf32>
        %parallel_loop3A_480 = arith.addf %parallel_loop3A_479, %parallel_loop3A_469 : vector<16xf32>
        %parallel_loop3A_481 = arith.index_cast %parallel_loop3A_107 : i32 to index
        %parallel_loop3A_482 = arith.constant 288 : index
        %parallel_loop3A_483 = tpu.vector_load %arg10[%parallel_loop3A_481, %parallel_loop3A_482] {strides = array<i32>} : memref<32x512xf32, #tpu.memory_space<vmem>>, vector<16xf32>,
        tpu.vector_store %arg10[%parallel_loop3A_481, %parallel_loop3A_482], %parallel_loop3A_480 {strides = array<i32>} : memref<32x512xf32, #tpu.memory_space<vmem>>, vector<16xf32>,
        %parallel_loop3A_484 = arith.constant true
        %parallel_loop3A_485 = vector.broadcast %parallel_loop3A_484 : i1 to vector<16xi1>
        %parallel_loop3A_486 = tpu.scan <sum>, %parallel_loop3A_476 masked %parallel_loop3A_485 : vector<16xf32>, vector<16xi1> -> vector<16xf32>
        %parallel_loop3A_487 = vector.extract %parallel_loop3A_486[15] : f32 from vector<16xf32>
        %parallel_loop3A_488 = vector.broadcast %parallel_loop3A_487 : f32 to vector<16xf32>
        %parallel_loop3A_489 = arith.addf %parallel_loop3A_469, %parallel_loop3A_488 : vector<16xf32>
        %parallel_loop3A_490 = arith.index_cast %parallel_loop3A_107 : i32 to index
        %parallel_loop3A_491 = arith.constant 304 : index
        %parallel_loop3A_492 = tpu.vector_load %arg6[%parallel_loop3A_490, %parallel_loop3A_491] {strides = array<i32>} : memref<32x512xf32, #tpu.memory_space<vmem>>, vector<16xf32>,
        %parallel_loop3A_493 = arith.index_cast %parallel_loop3A_107 : i32 to index
        %parallel_loop3A_494 = arith.constant 304 : index
        %parallel_loop3A_495 = tpu.vector_load %arg8[%parallel_loop3A_493, %parallel_loop3A_494] {strides = array<i32>} : memref<32x512xf32, #tpu.memory_space<vmem>>, vector<16xf32>,
        %parallel_loop3A_496 = arith.mulf %parallel_loop3A_492, %parallel_loop3A_495 : vector<16xf32>
        %parallel_loop3A_497 = arith.constant true
        %parallel_loop3A_498 = vector.broadcast %parallel_loop3A_497 : i1 to vector<16xi1>
        %parallel_loop3A_499 = tpu.scan <sum>, %parallel_loop3A_496 masked %parallel_loop3A_498 : vector<16xf32>, vector<16xi1> -> vector<16xf32>
        %parallel_loop3A_500 = arith.addf %parallel_loop3A_499, %parallel_loop3A_489 : vector<16xf32>
        %parallel_loop3A_501 = arith.index_cast %parallel_loop3A_107 : i32 to index
        %parallel_loop3A_502 = arith.constant 304 : index
        %parallel_loop3A_503 = tpu.vector_load %arg10[%parallel_loop3A_501, %parallel_loop3A_502] {strides = array<i32>} : memref<32x512xf32, #tpu.memory_space<vmem>>, vector<16xf32>,
        tpu.vector_store %arg10[%parallel_loop3A_501, %parallel_loop3A_502], %parallel_loop3A_500 {strides = array<i32>} : memref<32x512xf32, #tpu.memory_space<vmem>>, vector<16xf32>,
        %parallel_loop3A_504 = arith.constant true
        %parallel_loop3A_505 = vector.broadcast %parallel_loop3A_504 : i1 to vector<16xi1>
        %parallel_loop3A_506 = tpu.scan <sum>, %parallel_loop3A_496 masked %parallel_loop3A_505 : vector<16xf32>, vector<16xi1> -> vector<16xf32>
        %parallel_loop3A_507 = vector.extract %parallel_loop3A_506[15] : f32 from vector<16xf32>
        %parallel_loop3A_508 = vector.broadcast %parallel_loop3A_507 : f32 to vector<16xf32>
        %parallel_loop3A_509 = arith.addf %parallel_loop3A_489, %parallel_loop3A_508 : vector<16xf32>
        %parallel_loop3A_510 = arith.index_cast %parallel_loop3A_107 : i32 to index
        %parallel_loop3A_511 = arith.constant 320 : index
        %parallel_loop3A_512 = tpu.vector_load %arg6[%parallel_loop3A_510, %parallel_loop3A_511] {strides = array<i32>} : memref<32x512xf32, #tpu.memory_space<vmem>>, vector<16xf32>,
        %parallel_loop3A_513 = arith.index_cast %parallel_loop3A_107 : i32 to index
        %parallel_loop3A_514 = arith.constant 320 : index
        %parallel_loop3A_515 = tpu.vector_load %arg8[%parallel_loop3A_513, %parallel_loop3A_514] {strides = array<i32>} : memref<32x512xf32, #tpu.memory_space<vmem>>, vector<16xf32>,
        %parallel_loop3A_516 = arith.mulf %parallel_loop3A_512, %parallel_loop3A_515 : vector<16xf32>
        %parallel_loop3A_517 = arith.constant true
        %parallel_loop3A_518 = vector.broadcast %parallel_loop3A_517 : i1 to vector<16xi1>
        %parallel_loop3A_519 = tpu.scan <sum>, %parallel_loop3A_516 masked %parallel_loop3A_518 : vector<16xf32>, vector<16xi1> -> vector<16xf32>
        %parallel_loop3A_520 = arith.addf %parallel_loop3A_519, %parallel_loop3A_509 : vector<16xf32>
        %parallel_loop3A_521 = arith.index_cast %parallel_loop3A_107 : i32 to index
        %parallel_loop3A_522 = arith.constant 320 : index
        %parallel_loop3A_523 = tpu.vector_load %arg10[%parallel_loop3A_521, %parallel_loop3A_522] {strides = array<i32>} : memref<32x512xf32, #tpu.memory_space<vmem>>, vector<16xf32>,
        tpu.vector_store %arg10[%parallel_loop3A_521, %parallel_loop3A_522], %parallel_loop3A_520 {strides = array<i32>} : memref<32x512xf32, #tpu.memory_space<vmem>>, vector<16xf32>,
        %parallel_loop3A_524 = arith.constant true
        %parallel_loop3A_525 = vector.broadcast %parallel_loop3A_524 : i1 to vector<16xi1>
        %parallel_loop3A_526 = tpu.scan <sum>, %parallel_loop3A_516 masked %parallel_loop3A_525 : vector<16xf32>, vector<16xi1> -> vector<16xf32>
        %parallel_loop3A_527 = vector.extract %parallel_loop3A_526[15] : f32 from vector<16xf32>
        %parallel_loop3A_528 = vector.broadcast %parallel_loop3A_527 : f32 to vector<16xf32>
        %parallel_loop3A_529 = arith.addf %parallel_loop3A_509, %parallel_loop3A_528 : vector<16xf32>
        %parallel_loop3A_530 = arith.index_cast %parallel_loop3A_107 : i32 to index
        %parallel_loop3A_531 = arith.constant 336 : index
        %parallel_loop3A_532 = tpu.vector_load %arg6[%parallel_loop3A_530, %parallel_loop3A_531] {strides = array<i32>} : memref<32x512xf32, #tpu.memory_space<vmem>>, vector<16xf32>,
        %parallel_loop3A_533 = arith.index_cast %parallel_loop3A_107 : i32 to index
        %parallel_loop3A_534 = arith.constant 336 : index
        %parallel_loop3A_535 = tpu.vector_load %arg8[%parallel_loop3A_533, %parallel_loop3A_534] {strides = array<i32>} : memref<32x512xf32, #tpu.memory_space<vmem>>, vector<16xf32>,
        %parallel_loop3A_536 = arith.mulf %parallel_loop3A_532, %parallel_loop3A_535 : vector<16xf32>
        %parallel_loop3A_537 = arith.constant true
        %parallel_loop3A_538 = vector.broadcast %parallel_loop3A_537 : i1 to vector<16xi1>
        %parallel_loop3A_539 = tpu.scan <sum>, %parallel_loop3A_536 masked %parallel_loop3A_538 : vector<16xf32>, vector<16xi1> -> vector<16xf32>
        %parallel_loop3A_540 = arith.addf %parallel_loop3A_539, %parallel_loop3A_529 : vector<16xf32>
        %parallel_loop3A_541 = arith.index_cast %parallel_loop3A_107 : i32 to index
        %parallel_loop3A_542 = arith.constant 336 : index
        %parallel_loop3A_543 = tpu.vector_load %arg10[%parallel_loop3A_541, %parallel_loop3A_542] {strides = array<i32>} : memref<32x512xf32, #tpu.memory_space<vmem>>, vector<16xf32>,
        tpu.vector_store %arg10[%parallel_loop3A_541, %parallel_loop3A_542], %parallel_loop3A_540 {strides = array<i32>} : memref<32x512xf32, #tpu.memory_space<vmem>>, vector<16xf32>,
        %parallel_loop3A_544 = arith.constant true
        %parallel_loop3A_545 = vector.broadcast %parallel_loop3A_544 : i1 to vector<16xi1>
        %parallel_loop3A_546 = tpu.scan <sum>, %parallel_loop3A_536 masked %parallel_loop3A_545 : vector<16xf32>, vector<16xi1> -> vector<16xf32>
        %parallel_loop3A_547 = vector.extract %parallel_loop3A_546[15] : f32 from vector<16xf32>
        %parallel_loop3A_548 = vector.broadcast %parallel_loop3A_547 : f32 to vector<16xf32>
        %parallel_loop3A_549 = arith.addf %parallel_loop3A_529, %parallel_loop3A_548 : vector<16xf32>
        %parallel_loop3A_550 = arith.index_cast %parallel_loop3A_107 : i32 to index
        %parallel_loop3A_551 = arith.constant 352 : index
        %parallel_loop3A_552 = tpu.vector_load %arg6[%parallel_loop3A_550, %parallel_loop3A_551] {strides = array<i32>} : memref<32x512xf32, #tpu.memory_space<vmem>>, vector<16xf32>,
        %parallel_loop3A_553 = arith.index_cast %parallel_loop3A_107 : i32 to index
        %parallel_loop3A_554 = arith.constant 352 : index
        %parallel_loop3A_555 = tpu.vector_load %arg8[%parallel_loop3A_553, %parallel_loop3A_554] {strides = array<i32>} : memref<32x512xf32, #tpu.memory_space<vmem>>, vector<16xf32>,
        %parallel_loop3A_556 = arith.mulf %parallel_loop3A_552, %parallel_loop3A_555 : vector<16xf32>
        %parallel_loop3A_557 = arith.constant true
        %parallel_loop3A_558 = vector.broadcast %parallel_loop3A_557 : i1 to vector<16xi1>
        %parallel_loop3A_559 = tpu.scan <sum>, %parallel_loop3A_556 masked %parallel_loop3A_558 : vector<16xf32>, vector<16xi1> -> vector<16xf32>
        %parallel_loop3A_560 = arith.addf %parallel_loop3A_559, %parallel_loop3A_549 : vector<16xf32>
        %parallel_loop3A_561 = arith.index_cast %parallel_loop3A_107 : i32 to index
        %parallel_loop3A_562 = arith.constant 352 : index
        %parallel_loop3A_563 = tpu.vector_load %arg10[%parallel_loop3A_561, %parallel_loop3A_562] {strides = array<i32>} : memref<32x512xf32, #tpu.memory_space<vmem>>, vector<16xf32>,
        tpu.vector_store %arg10[%parallel_loop3A_561, %parallel_loop3A_562], %parallel_loop3A_560 {strides = array<i32>} : memref<32x512xf32, #tpu.memory_space<vmem>>, vector<16xf32>,
        %parallel_loop3A_564 = arith.constant true
        %parallel_loop3A_565 = vector.broadcast %parallel_loop3A_564 : i1 to vector<16xi1>
        %parallel_loop3A_566 = tpu.scan <sum>, %parallel_loop3A_556 masked %parallel_loop3A_565 : vector<16xf32>, vector<16xi1> -> vector<16xf32>
        %parallel_loop3A_567 = vector.extract %parallel_loop3A_566[15] : f32 from vector<16xf32>
        %parallel_loop3A_568 = vector.broadcast %parallel_loop3A_567 : f32 to vector<16xf32>
        %parallel_loop3A_569 = arith.addf %parallel_loop3A_549, %parallel_loop3A_568 : vector<16xf32>
        %parallel_loop3A_570 = arith.index_cast %parallel_loop3A_107 : i32 to index
        %parallel_loop3A_571 = arith.constant 368 : index
        %parallel_loop3A_572 = tpu.vector_load %arg6[%parallel_loop3A_570, %parallel_loop3A_571] {strides = array<i32>} : memref<32x512xf32, #tpu.memory_space<vmem>>, vector<16xf32>,
        %parallel_loop3A_573 = arith.index_cast %parallel_loop3A_107 : i32 to index
        %parallel_loop3A_574 = arith.constant 368 : index
        %parallel_loop3A_575 = tpu.vector_load %arg8[%parallel_loop3A_573, %parallel_loop3A_574] {strides = array<i32>} : memref<32x512xf32, #tpu.memory_space<vmem>>, vector<16xf32>,
        %parallel_loop3A_576 = arith.mulf %parallel_loop3A_572, %parallel_loop3A_575 : vector<16xf32>
        %parallel_loop3A_577 = arith.constant true
        %parallel_loop3A_578 = vector.broadcast %parallel_loop3A_577 : i1 to vector<16xi1>
        %parallel_loop3A_579 = tpu.scan <sum>, %parallel_loop3A_576 masked %parallel_loop3A_578 : vector<16xf32>, vector<16xi1> -> vector<16xf32>
        %parallel_loop3A_580 = arith.addf %parallel_loop3A_579, %parallel_loop3A_569 : vector<16xf32>
        %parallel_loop3A_581 = arith.index_cast %parallel_loop3A_107 : i32 to index
        %parallel_loop3A_582 = arith.constant 368 : index
        %parallel_loop3A_583 = tpu.vector_load %arg10[%parallel_loop3A_581, %parallel_loop3A_582] {strides = array<i32>} : memref<32x512xf32, #tpu.memory_space<vmem>>, vector<16xf32>,
        tpu.vector_store %arg10[%parallel_loop3A_581, %parallel_loop3A_582], %parallel_loop3A_580 {strides = array<i32>} : memref<32x512xf32, #tpu.memory_space<vmem>>, vector<16xf32>,
        %parallel_loop3A_584 = arith.constant true
        %parallel_loop3A_585 = vector.broadcast %parallel_loop3A_584 : i1 to vector<16xi1>
        %parallel_loop3A_586 = tpu.scan <sum>, %parallel_loop3A_576 masked %parallel_loop3A_585 : vector<16xf32>, vector<16xi1> -> vector<16xf32>
        %parallel_loop3A_587 = vector.extract %parallel_loop3A_586[15] : f32 from vector<16xf32>
        %parallel_loop3A_588 = vector.broadcast %parallel_loop3A_587 : f32 to vector<16xf32>
        %parallel_loop3A_589 = arith.addf %parallel_loop3A_569, %parallel_loop3A_588 : vector<16xf32>
        %parallel_loop3A_590 = arith.index_cast %parallel_loop3A_107 : i32 to index
        %parallel_loop3A_591 = arith.constant 384 : index
        %parallel_loop3A_592 = tpu.vector_load %arg6[%parallel_loop3A_590, %parallel_loop3A_591] {strides = array<i32>} : memref<32x512xf32, #tpu.memory_space<vmem>>, vector<16xf32>,
        %parallel_loop3A_593 = arith.index_cast %parallel_loop3A_107 : i32 to index
        %parallel_loop3A_594 = arith.constant 384 : index
        %parallel_loop3A_595 = tpu.vector_load %arg8[%parallel_loop3A_593, %parallel_loop3A_594] {strides = array<i32>} : memref<32x512xf32, #tpu.memory_space<vmem>>, vector<16xf32>,
        %parallel_loop3A_596 = arith.mulf %parallel_loop3A_592, %parallel_loop3A_595 : vector<16xf32>
        %parallel_loop3A_597 = arith.constant true
        %parallel_loop3A_598 = vector.broadcast %parallel_loop3A_597 : i1 to vector<16xi1>
        %parallel_loop3A_599 = tpu.scan <sum>, %parallel_loop3A_596 masked %parallel_loop3A_598 : vector<16xf32>, vector<16xi1> -> vector<16xf32>
        %parallel_loop3A_600 = arith.addf %parallel_loop3A_599, %parallel_loop3A_589 : vector<16xf32>
        %parallel_loop3A_601 = arith.index_cast %parallel_loop3A_107 : i32 to index
        %parallel_loop3A_602 = arith.constant 384 : index
        %parallel_loop3A_603 = tpu.vector_load %arg10[%parallel_loop3A_601, %parallel_loop3A_602] {strides = array<i32>} : memref<32x512xf32, #tpu.memory_space<vmem>>, vector<16xf32>,
        tpu.vector_store %arg10[%parallel_loop3A_601, %parallel_loop3A_602], %parallel_loop3A_600 {strides = array<i32>} : memref<32x512xf32, #tpu.memory_space<vmem>>, vector<16xf32>,
        %parallel_loop3A_604 = arith.constant true
        %parallel_loop3A_605 = vector.broadcast %parallel_loop3A_604 : i1 to vector<16xi1>
        %parallel_loop3A_606 = tpu.scan <sum>, %parallel_loop3A_596 masked %parallel_loop3A_605 : vector<16xf32>, vector<16xi1> -> vector<16xf32>
        %parallel_loop3A_607 = vector.extract %parallel_loop3A_606[15] : f32 from vector<16xf32>
        %parallel_loop3A_608 = vector.broadcast %parallel_loop3A_607 : f32 to vector<16xf32>
        %parallel_loop3A_609 = arith.addf %parallel_loop3A_589, %parallel_loop3A_608 : vector<16xf32>
        %parallel_loop3A_610 = arith.index_cast %parallel_loop3A_107 : i32 to index
        %parallel_loop3A_611 = arith.constant 400 : index
        %parallel_loop3A_612 = tpu.vector_load %arg6[%parallel_loop3A_610, %parallel_loop3A_611] {strides = array<i32>} : memref<32x512xf32, #tpu.memory_space<vmem>>, vector<16xf32>,
        %parallel_loop3A_613 = arith.index_cast %parallel_loop3A_107 : i32 to index
        %parallel_loop3A_614 = arith.constant 400 : index
        %parallel_loop3A_615 = tpu.vector_load %arg8[%parallel_loop3A_613, %parallel_loop3A_614] {strides = array<i32>} : memref<32x512xf32, #tpu.memory_space<vmem>>, vector<16xf32>,
        %parallel_loop3A_616 = arith.mulf %parallel_loop3A_612, %parallel_loop3A_615 : vector<16xf32>
        %parallel_loop3A_617 = arith.constant true
        %parallel_loop3A_618 = vector.broadcast %parallel_loop3A_617 : i1 to vector<16xi1>
        %parallel_loop3A_619 = tpu.scan <sum>, %parallel_loop3A_616 masked %parallel_loop3A_618 : vector<16xf32>, vector<16xi1> -> vector<16xf32>
        %parallel_loop3A_620 = arith.addf %parallel_loop3A_619, %parallel_loop3A_609 : vector<16xf32>
        %parallel_loop3A_621 = arith.index_cast %parallel_loop3A_107 : i32 to index
        %parallel_loop3A_622 = arith.constant 400 : index
        %parallel_loop3A_623 = tpu.vector_load %arg10[%parallel_loop3A_621, %parallel_loop3A_622] {strides = array<i32>} : memref<32x512xf32, #tpu.memory_space<vmem>>, vector<16xf32>,
        tpu.vector_store %arg10[%parallel_loop3A_621, %parallel_loop3A_622], %parallel_loop3A_620 {strides = array<i32>} : memref<32x512xf32, #tpu.memory_space<vmem>>, vector<16xf32>,
        %parallel_loop3A_624 = arith.constant true
        %parallel_loop3A_625 = vector.broadcast %parallel_loop3A_624 : i1 to vector<16xi1>
        %parallel_loop3A_626 = tpu.scan <sum>, %parallel_loop3A_616 masked %parallel_loop3A_625 : vector<16xf32>, vector<16xi1> -> vector<16xf32>
        %parallel_loop3A_627 = vector.extract %parallel_loop3A_626[15] : f32 from vector<16xf32>
        %parallel_loop3A_628 = vector.broadcast %parallel_loop3A_627 : f32 to vector<16xf32>
        %parallel_loop3A_629 = arith.addf %parallel_loop3A_609, %parallel_loop3A_628 : vector<16xf32>
        %parallel_loop3A_630 = arith.index_cast %parallel_loop3A_107 : i32 to index
        %parallel_loop3A_631 = arith.constant 416 : index
        %parallel_loop3A_632 = tpu.vector_load %arg6[%parallel_loop3A_630, %parallel_loop3A_631] {strides = array<i32>} : memref<32x512xf32, #tpu.memory_space<vmem>>, vector<16xf32>,
        %parallel_loop3A_633 = arith.index_cast %parallel_loop3A_107 : i32 to index
        %parallel_loop3A_634 = arith.constant 416 : index
        %parallel_loop3A_635 = tpu.vector_load %arg8[%parallel_loop3A_633, %parallel_loop3A_634] {strides = array<i32>} : memref<32x512xf32, #tpu.memory_space<vmem>>, vector<16xf32>,
        %parallel_loop3A_636 = arith.mulf %parallel_loop3A_632, %parallel_loop3A_635 : vector<16xf32>
        %parallel_loop3A_637 = arith.constant true
        %parallel_loop3A_638 = vector.broadcast %parallel_loop3A_637 : i1 to vector<16xi1>
        %parallel_loop3A_639 = tpu.scan <sum>, %parallel_loop3A_636 masked %parallel_loop3A_638 : vector<16xf32>, vector<16xi1> -> vector<16xf32>
        %parallel_loop3A_640 = arith.addf %parallel_loop3A_639, %parallel_loop3A_629 : vector<16xf32>
        %parallel_loop3A_641 = arith.index_cast %parallel_loop3A_107 : i32 to index
        %parallel_loop3A_642 = arith.constant 416 : index
        %parallel_loop3A_643 = tpu.vector_load %arg10[%parallel_loop3A_641, %parallel_loop3A_642] {strides = array<i32>} : memref<32x512xf32, #tpu.memory_space<vmem>>, vector<16xf32>,
        tpu.vector_store %arg10[%parallel_loop3A_641, %parallel_loop3A_642], %parallel_loop3A_640 {strides = array<i32>} : memref<32x512xf32, #tpu.memory_space<vmem>>, vector<16xf32>,
        %parallel_loop3A_644 = arith.constant true
        %parallel_loop3A_645 = vector.broadcast %parallel_loop3A_644 : i1 to vector<16xi1>
        %parallel_loop3A_646 = tpu.scan <sum>, %parallel_loop3A_636 masked %parallel_loop3A_645 : vector<16xf32>, vector<16xi1> -> vector<16xf32>
        %parallel_loop3A_647 = vector.extract %parallel_loop3A_646[15] : f32 from vector<16xf32>
        %parallel_loop3A_648 = vector.broadcast %parallel_loop3A_647 : f32 to vector<16xf32>
        %parallel_loop3A_649 = arith.addf %parallel_loop3A_629, %parallel_loop3A_648 : vector<16xf32>
        %parallel_loop3A_650 = arith.index_cast %parallel_loop3A_107 : i32 to index
        %parallel_loop3A_651 = arith.constant 432 : index
        %parallel_loop3A_652 = tpu.vector_load %arg6[%parallel_loop3A_650, %parallel_loop3A_651] {strides = array<i32>} : memref<32x512xf32, #tpu.memory_space<vmem>>, vector<16xf32>,
        %parallel_loop3A_653 = arith.index_cast %parallel_loop3A_107 : i32 to index
        %parallel_loop3A_654 = arith.constant 432 : index
        %parallel_loop3A_655 = tpu.vector_load %arg8[%parallel_loop3A_653, %parallel_loop3A_654] {strides = array<i32>} : memref<32x512xf32, #tpu.memory_space<vmem>>, vector<16xf32>,
        %parallel_loop3A_656 = arith.mulf %parallel_loop3A_652, %parallel_loop3A_655 : vector<16xf32>
        %parallel_loop3A_657 = arith.constant true
        %parallel_loop3A_658 = vector.broadcast %parallel_loop3A_657 : i1 to vector<16xi1>
        %parallel_loop3A_659 = tpu.scan <sum>, %parallel_loop3A_656 masked %parallel_loop3A_658 : vector<16xf32>, vector<16xi1> -> vector<16xf32>
        %parallel_loop3A_660 = arith.addf %parallel_loop3A_659, %parallel_loop3A_649 : vector<16xf32>
        %parallel_loop3A_661 = arith.index_cast %parallel_loop3A_107 : i32 to index
        %parallel_loop3A_662 = arith.constant 432 : index
        %parallel_loop3A_663 = tpu.vector_load %arg10[%parallel_loop3A_661, %parallel_loop3A_662] {strides = array<i32>} : memref<32x512xf32, #tpu.memory_space<vmem>>, vector<16xf32>,
        tpu.vector_store %arg10[%parallel_loop3A_661, %parallel_loop3A_662], %parallel_loop3A_660 {strides = array<i32>} : memref<32x512xf32, #tpu.memory_space<vmem>>, vector<16xf32>,
        %parallel_loop3A_664 = arith.constant true
        %parallel_loop3A_665 = vector.broadcast %parallel_loop3A_664 : i1 to vector<16xi1>
        %parallel_loop3A_666 = tpu.scan <sum>, %parallel_loop3A_656 masked %parallel_loop3A_665 : vector<16xf32>, vector<16xi1> -> vector<16xf32>
        %parallel_loop3A_667 = vector.extract %parallel_loop3A_666[15] : f32 from vector<16xf32>
        %parallel_loop3A_668 = vector.broadcast %parallel_loop3A_667 : f32 to vector<16xf32>
        %parallel_loop3A_669 = arith.addf %parallel_loop3A_649, %parallel_loop3A_668 : vector<16xf32>
        %parallel_loop3A_670 = arith.index_cast %parallel_loop3A_107 : i32 to index
        %parallel_loop3A_671 = arith.constant 448 : index
        %parallel_loop3A_672 = tpu.vector_load %arg6[%parallel_loop3A_670, %parallel_loop3A_671] {strides = array<i32>} : memref<32x512xf32, #tpu.memory_space<vmem>>, vector<16xf32>,
        %parallel_loop3A_673 = arith.index_cast %parallel_loop3A_107 : i32 to index
        %parallel_loop3A_674 = arith.constant 448 : index
        %parallel_loop3A_675 = tpu.vector_load %arg8[%parallel_loop3A_673, %parallel_loop3A_674] {strides = array<i32>} : memref<32x512xf32, #tpu.memory_space<vmem>>, vector<16xf32>,
        %parallel_loop3A_676 = arith.mulf %parallel_loop3A_672, %parallel_loop3A_675 : vector<16xf32>
        %parallel_loop3A_677 = arith.constant true
        %parallel_loop3A_678 = vector.broadcast %parallel_loop3A_677 : i1 to vector<16xi1>
        %parallel_loop3A_679 = tpu.scan <sum>, %parallel_loop3A_676 masked %parallel_loop3A_678 : vector<16xf32>, vector<16xi1> -> vector<16xf32>
        %parallel_loop3A_680 = arith.addf %parallel_loop3A_679, %parallel_loop3A_669 : vector<16xf32>
        %parallel_loop3A_681 = arith.index_cast %parallel_loop3A_107 : i32 to index
        %parallel_loop3A_682 = arith.constant 448 : index
        %parallel_loop3A_683 = tpu.vector_load %arg10[%parallel_loop3A_681, %parallel_loop3A_682] {strides = array<i32>} : memref<32x512xf32, #tpu.memory_space<vmem>>, vector<16xf32>,
        tpu.vector_store %arg10[%parallel_loop3A_681, %parallel_loop3A_682], %parallel_loop3A_680 {strides = array<i32>} : memref<32x512xf32, #tpu.memory_space<vmem>>, vector<16xf32>,
        %parallel_loop3A_684 = arith.constant true
        %parallel_loop3A_685 = vector.broadcast %parallel_loop3A_684 : i1 to vector<16xi1>
        %parallel_loop3A_686 = tpu.scan <sum>, %parallel_loop3A_676 masked %parallel_loop3A_685 : vector<16xf32>, vector<16xi1> -> vector<16xf32>
        %parallel_loop3A_687 = vector.extract %parallel_loop3A_686[15] : f32 from vector<16xf32>
        %parallel_loop3A_688 = vector.broadcast %parallel_loop3A_687 : f32 to vector<16xf32>
        %parallel_loop3A_689 = arith.addf %parallel_loop3A_669, %parallel_loop3A_688 : vector<16xf32>
        %parallel_loop3A_690 = arith.index_cast %parallel_loop3A_107 : i32 to index
        %parallel_loop3A_691 = arith.constant 464 : index
        %parallel_loop3A_692 = tpu.vector_load %arg6[%parallel_loop3A_690, %parallel_loop3A_691] {strides = array<i32>} : memref<32x512xf32, #tpu.memory_space<vmem>>, vector<16xf32>,
        %parallel_loop3A_693 = arith.index_cast %parallel_loop3A_107 : i32 to index
        %parallel_loop3A_694 = arith.constant 464 : index
        %parallel_loop3A_695 = tpu.vector_load %arg8[%parallel_loop3A_693, %parallel_loop3A_694] {strides = array<i32>} : memref<32x512xf32, #tpu.memory_space<vmem>>, vector<16xf32>,
        %parallel_loop3A_696 = arith.mulf %parallel_loop3A_692, %parallel_loop3A_695 : vector<16xf32>
        %parallel_loop3A_697 = arith.constant true
        %parallel_loop3A_698 = vector.broadcast %parallel_loop3A_697 : i1 to vector<16xi1>
        %parallel_loop3A_699 = tpu.scan <sum>, %parallel_loop3A_696 masked %parallel_loop3A_698 : vector<16xf32>, vector<16xi1> -> vector<16xf32>
        %parallel_loop3A_700 = arith.addf %parallel_loop3A_699, %parallel_loop3A_689 : vector<16xf32>
        %parallel_loop3A_701 = arith.index_cast %parallel_loop3A_107 : i32 to index
        %parallel_loop3A_702 = arith.constant 464 : index
        %parallel_loop3A_703 = tpu.vector_load %arg10[%parallel_loop3A_701, %parallel_loop3A_702] {strides = array<i32>} : memref<32x512xf32, #tpu.memory_space<vmem>>, vector<16xf32>,
        tpu.vector_store %arg10[%parallel_loop3A_701, %parallel_loop3A_702], %parallel_loop3A_700 {strides = array<i32>} : memref<32x512xf32, #tpu.memory_space<vmem>>, vector<16xf32>,
        %parallel_loop3A_704 = arith.constant true
        %parallel_loop3A_705 = vector.broadcast %parallel_loop3A_704 : i1 to vector<16xi1>
        %parallel_loop3A_706 = tpu.scan <sum>, %parallel_loop3A_696 masked %parallel_loop3A_705 : vector<16xf32>, vector<16xi1> -> vector<16xf32>
        %parallel_loop3A_707 = vector.extract %parallel_loop3A_706[15] : f32 from vector<16xf32>
        %parallel_loop3A_708 = vector.broadcast %parallel_loop3A_707 : f32 to vector<16xf32>
        %parallel_loop3A_709 = arith.addf %parallel_loop3A_689, %parallel_loop3A_708 : vector<16xf32>
        %parallel_loop3A_710 = arith.index_cast %parallel_loop3A_107 : i32 to index
        %parallel_loop3A_711 = arith.constant 480 : index
        %parallel_loop3A_712 = tpu.vector_load %arg6[%parallel_loop3A_710, %parallel_loop3A_711] {strides = array<i32>} : memref<32x512xf32, #tpu.memory_space<vmem>>, vector<16xf32>,
        %parallel_loop3A_713 = arith.index_cast %parallel_loop3A_107 : i32 to index
        %parallel_loop3A_714 = arith.constant 480 : index
        %parallel_loop3A_715 = tpu.vector_load %arg8[%parallel_loop3A_713, %parallel_loop3A_714] {strides = array<i32>} : memref<32x512xf32, #tpu.memory_space<vmem>>, vector<16xf32>,
        %parallel_loop3A_716 = arith.mulf %parallel_loop3A_712, %parallel_loop3A_715 : vector<16xf32>
        %parallel_loop3A_717 = arith.constant true
        %parallel_loop3A_718 = vector.broadcast %parallel_loop3A_717 : i1 to vector<16xi1>
        %parallel_loop3A_719 = tpu.scan <sum>, %parallel_loop3A_716 masked %parallel_loop3A_718 : vector<16xf32>, vector<16xi1> -> vector<16xf32>
        %parallel_loop3A_720 = arith.addf %parallel_loop3A_719, %parallel_loop3A_709 : vector<16xf32>
        %parallel_loop3A_721 = arith.index_cast %parallel_loop3A_107 : i32 to index
        %parallel_loop3A_722 = arith.constant 480 : index
        %parallel_loop3A_723 = tpu.vector_load %arg10[%parallel_loop3A_721, %parallel_loop3A_722] {strides = array<i32>} : memref<32x512xf32, #tpu.memory_space<vmem>>, vector<16xf32>,
        tpu.vector_store %arg10[%parallel_loop3A_721, %parallel_loop3A_722], %parallel_loop3A_720 {strides = array<i32>} : memref<32x512xf32, #tpu.memory_space<vmem>>, vector<16xf32>,
        %parallel_loop3A_724 = arith.constant true
        %parallel_loop3A_725 = vector.broadcast %parallel_loop3A_724 : i1 to vector<16xi1>
        %parallel_loop3A_726 = tpu.scan <sum>, %parallel_loop3A_716 masked %parallel_loop3A_725 : vector<16xf32>, vector<16xi1> -> vector<16xf32>
        %parallel_loop3A_727 = vector.extract %parallel_loop3A_726[15] : f32 from vector<16xf32>
        %parallel_loop3A_728 = vector.broadcast %parallel_loop3A_727 : f32 to vector<16xf32>
        %parallel_loop3A_729 = arith.addf %parallel_loop3A_709, %parallel_loop3A_728 : vector<16xf32>
        %parallel_loop3A_730 = arith.index_cast %parallel_loop3A_107 : i32 to index
        %parallel_loop3A_731 = arith.constant 496 : index
        %parallel_loop3A_732 = tpu.vector_load %arg6[%parallel_loop3A_730, %parallel_loop3A_731] {strides = array<i32>} : memref<32x512xf32, #tpu.memory_space<vmem>>, vector<16xf32>,
        %parallel_loop3A_733 = arith.index_cast %parallel_loop3A_107 : i32 to index
        %parallel_loop3A_734 = arith.constant 496 : index
        %parallel_loop3A_735 = tpu.vector_load %arg8[%parallel_loop3A_733, %parallel_loop3A_734] {strides = array<i32>} : memref<32x512xf32, #tpu.memory_space<vmem>>, vector<16xf32>,
        %parallel_loop3A_736 = arith.mulf %parallel_loop3A_732, %parallel_loop3A_735 : vector<16xf32>
        %parallel_loop3A_737 = arith.constant true
        %parallel_loop3A_738 = vector.broadcast %parallel_loop3A_737 : i1 to vector<16xi1>
        %parallel_loop3A_739 = tpu.scan <sum>, %parallel_loop3A_736 masked %parallel_loop3A_738 : vector<16xf32>, vector<16xi1> -> vector<16xf32>
        %parallel_loop3A_740 = arith.addf %parallel_loop3A_739, %parallel_loop3A_729 : vector<16xf32>
        %parallel_loop3A_741 = arith.index_cast %parallel_loop3A_107 : i32 to index
        %parallel_loop3A_742 = arith.constant 496 : index
        %parallel_loop3A_743 = tpu.vector_load %arg10[%parallel_loop3A_741, %parallel_loop3A_742] {strides = array<i32>} : memref<32x512xf32, #tpu.memory_space<vmem>>, vector<16xf32>,
        tpu.vector_store %arg10[%parallel_loop3A_741, %parallel_loop3A_742], %parallel_loop3A_740 {strides = array<i32>} : memref<32x512xf32, #tpu.memory_space<vmem>>, vector<16xf32>,
        %parallel_loop3A_744 = arith.constant true
        %parallel_loop3A_745 = vector.broadcast %parallel_loop3A_744 : i1 to vector<16xi1>
        %parallel_loop3A_746 = tpu.scan <sum>, %parallel_loop3A_736 masked %parallel_loop3A_745 : vector<16xf32>, vector<16xi1> -> vector<16xf32>
        %parallel_loop3A_747 = vector.extract %parallel_loop3A_746[15] : f32 from vector<16xf32>
        %parallel_loop3A_748 = vector.broadcast %parallel_loop3A_747 : f32 to vector<16xf32>
        %parallel_loop3A_749 = arith.addf %parallel_loop3A_729, %parallel_loop3A_748 : vector<16xf32>
      } {sc.loop_unroll_factor = 4 : i64, sc.parallel_access}
      %mul3A_100 = arith.constant 32 : i32
      %mul3A_101 = arith.muli %add3A_72, %mul3A_100 : i32
      %add3A_102 = arith.addi %mul3A_2, %mul3A_101 : i32
      %dma_start3A_103 = arith.constant 0 : i32
      %dma_start3A_104 = tpu.memref_slice %arg4[%add3A_102, %dma_start3A_103] : memref<65536x512xf32, #tpu.memory_space<hbm>> -> memref<32x512xf32, #tpu.memory_space<hbm>>
      %dma_start3A_105 = arith.constant 0 : i32
      %dma_start3A_106 = tpu.memref_slice %arg4[%add3A_102, %dma_start3A_105] : memref<65536x512xf32, #tpu.memory_space<hbm>> -> memref<32x512xf32, #tpu.memory_space<hbm>>
      tpu.enqueue_dma source(%arg10 : memref<32x512xf32, #tpu.memory_space<vmem>>) target(%dma_start3A_106 : memref<32x512xf32, #tpu.memory_space<hbm>>) target_semaphore(%arg16 : memref<!tpu.dma_semaphore, #tpu.memory_space<semaphore_mem>>)
    }
    %scan3A_23 = arith.constant 32 : i32
    %dma_wait3A = arith.constant 0 : i32
    %dma_wait3A_24 = arith.constant 0 : i32
    %dma_wait3A_25 = tpu.memref_slice %arg4[%dma_wait3A, %dma_wait3A_24] : memref<65536x512xf32, #tpu.memory_space<hbm>> -> memref<32x512xf32, #tpu.memory_space<hbm>>
    %dma_wait3A_26 = arith.constant 0 : i32
    %dma_wait3A_27 = arith.constant 0 : i32
    %dma_wait3A_28 = tpu.memref_slice %arg4[%dma_wait3A_26, %dma_wait3A_27] : memref<65536x512xf32, #tpu.memory_space<hbm>> -> memref<32x512xf32, #tpu.memory_space<hbm>>
    tpu.wait_dma2 semaphore(%arg15 : memref<!tpu.dma_semaphore, #tpu.memory_space<semaphore_mem>>) src(%arg9 : memref<32x512xf32, #tpu.memory_space<vmem>>) dst(%dma_wait3A_28 : memref<32x512xf32, #tpu.memory_space<hbm>>)
    %dma_wait3A_29 = arith.constant 0 : i32
    %dma_wait3A_30 = arith.constant 0 : i32
    %dma_wait3A_31 = tpu.memref_slice %arg4[%dma_wait3A_29, %dma_wait3A_30] : memref<65536x512xf32, #tpu.memory_space<hbm>> -> memref<32x512xf32, #tpu.memory_space<hbm>>
    %dma_wait3A_32 = arith.constant 0 : i32
    %dma_wait3A_33 = arith.constant 0 : i32
    %dma_wait3A_34 = tpu.memref_slice %arg4[%dma_wait3A_32, %dma_wait3A_33] : memref<65536x512xf32, #tpu.memory_space<hbm>> -> memref<32x512xf32, #tpu.memory_space<hbm>>
    tpu.wait_dma2 semaphore(%arg16 : memref<!tpu.dma_semaphore, #tpu.memory_space<semaphore_mem>>) src(%arg10 : memref<32x512xf32, #tpu.memory_space<vmem>>) dst(%dma_wait3A_34 : memref<32x512xf32, #tpu.memory_space<hbm>>)
    return
  }
}

</mosaic_0001>

<sc_bundles>
// kernel: kernel.3.cloned.1.call-start
scs
__scs_entry_jumppad:
0x0: {  	(pc) =	sbr.rel $0x88, $3  }
0x1: {  	(tag) =	ssettag $0x0;
	lr =	simm.s32 $0x1  }
0x2: {  	[smem:$0x3F9F] =	sst lr;
	_ =	strace $0xD0000000  }
0x3: {  	_ = 	snop  }
0x4: {  	_ = 	snop  }
0x5: {  	_ = 	snop  }
0x6: {  	_ = 	snop  }
0x7: {  	_ = 	snop  }
__scs_overlays_trampoline_lowered:
0x8: {  	[smem:$0x3FAE] =	sst s0  }
0x9: {  	[smem:$0x3FAF] =	sst s1  }
0xa: {  	[smem:$0x3FB0] =	sst s2  }
0xb: {  	[smem:$0x3FB1] =	sst s3  }
0xc: {  	[smem:$0x3FB2] =	sst s4  }
0xd: {  	[smem:$0x3FB3] =	sst s5  }
0xe: {  	[smem:$0x3FB4] =	sst s6  }
0xf: {  	[smem:$0x3FB5] =	sst s7  }
0x10: {  	[smem:$0x3FB6] =	sst s8  }
0x11: {  	[smem:$0x3FB7] =	sst s9;
	s0 =	simm.s32 @!p0 $0x0  }
0x12: {  	s1 =	sld [smem:$0x3F9D];
	s0 =	simm.s32 @p0 $0x1  }
0x13: {  	[smem:$0x3FB8] =	sst s0;
	s0 =	simm.s32 @!p1 $0x0  }
0x14: {  	s2 =	sld [smem:$0x3F9C];
	s0 =	simm.s32 @p1 $0x1  }
0x15: {  	[smem:$0x3FB9] =	sst s0;
	s0 =	simm.s32 @!p2 $0x0  }
0x16: {  	s3 =	sld [smem:$0x3FDB];
	s0 =	simm.s32 @p2 $0x1  }
0x17: {  	s4 =	simm.s32 $0x1BF5;
	[smem:$0x3FBB] =	sst s0  }
0x18: {  	s0 =	sld [smem:$0x3F9E];
	_ =	swait.ge [sflag:s4], $0x0  }
0x19: {  	s7 =	sld [smem:$0x3F9F]  }
0x1a: {  	s8 =	sadd.s32 $0xFFFFE003, lr  }
0x1b: {  	s9 =	sadd.s32 $0xFFFFFEF7, lr;
	s5 =	simm.s32 $0xFFFFFFFF;
	p2 =	slt.u32 s8, $0xFFFFF086  }
0x1c: {  	p1 =	slt.u32 s9, $0xF7A;
	s5 =	simm.s32 @!p2 $0x0  }
0x1d: {  	s5 =	simm.s32 @p1 $0x1;
	p0 =	seq.s32 s7, s2  }
0x1e: {  	s7 =	smul.u32 @!p0 $0xF7A, s2;
	p2 =	seq.s32 @!p0 s5, $0x0  }
0x1f: {  	s9 =	smul.u32 $0xF7A, s1;
	s8 =	simm.s32 @!p0 $0x1BF5;
	p2 =	por !p2, p0  }
0x20: {  	[sflag:s8] =	ssyncset.s32 @!p0 $0xFFFFF086;
	s6 =	sadd.s32 @!p0 s3, s7;
	s7 =	simm.s32 @!p0 $0x108  }
0x21: {  	s3 =	sadd.s32 s3, s9;
	s6 =	sadd.s32 @!p0 $0x88, s6;
	s7 =	simm.s32 @p2 $0x1082  }
0x22: {  	[simem:s7], [sflag:s8] =	dma.local @!p0 [hbm:s6], $0xF7A  }
0x23: {  	s9 =	sor.u32 $0xD0000000, s2;
	s6 =	simm.s32 $0x108;
	_ =	swait.ge @!p0 [sflag:s8], $0x0  }
0x24: {  	s3 =	sadd.s32 $0x88, s3;
	s6 =	simm.s32 @!p1 $0x1082;
	[sflag:s4] =	ssyncset.s32 $0xFFFFF086  }
0x25: {  	[simem:s6], [sflag:s4] =	dma.local [hbm:s3], $0xF7A  }
0x26: {  	[smem:$0x3F9F] =	sst s1;
	(tag) =	ssettag s2;
	_ =	strace s9  }
0x27: {  	s1 =	sld [smem:$0x3FAF]  }
0x28: {  	s2 =	sld [smem:$0x3FB0]  }
0x29: {  	s4 =	sld [smem:$0x3FB2]  }
0x2a: {  	p0 =	seq.s32 s5, $0x0;
	s5 =	sld [smem:$0x3FB3]  }
0x2b: {  	s6 =	sld [smem:$0x3FB4]  }
0x2c: {  	s7 =	sld [smem:$0x3FB5]  }
0x2d: {  	s3 =	simm.s32 $0x108;
	s8 =	sld [smem:$0x3FB6]  }
0x2e: {  	s3 =	simm.s32 @!p0 $0x1082;
	s9 =	sld [smem:$0x3FB7]  }
0x2f: {  	lr =	sadd.s32 s0, s3;
	s0 =	sld [smem:$0x3FAE]  }
0x30: {  	s3 =	sld [smem:$0x3FB1]  }
0x31: {  	[smem:$0x3FBA] =	sst s10  }
0x32: {  	s10 =	sld [smem:$0x3FB8];
	_ =	sdelay $0x3  }
0x33: {  	p0 =	seq.s32 s10, $0x1;
	s10 =	sld [smem:$0x3FBA];
	_ =	sdelay $0x3  }
0x34: {  	[smem:$0x3FBA] =	sst s10  }
0x35: {  	s10 =	sld [smem:$0x3FB9];
	_ =	sdelay $0x3  }
0x36: {  	p1 =	seq.s32 s10, $0x1;
	s10 =	sld [smem:$0x3FBA];
	_ =	sdelay $0x3  }
0x37: {  	[smem:$0x3FBA] =	sst s10  }
0x38: {  	s10 =	sld [smem:$0x3FBB]  }
0x39: {  	_ = 	snop;
	(pc) =	sbr.ind lr, $3  }
0x3a: {  	_ = 	snop  }
0x3b: {  	_ = 	snop  }
0x3c: {  	p2 =	seq.s32 s10, $0x1;
	s10 =	sld [smem:$0x3FBA]  }
0x3d: {  	_ =	shalt  }
0x3e: {  	_ =	shalt  }
0x3f: {  	_ =	shalt  }
0x40: {  	_ =	shalt  }
0x41: {  	_ =	shalt  }
0x42: {  	_ =	shalt  }
0x43: {  	_ =	shalt  }
0x44: {  	_ =	shalt  }
0x45: {  	_ =	shalt  }
0x46: {  	_ =	shalt  }
0x47: {  	_ =	shalt  }
0x48: {  	_ =	shalt  }
0x49: {  	_ =	shalt  }
0x4a: {  	_ =	shalt  }
0x4b: {  	_ =	shalt  }
0x4c: {  	_ =	shalt  }
0x4d: {  	_ =	shalt  }
0x4e: {  	_ =	shalt  }
0x4f: {  	_ =	shalt  }
0x50: {  	_ =	shalt  }
0x51: {  	_ =	shalt  }
0x52: {  	_ =	shalt  }
0x53: {  	_ =	shalt  }
0x54: {  	_ =	shalt  }
0x55: {  	_ =	shalt  }
0x56: {  	_ =	shalt  }
0x57: {  	_ =	shalt  }
0x58: {  	_ =	shalt  }
0x59: {  	_ =	shalt  }
0x5a: {  	_ =	shalt  }
0x5b: {  	_ =	shalt  }
0x5c: {  	_ =	shalt  }
0x5d: {  	_ =	shalt  }
0x5e: {  	_ =	shalt  }
0x5f: {  	_ =	shalt  }
0x60: {  	_ =	shalt  }
0x61: {  	_ =	shalt  }
0x62: {  	_ =	shalt  }
0x63: {  	_ =	shalt  }
0x64: {  	_ =	shalt  }
0x65: {  	_ =	shalt  }
0x66: {  	_ =	shalt  }
0x67: {  	_ =	shalt  }
0x68: {  	_ =	shalt  }
0x69: {  	_ =	shalt  }
0x6a: {  	_ =	shalt  }
0x6b: {  	_ =	shalt  }
0x6c: {  	_ =	shalt  }
0x6d: {  	_ =	shalt  }
0x6e: {  	_ =	shalt  }
0x6f: {  	_ =	shalt  }
0x70: {  	_ =	shalt  }
0x71: {  	_ =	shalt  }
0x72: {  	_ =	shalt  }
0x73: {  	_ =	shalt  }
0x74: {  	_ =	shalt  }
0x75: {  	_ =	shalt  }
0x76: {  	_ =	shalt  }
0x77: {  	_ =	shalt  }
0x78: {  	_ =	shalt  }
0x79: {  	_ =	shalt  }
0x7a: {  	_ =	shalt  }
0x7b: {  	_ =	shalt  }
0x7c: {  	_ =	shalt  }
0x7d: {  	_ =	shalt  }
0x7e: {  	_ =	shalt  }
0x7f: {  	_ =	shalt  }
0x80: {  	_ =	shalt  }
0x81: {  	_ =	shalt  }
0x82: {  	_ =	shalt  }
0x83: {  	_ =	shalt  }
0x84: {  	_ =	shalt  }
0x85: {  	_ =	shalt  }
0x86: {  	_ =	shalt  }
0x87: {  	_ =	shalt  }
.Lfunc_end0:
.L_simem_size_0:
called_computation_lowered:
.L_overlay_start_0:
0x88: {  	s2 =	sld [smem:$0x3FD9]  }
0x89: {  	s3 =	sld [smem:$0x3FFE];
	_ =	sdelay $0x1  }
0x8a: {  	s1 =	srdreg.scid  }
0x8b: {  	s0 =	sand.u32 $0x1, s1  }
0x8c: {  	s17 =	sshll.u32 s0, $0xA;
	s2 =	sadd.s32 s3, s2  }
0x8d: {  	s2 =	sadd.s32 s2, s17  }
0x8e: {  	[smem:$0x3FC6] =	sst s2  }
0x8f: {  	_ = 	snop  }
0x90: {  	s2 =	sld [smem:$0x3FC9]  }
0x91: {  	s18 =	sld [smem:$0x3FD0];
	(tm) =	ssettm $0x1  }
0x92: {  	s4 =	sld [smem:$0x3FFB];
	_ =	sdelay $0x3  }
0x93: {  	_ =	strace s4  }
0x94: {  	s4 =	sld [smem:$0x3FFC];
	_ =	sdelay $0x3  }
0x95: {  	_ =	strace s4  }
0x96: {  	s4 =	sld [smem:$0x3FFD];
	_ =	sdelay $0x3  }
0x97: {  	_ =	strace s4  }
0x98: {  	_ =	strace $0x8FFFFFFF  }
0x99: {  	s19 =	sld [smem:$0x3FDB];
	_ =	sdelay $0x1  }
0x9a: {  	s5 =	simm.s32 $_scs_section_size  }
0x9b: {  	s6 =	simm.s32 $_size__tile_overlayer_lowered;
	s7 =	simm.s32 $_tile_overlayer_lowered  }
0x9c: {  	s22 =	simm.s32 $0x1BFF;
	s21 =	sshll.u32 s7, $0x1;
	s4 =	sadd.s32 s5, s19  }
0x9d: {  	s8 =	simm.s32 $0x0;
	s20 =	sshll.u32 s6, $0x1;
	s6 =	sadd.s32 s21, s4  }
0x9e: {  	[timem:s8], [sflag:s22] =	dma.local [hbm:s6], s20  }
0x9f: {  	_ =	swait.ge [sflag:s22], s20  }
0xa0: {  	s5 =	ssub.s32 $0x0, s20;
	[sflag:s22] =	ssyncset.done $0x0  }
0xa1: {  	[sflag:s22] =	ssyncadd.s32 s5;
	_ =	sdelay $0x1  }
0xa2: {  	s23 =	simm.s32 $0x1B8B  }
0xa3: {  	_ =	swait.ge [sflag:s23], $0x1  }
0xa4: {  	[sflag:s23] =	ssyncset.done $0x0  }
0xa5: {  	s25 =	simm.s32 $0x1B8E;
	s24 =	sld [smem:$0x3FFE];
	[sflag:s23] =	ssyncadd.s32 $0xFFFFFFFF  }
0xa6: {  	s26 =	simm.s32 $execute0_lowered;
	[smem:$0x3FD2] =	sst s25  }
0xa7: {  	s6 =	sshll.u32 s26, $0x1;
	_ =	strace $0x80000046;
	[dreg:$0x1] =	wrdreg $0xFFFFFFFF  }
0xa8: {  	s28 =	simm.s32 $_size_execute0_lowered;
	s4 =	sadd.s32 s4, s6;
	[dreg:$0x0] =	wrdreg $0x0  }
0xa9: {  	s6 =	sshll.u32 s28, $0x1;
	[dreg:$0x2] =	wrdreg s4  }
0xaa: {  	[dreg:$0x3] =	wrdreg s6  }
0xab: {  	[dreg:$0x4] =	wrdreg $0xC0  }
0xac: {  	_ =	task [dreg:s8], $0x5FFFF  }
0xad: {  	[dreg:$0x1] =	wrdreg $0xFFFFFFFF  }
0xae: {  	[dreg:$0x0] =	wrdreg $0x60  }
0xaf: {  	[dreg:$0x2] =	wrdreg s2  }
0xb0: {  	[dreg:$0x3] =	wrdreg s24  }
0xb1: {  	[dreg:$0x4] =	wrdreg s18  }
0xb2: {  	[dreg:$0x5] =	wrdreg $0x9  }
0xb3: {  	_ =	task.clear_ibuf [dreg:s8], $0x6FFFF;
	_ =	strace $0x90000046  }
0xb4: {  	s29 =	simm.s32 $0x9;
	_ =	strace $0x80000048  }
0xb5: {  	_ =	swait.ge [sflag:s29], $0x1  }
0xb6: {  	[sflag:s29] =	ssyncadd.s32 $0xFFFFFFFF  }
0xb7: {  	_ =	strace $0x90000048  }
0xb8: {  	_ =	sfence  }
0xb9: {  	s30 =	sld [smem:$0x0];
	_ =	sdelay $0x2  }
0xba: {  	s31 =	sshll.u32 s1, $0xD;
	s1 =	sshrl.u32 s1, $0x2  }
0xbb: {  	s3 =	sand.u32 $0x4000, s31;
	s1 =	sadd.s32 s1, s30  }
0xbc: {  	s0 =	sor.u32 s3, s0;
	s1 =	sshll.u32 s1, $0x11  }
0xbd: {  	s0 =	sor.u32 s1, s0  }
0xbe: {  	s0 =	sadd.s32 $0x8F2B, s0  }
0xbf: {  	[sflag:s0] =	ssyncadd.remote.s32 $0x1  }
0xc0: {  	_ =	sfence.sel $0xFFFF  }
0xc1: {  	[dreg:$0x0] =	wrdreg $0xFFFFFFFF;
	(pc) =	sbr.abs _section_cstart, $3  }
0xc2: {  	[dreg:$0x1] =	wrdreg $0xFFFFFFFF  }
0xc3: {  	_ =	task.clear_ibuf [dreg:s8], $0x2FFFF;
	_ =	strace $0x9FFFFFFF  }
0xc4: {  	(tm) =	ssettm $0x7FFFFFFF  }
0xc5: {  	_ =	shalt  }
tec
execute0_lowered:
.L_overlay_start_1:
0x0: {  	(tag) =	ssettag $0x1  }
0x1: {  	s1 =	rddreg [dreg:$0x0]  }
0x2: {  	s0 =	rddreg [dreg:$0x1]  }
0x3: {  	s2 =	rddreg [dreg:$0x2];
	s3 =	simm.s32 $0x0;
	s4 =	srdreg.scid  }
0x4: {  	s5 =	stileid.u32;
	s13 =	simm.s32 $0x4000;
	s14 =	simm.s32 $0xC000  }
0x5: {  	s15 =	simm.s32 $0x1;
	s16 =	simm.s32 $0x3;
	s17 =	simm.s32 $0x10000  }
0x6: {  	s18 =	simm.s32 $0x2;
	s19 =	simm.s32 $0x4;
	s20 =	simm.s32 $0x14000  }
0x7: {  	s21 =	simm.s32 $0x5;
	s22 =	simm.s32 $0x6;
	s23 =	simm.s32 $0x0  }
0x8: {  	[smem:$0x7FF] =	sst s3;
	s4 =	sand.u32 $0x1, s4;
	s8 =	sshll.u32 s5, $0x12  }
0x9: {  	s5 =	sadd.s32 $0x400, s0;
	s6 =	ssub.s32 $0x2, s4;
	s4 =	sshll.u32 s4, $0x11  }
0xa: {  	_ =	strace $0x80000047;
	s7 =	sshrl.u32 s6, $0x1;
	s4 =	sor.u32 s4, s8  }
0xb: {  	s29 =	ssub.s32 s6, s7;
	s30 =	sadd.s32 s1, s4;
	s31 =	sadd.s32 s5, s4  }
0xc: {  	s8 =	sor.u32 $0x800, s4;
	s9 =	sadd.s32 s2, s4;
	[dreg:$0x4] =	wrdreg s30  }
0xd: {  	s10 =	sor.u32 $0x1000, s4;
	[dreg:$0x5] =	wrdreg s31;
	s11 =	smax.u32 s29, $0x1  }
.LBB2_1:
0xe: {  	s0 =	rddreg [dreg:$0x4]  }
0xf: {  	[tilespmem:s3], [sflag:$0x1] =	stream.linear.gather [hbm4b:s0+s3], $0x4000, $0x38;
	[tilespmem:$0x18000] =	vst v63  }
0x10: {  	s31 =	rddreg [dreg:$0x5];
	s4 =	simm.s32 $0x8000;
	s24 =	simm.s32 $0x0  }
0x11: {  	[tilespmem:s4], [sflag:$0x3] =	stream.linear.gather [hbm4b:s31+s3], $0x4000, $0x38;
	[tilespmem:$0x18000] =	vst v63  }
.LBB2_2:
0x12: {  	s26 =	sshll.u32 s24, $0xC  }
0x13: {  	s25 =	sadd.s32 s8, s26  }
0x14: {  	s0 =	sadd.s32 s1, s25  }
0x15: {  	[tilespmem:s13], [sflag:$0x2] =	stream.linear.gather [hbm4b:s0+s3], $0x4000, $0x38;
	[tilespmem:$0x18000] =	vst v63  }
0x16: {  	s31 =	sadd.s32 s5, s25  }
0x17: {  	[tilespmem:s14], [sflag:$0x4] =	stream.linear.gather [hbm4b:s31+s3], $0x4000, $0x38;
	[tilespmem:$0x18000] =	vst v63  }
0x18: {  	_ =	swait.ge [sflag:s15], $0x4000  }
0x19: {  	[sflag:s15] =	ssyncset.done $0x0  }
0x1a: {  	[sflag:s15] =	ssyncadd.s32 $0xFFFFC000  }
0x1b: {  	_ =	swait.ge [sflag:s16], $0x4000  }
0x1c: {  	p0 =	seq.s32 s24, $0x0;
	[sflag:s16] =	ssyncset.done $0x0  }
0x1d: {  	s0 =	simm.s32 @!p0 $0x5;
	[sflag:s16] =	ssyncadd.s32 $0xFFFFC000  }
0x1e: {  	_ =	swait.ge @!p0 [sflag:s0], $0x4000  }
0x1f: {  	s28 =	simm.s32 $0xFFFFFFFC;
	s29 =	simm.s32 $0x0;
	[sflag:s0] =	ssyncset.done @!p0 $0x0  }
0x20: {  	p1 =	por $0x0, $0x0;
	s30 =	simm.s32 $0x0;
	[sflag:s0] =	ssyncadd.s32 @!p0 $0xFFFFC000  }
.LBB2_3:
0x21: {  	s0 =	sand.u32 $0x3000, s29;
	s4 =	sand.u32 $0x200, s30  }
0x22: {  	s31 =	sor.u32 s4, s0  }
0x23: {  	v0 =	vld [tilespmem:s31+$0x0]  }
0x24: {  	v1 =	vld [tilespmem:s31+$0x8000]  }
0x25: {  	v2 =	vld [tilespmem:s31+$0x10]  }
0x26: {  	v3 =	vld [tilespmem:s31+$0x8010]  }
0x27: {  	v4 =	vld [tilespmem:s31+$0x20]  }
0x28: {  	v5 =	vld [tilespmem:s31+$0x8020]  }
0x29: {  	v61 =	vld [tilespmem:s31+$0x30];
	v0 =	vmul.f32 v1, v0  }
0x2a: {  	v6 =	vld [tilespmem:s31+$0x8030]  }
0x2b: {  	v63 =	vld [tilespmem:s31+$0x40];
	v62 =	vmul.f32 v3, v2;
	(xrf2) =	vadd.scan.msk.f32 $0xffff, v0  }
0x2c: {  	v9 =	vld [tilespmem:s31+$0x8040]  }
0x2d: {  	v11 =	vld [tilespmem:s31+$0x50];
	v10 =	vmul.f32 v5, v4;
	(xrf2) =	vadd.scan.msk.f32 $0xffff, v62  }
0x2e: {  	v12 =	vld [tilespmem:s31+$0x8050]  }
0x2f: {  	v14 =	vld [tilespmem:s31+$0x60];
	v13 =	vmul.f32 v6, v61;
	(xrf2) =	vadd.scan.msk.f32 $0xffff, v10  }
0x30: {  	v15 =	vld [tilespmem:s31+$0x8060]  }
0x31: {  	v17 =	vld [tilespmem:s31+$0x70];
	v16 =	vmul.f32 v9, v63;
	(xrf2) =	vadd.scan.msk.f32 $0xffff, v13  }
0x32: {  	v18 =	vld [tilespmem:s31+$0x8070]  }
0x33: {  	v20 =	vld [tilespmem:s31+$0x400];
	v19 =	vmul.f32 v12, v11;
	(xrf2) =	vadd.scan.msk.f32 $0xffff, v16  }
0x34: {  	v21 =	vld [tilespmem:s31+$0x8400]  }
0x35: {  	v23 =	vld [tilespmem:s31+$0x410];
	v22 =	vmul.f32 v15, v14;
	v7, _, _ =	vpop (xrf2);
	(xrf2) =	vadd.scan.msk.f32 $0xffff, v19  }
0x36: {  	v25 =	vld [tilespmem:s31+$0x8410];
	v24 =	vadd.f32 $0.0e+00, v7  }
0x37: {  	v27 =	vld [tilespmem:s31+$0x420];
	v26 =	vmul.f32 v18, v17;
	v8, _, _ =	vpop (xrf2);
	(xrf2) =	vadd.scan.msk.f32 $0xffff, v22  }
0x38: {  	v9 =	vld [tilespmem:s31+$0x8420];
	v28 =	vadd.f32 v8, v24  }
0x39: {  	v30 =	vld [tilespmem:s31+$0x430];
	v29 =	vmul.f32 v21, v20;
	v10, _, _ =	vpop (xrf2);
	(xrf2) =	vadd.scan.msk.f32 $0xffff, v26  }
0x3a: {  	v11 =	vld [tilespmem:s31+$0x8430];
	v31 =	vadd.f32 v10, v28  }
0x3b: {  	v33 =	vld [tilespmem:s31+$0x440];
	v32 =	vmul.f32 v25, v23;
	v12, _, _ =	vpop (xrf2);
	(xrf2) =	vadd.scan.msk.f32 $0xffff, v29  }
0x3c: {  	v13 =	vld [tilespmem:s31+$0x8440];
	v34 =	vadd.f32 v12, v31  }
0x3d: {  	v36 =	vld [tilespmem:s31+$0x450];
	v35 =	vmul.f32 v9, v27;
	v14, _, _ =	vpop (xrf2);
	(xrf2) =	vadd.scan.msk.f32 $0xffff, v32  }
0x3e: {  	v15 =	vld [tilespmem:s31+$0x8450];
	v37 =	vadd.f32 v14, v34  }
0x3f: {  	v39 =	vld [tilespmem:s31+$0x460];
	v38 =	vmul.f32 v11, v30;
	v16, _, _ =	vpop (xrf2);
	(xrf2) =	vadd.scan.msk.f32 $0xffff, v35  }
0x40: {  	v17 =	vld [tilespmem:s31+$0x8460];
	v40 =	vadd.f32 v16, v37  }
0x41: {  	v41 =	vmul.f32 v13, v33;
	v18, _, _ =	vpop (xrf2);
	(xrf2) =	vadd.scan.msk.f32 $0xffff, v38  }
0x42: {  	v42 =	vadd.f32 v18, v40  }
0x43: {  	v45 =	vld [tilespmem:s31+$0x470];
	v44 =	vmul.f32 v15, v36;
	v43, _, _ =	vpop (xrf2);
	(xrf2) =	vadd.scan.msk.f32 $0xffff, v41  }
0x44: {  	v19 =	vld [tilespmem:s31+$0x8470];
	v46 =	vadd.f32 v43, v42  }
0x45: {  	v47 =	vmul.f32 v17, v39;
	v20, _, _ =	vpop (xrf2);
	(xrf2) =	vadd.scan.msk.f32 $0xffff, v44  }
0x46: {  	v48 =	vbroadcast v24, $0xF;
	v49 =	vadd.f32 v20, v46  }
0x47: {  	v3 =	vbroadcast v28, $0xF;
	v21, _, _ =	vpop (xrf2);
	(xrf2) =	vadd.scan.msk.f32 $0xffff, v47  }
0x48: {  	v50 =	vadd.f32 v8, v48;
	v51 =	vbroadcast v31, $0xF;
	v52 =	vadd.f32 v21, v49  }
0x49: {  	[tilespmem:s31+$0x10000] =	vst v24;
	v2 =	vmul.f32 v19, v45;
	v3 =	vadd.f32 v10, v3;
	v53 =	vbroadcast v34, $0xF;
	v54, _, _ =	vpop (xrf2)  }
0x4a: {  	[tilespmem:s31+$0x10010] =	vst v50;
	v55 =	vadd.f32 v12, v51;
	v56 =	vbroadcast v37, $0xF;
	v57 =	vadd.f32 v54, v52  }
0x4b: {  	[tilespmem:s31+$0x10020] =	vst v3;
	v58 =	vadd.f32 v14, v53;
	v59 =	vbroadcast v40, $0xF;
	v60, _, _ =	vpop (xrf2);
	(xrf2) =	vadd.scan.msk.f32 $0xffff, v2  }
0x4c: {  	[tilespmem:s31+$0x10030] =	vst v55;
	v61 =	vadd.f32 v16, v56;
	v1 =	vbroadcast v42, $0xF;
	v62 =	vadd.f32 v60, v57  }
0x4d: {  	[tilespmem:s31+$0x10040] =	vst v58;
	v63 =	vadd.f32 v18, v59;
	v12 =	vbroadcast v46, $0xF;
	v14, _, _ =	vpop (xrf2)  }
0x4e: {  	[tilespmem:s31+$0x10050] =	vst v61;
	v15 =	vadd.f32 v43, v1;
	v16 =	vbroadcast v49, $0xF;
	v17 =	vadd.f32 v14, v62  }
0x4f: {  	[tilespmem:s31+$0x10060] =	vst v63;
	v18 =	vadd.f32 v20, v12;
	v19 =	vbroadcast v52, $0xF;
	v20, _, _ =	vpop (xrf2)  }
0x50: {  	[tilespmem:s31+$0x10070] =	vst v15;
	v21 =	vadd.f32 v21, v16;
	v22 =	vbroadcast v57, $0xF;
	v23 =	vadd.f32 v20, v17  }
0x51: {  	[tilespmem:s31+$0x10400] =	vst v18;
	v24 =	vadd.f32 v54, v19;
	v25, _, _ =	vpop (xrf2);
	v2 =	vbroadcast v62, $0xF  }
0x52: {  	[tilespmem:s31+$0x10410] =	vst v21;
	v26 =	vadd.f32 v60, v22;
	v27 =	vbroadcast v17, $0xF;
	v28 =	vadd.f32 v25, v23  }
0x53: {  	[tilespmem:s31+$0x10420] =	vst v24;
	v2 =	vadd.f32 v14, v2;
	v29 =	vbroadcast v23, $0xF  }
0x54: {  	s0 =	simm.s32 $0x1;
	[tilespmem:s31+$0x10430] =	vst v26;
	v30 =	vadd.f32 v20, v27;
	v31 =	vbroadcast v28, $0xF  }
0x55: {  	s0 =	simm.s32 @!p1 $0x0;
	[tilespmem:s31+$0x10440] =	vst v2;
	v32 =	vadd.f32 v25, v29;
	v33, _, _ =	vpop (xrf2)  }
0x56: {  	s0 =	sshll.u32 s0, $0x9;
	[tilespmem:s31+$0x10450] =	vst v30;
	v34 =	vadd.f32 v33, v31  }
0x57: {  	s4 =	sadd.s32 s0, s29;
	[tilespmem:s31+$0x10460] =	vst v32  }
0x58: {  	s0 =	sor.u32 $0x800, s4;
	[tilespmem:s31+$0x10470] =	vst v34  }
0x59: {  	v0 =	vld [tilespmem:s0+$0x0]  }
0x5a: {  	v35 =	vld [tilespmem:s0+$0x8000];
	_ =	sdelay $0x4  }
0x5b: {  	v0 =	vmul.f32 v35, v0;
	_ =	sdelay $0x1  }
0x5c: {  	(xrf2) =	vadd.scan.msk.f32 $0xffff, v0;
	_ =	sdelay $0x6  }
0x5d: {  	v36 =	vadd.f32 v33, v28;
	_ =	sdelay $0x1  }
0x5e: {  	v37 =	vbroadcast v36, $0xF  }
0x5f: {  	v38, _, _ =	vpop (xrf2)  }
0x60: {  	v1 =	vadd.f32 v38, v37;
	_ =	sdelay $0x1  }
0x61: {  	s12 =	sor.u32 $0x810, s4;
	[tilespmem:s0+$0x10000] =	vst v1  }
0x62: {  	v1 =	vld [tilespmem:s12+$0x0]  }
0x63: {  	v39 =	vld [tilespmem:s12+$0x8000];
	_ =	sdelay $0x4  }
0x64: {  	v1 =	vmul.f32 v39, v1;
	_ =	sdelay $0x1  }
0x65: {  	(xrf2) =	vadd.scan.msk.f32 $0xffff, v1;
	_ =	sdelay $0x6  }
0x66: {  	v0 =	vadd.f32 v38, v36;
	_ =	sdelay $0x1  }
0x67: {  	v40 =	vbroadcast v0, $0xF  }
0x68: {  	v41, _, _ =	vpop (xrf2)  }
0x69: {  	v1 =	vadd.f32 v41, v40;
	_ =	sdelay $0x1  }
0x6a: {  	s6 =	sor.u32 $0x820, s4;
	[tilespmem:s12+$0x10000] =	vst v1  }
0x6b: {  	v1 =	vld [tilespmem:s6+$0x0]  }
0x6c: {  	v42 =	vld [tilespmem:s6+$0x8000];
	_ =	sdelay $0x4  }
0x6d: {  	v1 =	vmul.f32 v42, v1;
	_ =	sdelay $0x1  }
0x6e: {  	(xrf2) =	vadd.scan.msk.f32 $0xffff, v1;
	_ =	sdelay $0x6  }
0x6f: {  	v0 =	vadd.f32 v41, v0;
	_ =	sdelay $0x1  }
0x70: {  	v43 =	vbroadcast v0, $0xF  }
0x71: {  	v44, _, _ =	vpop (xrf2)  }
0x72: {  	v1 =	vadd.f32 v44, v43;
	_ =	sdelay $0x1  }
0x73: {  	s7 =	sor.u32 $0x830, s4;
	[tilespmem:s6+$0x10000] =	vst v1  }
0x74: {  	v1 =	vld [tilespmem:s7+$0x0]  }
0x75: {  	v45 =	vld [tilespmem:s7+$0x8000];
	_ =	sdelay $0x4  }
0x76: {  	v1 =	vmul.f32 v45, v1;
	_ =	sdelay $0x1  }
0x77: {  	(xrf2) =	vadd.scan.msk.f32 $0xffff, v1;
	_ =	sdelay $0x6  }
0x78: {  	v0 =	vadd.f32 v44, v0;
	_ =	sdelay $0x1  }
0x79: {  	v46 =	vbroadcast v0, $0xF  }
0x7a: {  	v47, _, _ =	vpop (xrf2)  }
0x7b: {  	v1 =	vadd.f32 v47, v46;
	_ =	sdelay $0x1  }
0x7c: {  	s12 =	sor.u32 $0x840, s4;
	[tilespmem:s7+$0x10000] =	vst v1  }
0x7d: {  	v1 =	vld [tilespmem:s12+$0x0]  }
0x7e: {  	v48 =	vld [tilespmem:s12+$0x8000];
	_ =	sdelay $0x4  }
0x7f: {  	v1 =	vmul.f32 v48, v1;
	_ =	sdelay $0x1  }
0x80: {  	(xrf2) =	vadd.scan.msk.f32 $0xffff, v1;
	_ =	sdelay $0x6  }
0x81: {  	v0 =	vadd.f32 v47, v0;
	_ =	sdelay $0x1  }
0x82: {  	v49 =	vbroadcast v0, $0xF  }
0x83: {  	v50, _, _ =	vpop (xrf2)  }
0x84: {  	v1 =	vadd.f32 v50, v49;
	_ =	sdelay $0x1  }
0x85: {  	s6 =	sor.u32 $0x850, s4;
	[tilespmem:s12+$0x10000] =	vst v1  }
0x86: {  	v1 =	vld [tilespmem:s6+$0x0]  }
0x87: {  	v51 =	vld [tilespmem:s6+$0x8000];
	_ =	sdelay $0x4  }
0x88: {  	v1 =	vmul.f32 v51, v1;
	_ =	sdelay $0x1  }
0x89: {  	(xrf2) =	vadd.scan.msk.f32 $0xffff, v1;
	_ =	sdelay $0x6  }
0x8a: {  	v0 =	vadd.f32 v50, v0;
	_ =	sdelay $0x1  }
0x8b: {  	v52 =	vbroadcast v0, $0xF  }
0x8c: {  	v53, _, _ =	vpop (xrf2)  }
0x8d: {  	v1 =	vadd.f32 v53, v52;
	_ =	sdelay $0x1  }
0x8e: {  	s7 =	sor.u32 $0x860, s4;
	[tilespmem:s6+$0x10000] =	vst v1  }
0x8f: {  	v1 =	vld [tilespmem:s7+$0x0]  }
0x90: {  	v54 =	vld [tilespmem:s7+$0x8000];
	_ =	sdelay $0x4  }
0x91: {  	v1 =	vmul.f32 v54, v1;
	_ =	sdelay $0x1  }
0x92: {  	(xrf2) =	vadd.scan.msk.f32 $0xffff, v1;
	_ =	sdelay $0x6  }
0x93: {  	v0 =	vadd.f32 v53, v0;
	_ =	sdelay $0x1  }
0x94: {  	v55 =	vbroadcast v0, $0xF  }
0x95: {  	v56, _, _ =	vpop (xrf2)  }
0x96: {  	v1 =	vadd.f32 v56, v55;
	_ =	sdelay $0x1  }
0x97: {  	s12 =	sor.u32 $0x870, s4;
	[tilespmem:s7+$0x10000] =	vst v1  }
0x98: {  	v1 =	vld [tilespmem:s12+$0x0]  }
0x99: {  	v57 =	vld [tilespmem:s12+$0x8000];
	_ =	sdelay $0x4  }
0x9a: {  	v1 =	vmul.f32 v57, v1;
	_ =	sdelay $0x1  }
0x9b: {  	(xrf2) =	vadd.scan.msk.f32 $0xffff, v1;
	_ =	sdelay $0x6  }
0x9c: {  	v0 =	vadd.f32 v56, v0;
	_ =	sdelay $0x1  }
0x9d: {  	v58 =	vbroadcast v0, $0xF  }
0x9e: {  	v59, _, _ =	vpop (xrf2)  }
0x9f: {  	v1 =	vadd.f32 v59, v58;
	_ =	sdelay $0x1  }
0xa0: {  	s6 =	sor.u32 $0xC00, s4;
	[tilespmem:s12+$0x10000] =	vst v1  }
0xa1: {  	v1 =	vld [tilespmem:s6+$0x0]  }
0xa2: {  	v60 =	vld [tilespmem:s6+$0x8000];
	_ =	sdelay $0x4  }
0xa3: {  	v1 =	vmul.f32 v60, v1;
	_ =	sdelay $0x1  }
0xa4: {  	(xrf2) =	vadd.scan.msk.f32 $0xffff, v1;
	_ =	sdelay $0x6  }
0xa5: {  	v0 =	vadd.f32 v59, v0;
	_ =	sdelay $0x1  }
0xa6: {  	v61 =	vbroadcast v0, $0xF  }
0xa7: {  	v62, _, _ =	vpop (xrf2)  }
0xa8: {  	v1 =	vadd.f32 v62, v61;
	_ =	sdelay $0x1  }
0xa9: {  	s7 =	sor.u32 $0xC10, s4;
	[tilespmem:s6+$0x10000] =	vst v1  }
0xaa: {  	v1 =	vld [tilespmem:s7+$0x0]  }
0xab: {  	v63 =	vld [tilespmem:s7+$0x8000];
	_ =	sdelay $0x4  }
0xac: {  	v1 =	vmul.f32 v63, v1;
	_ =	sdelay $0x1  }
0xad: {  	(xrf2) =	vadd.scan.msk.f32 $0xffff, v1;
	_ =	sdelay $0x6  }
0xae: {  	v0 =	vadd.f32 v62, v0;
	_ =	sdelay $0x1  }
0xaf: {  	v6 =	vbroadcast v0, $0xF  }
0xb0: {  	v7, _, _ =	vpop (xrf2)  }
0xb1: {  	v1 =	vadd.f32 v7, v6;
	_ =	sdelay $0x1  }
0xb2: {  	s12 =	sor.u32 $0xC20, s4;
	[tilespmem:s7+$0x10000] =	vst v1  }
0xb3: {  	v1 =	vld [tilespmem:s12+$0x0]  }
0xb4: {  	v8 =	vld [tilespmem:s12+$0x8000];
	_ =	sdelay $0x4  }
0xb5: {  	v1 =	vmul.f32 v8, v1;
	_ =	sdelay $0x1  }
0xb6: {  	(xrf2) =	vadd.scan.msk.f32 $0xffff, v1;
	_ =	sdelay $0x6  }
0xb7: {  	v0 =	vadd.f32 v7, v0;
	_ =	sdelay $0x1  }
0xb8: {  	v9 =	vbroadcast v0, $0xF  }
0xb9: {  	v10, _, _ =	vpop (xrf2)  }
0xba: {  	v1 =	vadd.f32 v10, v9;
	_ =	sdelay $0x1  }
0xbb: {  	s6 =	sor.u32 $0xC30, s4;
	[tilespmem:s12+$0x10000] =	vst v1  }
0xbc: {  	v1 =	vld [tilespmem:s6+$0x0]  }
0xbd: {  	v11 =	vld [tilespmem:s6+$0x8000];
	_ =	sdelay $0x4  }
0xbe: {  	v1 =	vmul.f32 v11, v1;
	_ =	sdelay $0x1  }
0xbf: {  	(xrf2) =	vadd.scan.msk.f32 $0xffff, v1;
	_ =	sdelay $0x6  }
0xc0: {  	v0 =	vadd.f32 v10, v0;
	_ =	sdelay $0x1  }
0xc1: {  	v12 =	vbroadcast v0, $0xF  }
0xc2: {  	v13, _, _ =	vpop (xrf2)  }
0xc3: {  	v1 =	vadd.f32 v13, v12;
	_ =	sdelay $0x1  }
0xc4: {  	s7 =	sor.u32 $0xC40, s4;
	[tilespmem:s6+$0x10000] =	vst v1  }
0xc5: {  	v1 =	vld [tilespmem:s7+$0x0]  }
0xc6: {  	v14 =	vld [tilespmem:s7+$0x8000];
	_ =	sdelay $0x4  }
0xc7: {  	v1 =	vmul.f32 v14, v1;
	_ =	sdelay $0x1  }
0xc8: {  	(xrf2) =	vadd.scan.msk.f32 $0xffff, v1;
	_ =	sdelay $0x6  }
0xc9: {  	v0 =	vadd.f32 v13, v0;
	_ =	sdelay $0x1  }
0xca: {  	v15 =	vbroadcast v0, $0xF  }
0xcb: {  	v16, _, _ =	vpop (xrf2)  }
0xcc: {  	v1 =	vadd.f32 v16, v15;
	_ =	sdelay $0x1  }
0xcd: {  	s12 =	sor.u32 $0xC50, s4;
	[tilespmem:s7+$0x10000] =	vst v1  }
0xce: {  	v1 =	vld [tilespmem:s12+$0x0]  }
0xcf: {  	v17 =	vld [tilespmem:s12+$0x8000];
	_ =	sdelay $0x4  }
0xd0: {  	v1 =	vmul.f32 v17, v1;
	_ =	sdelay $0x1  }
0xd1: {  	(xrf2) =	vadd.scan.msk.f32 $0xffff, v1;
	_ =	sdelay $0x6  }
0xd2: {  	v0 =	vadd.f32 v16, v0;
	_ =	sdelay $0x1  }
0xd3: {  	v18 =	vbroadcast v0, $0xF  }
0xd4: {  	v19, _, _ =	vpop (xrf2)  }
0xd5: {  	v1 =	vadd.f32 v19, v18;
	_ =	sdelay $0x1  }
0xd6: {  	s6 =	sor.u32 $0xC60, s4;
	[tilespmem:s12+$0x10000] =	vst v1  }
0xd7: {  	v1 =	vld [tilespmem:s6+$0x0]  }
0xd8: {  	v20 =	vld [tilespmem:s6+$0x8000];
	_ =	sdelay $0x4  }
0xd9: {  	v1 =	vmul.f32 v20, v1;
	_ =	sdelay $0x1  }
0xda: {  	(xrf2) =	vadd.scan.msk.f32 $0xffff, v1;
	_ =	sdelay $0x6  }
0xdb: {  	v0 =	vadd.f32 v19, v0;
	_ =	sdelay $0x1  }
0xdc: {  	v2 =	vbroadcast v0, $0xF  }
0xdd: {  	v1, _, _ =	vpop (xrf2)  }
0xde: {  	v2 =	vadd.f32 v1, v2;
	_ =	sdelay $0x1  }
0xdf: {  	s0 =	sor.u32 $0xC70, s4;
	v22 =	vld [tilespmem:s31+$0x80];
	[tilespmem:s6+$0x10000] =	vst v2  }
0xe0: {  	v2 =	vld [tilespmem:s0+$0x0]  }
0xe1: {  	v21 =	vld [tilespmem:s0+$0x8000]  }
0xe2: {  	v23 =	vld [tilespmem:s31+$0x8080]  }
0xe3: {  	v24 =	vld [tilespmem:s31+$0x90]  }
0xe4: {  	v25 =	vld [tilespmem:s31+$0x8090]  }
0xe5: {  	v26 =	vld [tilespmem:s31+$0xA0]  }
0xe6: {  	v27 =	vld [tilespmem:s31+$0x80A0];
	v2 =	vmul.f32 v21, v2  }
0xe7: {  	v28 =	vld [tilespmem:s31+$0xB0];
	v4 =	vmul.f32 v23, v22  }
0xe8: {  	v29 =	vld [tilespmem:s31+$0x80B0];
	(xrf2) =	vadd.scan.msk.f32 $0xffff, v2  }
0xe9: {  	v31 =	vld [tilespmem:s31+$0xC0];
	v30 =	vmul.f32 v25, v24;
	(xrf2) =	vadd.scan.msk.f32 $0xffff, v4  }
0xea: {  	v32 =	vld [tilespmem:s31+$0x80C0]  }
0xeb: {  	v33 =	vld [tilespmem:s31+$0xD0];
	v3 =	vmul.f32 v27, v26;
	(xrf2) =	vadd.scan.msk.f32 $0xffff, v30  }
0xec: {  	v34 =	vld [tilespmem:s31+$0x80D0]  }
0xed: {  	v35 =	vld [tilespmem:s31+$0xE0];
	v2 =	vmul.f32 v29, v28;
	(xrf2) =	vadd.scan.msk.f32 $0xffff, v3  }
0xee: {  	v36 =	vld [tilespmem:s31+$0x80E0]  }
0xef: {  	v38 =	vld [tilespmem:s31+$0xF0];
	v37 =	vmul.f32 v32, v31;
	(xrf2) =	vadd.scan.msk.f32 $0xffff, v2  }
0xf0: {  	v39 =	vld [tilespmem:s31+$0x80F0]  }
0xf1: {  	v40 =	vld [tilespmem:s31+$0x480];
	v4 =	vmul.f32 v34, v33;
	(xrf2) =	vadd.scan.msk.f32 $0xffff, v37  }
0xf2: {  	v41 =	vld [tilespmem:s31+$0x8480];
	v2, _, _ =	vpop (xrf2)  }
0xf3: {  	v43 =	vld [tilespmem:s31+$0x490];
	v3 =	vmul.f32 v36, v35;
	v42, _, _ =	vpop (xrf2);
	(xrf2) =	vadd.scan.msk.f32 $0xffff, v4  }
0xf4: {  	v44 =	vld [tilespmem:s31+$0x8490];
	v5 =	vadd.f32 $0.0e+00, v42  }
0xf5: {  	v47 =	vld [tilespmem:s31+$0x4A0];
	v46 =	vmul.f32 v39, v38;
	v45, _, _ =	vpop (xrf2);
	(xrf2) =	vadd.scan.msk.f32 $0xffff, v3  }
0xf6: {  	v49 =	vld [tilespmem:s31+$0x84A0];
	v48 =	vadd.f32 v45, v5  }
0xf7: {  	v52 =	vld [tilespmem:s31+$0x4B0];
	v51 =	vmul.f32 v41, v40;
	v50, _, _ =	vpop (xrf2);
	(xrf2) =	vadd.scan.msk.f32 $0xffff, v46  }
0xf8: {  	v54 =	vld [tilespmem:s31+$0x84B0];
	v53 =	vadd.f32 v50, v48  }
0xf9: {  	v57 =	vld [tilespmem:s31+$0x4C0];
	v56 =	vmul.f32 v44, v43;
	v55, _, _ =	vpop (xrf2);
	(xrf2) =	vadd.scan.msk.f32 $0xffff, v51  }
0xfa: {  	v59 =	vld [tilespmem:s31+$0x84C0];
	v58 =	vadd.f32 v55, v53  }
0xfb: {  	v62 =	vld [tilespmem:s31+$0x4D0];
	v61 =	vmul.f32 v49, v47;
	v60, _, _ =	vpop (xrf2);
	(xrf2) =	vadd.scan.msk.f32 $0xffff, v56  }
0xfc: {  	v28 =	vld [tilespmem:s31+$0x84D0];
	v63 =	vadd.f32 v60, v58  }
0xfd: {  	v31 =	vld [tilespmem:s31+$0x4E0];
	v30 =	vmul.f32 v54, v52;
	(xrf2) =	vadd.scan.msk.f32 $0xffff, v61;
	v29, _, _ =	vpop (xrf2)  }
0xfe: {  	v33 =	vld [tilespmem:s31+$0x84E0];
	v32 =	vadd.f32 v29, v63  }
0xff: {  	v35 =	vmul.f32 v59, v57;
	(xrf2) =	vadd.scan.msk.f32 $0xffff, v30;
	v34, _, _ =	vpop (xrf2)  }
0x100: {  	v36 =	vadd.f32 v34, v32  }
0x101: {  	v39 =	vld [tilespmem:s31+$0x4F0];
	v38 =	vmul.f32 v28, v62;
	(xrf2) =	vadd.scan.msk.f32 $0xffff, v35;
	v37, _, _ =	vpop (xrf2)  }
0x102: {  	v22 =	vld [tilespmem:s31+$0x84F0];
	v40 =	vadd.f32 v37, v36  }
0x103: {  	v41 =	vmul.f32 v33, v31;
	(xrf2) =	vadd.scan.msk.f32 $0xffff, v38;
	v23, _, _ =	vpop (xrf2)  }
0x104: {  	v42 =	vbroadcast v5, $0xF;
	v43 =	vadd.f32 v23, v40  }
0x105: {  	v7 =	vbroadcast v48, $0xF;
	v24, _, _ =	vpop (xrf2);
	(xrf2) =	vadd.scan.msk.f32 $0xffff, v41  }
0x106: {  	v44 =	vadd.f32 v45, v42;
	v45 =	vbroadcast v53, $0xF;
	v46 =	vadd.f32 v24, v43  }
0x107: {  	v6 =	vmul.f32 v22, v39;
	[tilespmem:s31+$0x10080] =	vst v5;
	v47 =	vadd.f32 v50, v7;
	v48 =	vbroadcast v58, $0xF;
	v49, _, _ =	vpop (xrf2)  }
0x108: {  	[tilespmem:s31+$0x10090] =	vst v44;
	v50 =	vadd.f32 v55, v45;
	v51 =	vbroadcast v63, $0xF;
	v52 =	vadd.f32 v49, v46  }
0x109: {  	[tilespmem:s31+$0x100A0] =	vst v47;
	v53 =	vadd.f32 v60, v48;
	v54 =	vbroadcast v32, $0xF;
	v55, _, _ =	vpop (xrf2);
	(xrf2) =	vadd.scan.msk.f32 $0xffff, v6  }
0x10a: {  	[tilespmem:s31+$0x100B0] =	vst v50;
	v56 =	vadd.f32 v29, v51;
	v4 =	vbroadcast v36, $0xF;
	v57 =	vadd.f32 v55, v52  }
0x10b: {  	[tilespmem:s31+$0x100C0] =	vst v53;
	v58 =	vadd.f32 v34, v54;
	v59 =	vbroadcast v40, $0xF;
	v60, _, _ =	vpop (xrf2)  }
0x10c: {  	[tilespmem:s31+$0x100D0] =	vst v56;
	v61 =	vadd.f32 v37, v4;
	v62 =	vbroadcast v43, $0xF;
	v63 =	vadd.f32 v60, v57  }
0x10d: {  	[tilespmem:s31+$0x100E0] =	vst v58;
	v14 =	vadd.f32 v23, v59;
	v15 =	vbroadcast v46, $0xF;
	v16, _, _ =	vpop (xrf2)  }
0x10e: {  	[tilespmem:s31+$0x100F0] =	vst v61;
	v17 =	vadd.f32 v24, v62;
	v18 =	vbroadcast v52, $0xF;
	v19 =	vadd.f32 v16, v63  }
0x10f: {  	[tilespmem:s31+$0x10480] =	vst v14;
	v20 =	vadd.f32 v49, v15;
	v21, _, _ =	vpop (xrf2);
	v6 =	vbroadcast v57, $0xF  }
0x110: {  	[tilespmem:s31+$0x10490] =	vst v17;
	v22 =	vadd.f32 v55, v18;
	v23 =	vbroadcast v63, $0xF;
	v24 =	vadd.f32 v21, v19  }
0x111: {  	[tilespmem:s31+$0x104A0] =	vst v20;
	v25 =	vadd.f32 v60, v6;
	v26 =	vbroadcast v19, $0xF  }
0x112: {  	[tilespmem:s31+$0x104B0] =	vst v22;
	v27 =	vadd.f32 v16, v23;
	v28 =	vbroadcast v24, $0xF  }
0x113: {  	[tilespmem:s31+$0x104C0] =	vst v25;
	v30, _, _ =	vpop (xrf2);
	v29 =	vadd.f32 v21, v26  }
0x114: {  	[tilespmem:s31+$0x104D0] =	vst v27;
	v31 =	vadd.f32 v30, v28  }
0x115: {  	s6 =	sadd.s32 $0x80, s4;
	[tilespmem:s31+$0x104E0] =	vst v29  }
0x116: {  	s12 =	sor.u32 $0x800, s6;
	[tilespmem:s31+$0x104F0] =	vst v31  }
0x117: {  	v3 =	vld [tilespmem:s12+$0x0]  }
0x118: {  	v32 =	vld [tilespmem:s12+$0x8000];
	_ =	sdelay $0x4  }
0x119: {  	v3 =	vmul.f32 v32, v3;
	_ =	sdelay $0x1  }
0x11a: {  	(xrf2) =	vadd.scan.msk.f32 $0xffff, v3;
	_ =	sdelay $0x6  }
0x11b: {  	v33 =	vadd.f32 v30, v24;
	_ =	sdelay $0x1  }
0x11c: {  	v34 =	vbroadcast v33, $0xF  }
0x11d: {  	v35, _, _ =	vpop (xrf2)  }
0x11e: {  	v4 =	vadd.f32 v35, v34;
	_ =	sdelay $0x1  }
0x11f: {  	s7 =	sor.u32 $0x810, s6;
	[tilespmem:s12+$0x10000] =	vst v4  }
0x120: {  	v4 =	vld [tilespmem:s7+$0x0]  }
0x121: {  	v36 =	vld [tilespmem:s7+$0x8000];
	_ =	sdelay $0x4  }
0x122: {  	v4 =	vmul.f32 v36, v4;
	_ =	sdelay $0x1  }
0x123: {  	(xrf2) =	vadd.scan.msk.f32 $0xffff, v4;
	_ =	sdelay $0x6  }
0x124: {  	v3 =	vadd.f32 v35, v33;
	_ =	sdelay $0x1  }
0x125: {  	v37 =	vbroadcast v3, $0xF  }
0x126: {  	v38, _, _ =	vpop (xrf2)  }
0x127: {  	v4 =	vadd.f32 v38, v37;
	_ =	sdelay $0x1  }
0x128: {  	[tilespmem:s7+$0x10000] =	vst v4;
	s7 =	sor.u32 $0x820, s6  }
0x129: {  	v4 =	vld [tilespmem:s7+$0x0]  }
0x12a: {  	v39 =	vld [tilespmem:s7+$0x8000];
	_ =	sdelay $0x4  }
0x12b: {  	v4 =	vmul.f32 v39, v4;
	_ =	sdelay $0x1  }
0x12c: {  	(xrf2) =	vadd.scan.msk.f32 $0xffff, v4;
	_ =	sdelay $0x6  }
0x12d: {  	v3 =	vadd.f32 v38, v3;
	_ =	sdelay $0x1  }
0x12e: {  	v40 =	vbroadcast v3, $0xF  }
0x12f: {  	v41, _, _ =	vpop (xrf2)  }
0x130: {  	v4 =	vadd.f32 v41, v40;
	_ =	sdelay $0x1  }
0x131: {  	[tilespmem:s7+$0x10000] =	vst v4;
	s7 =	sor.u32 $0x830, s6  }
0x132: {  	v4 =	vld [tilespmem:s7+$0x0]  }
0x133: {  	v42 =	vld [tilespmem:s7+$0x8000];
	_ =	sdelay $0x4  }
0x134: {  	v4 =	vmul.f32 v42, v4;
	_ =	sdelay $0x1  }
0x135: {  	(xrf2) =	vadd.scan.msk.f32 $0xffff, v4;
	_ =	sdelay $0x6  }
0x136: {  	v3 =	vadd.f32 v41, v3;
	_ =	sdelay $0x1  }
0x137: {  	v43 =	vbroadcast v3, $0xF  }
0x138: {  	v44, _, _ =	vpop (xrf2)  }
0x139: {  	v4 =	vadd.f32 v44, v43;
	_ =	sdelay $0x1  }
0x13a: {  	[tilespmem:s7+$0x10000] =	vst v4;
	s7 =	sor.u32 $0x840, s6  }
0x13b: {  	v4 =	vld [tilespmem:s7+$0x0]  }
0x13c: {  	v45 =	vld [tilespmem:s7+$0x8000];
	_ =	sdelay $0x4  }
0x13d: {  	v4 =	vmul.f32 v45, v4;
	_ =	sdelay $0x1  }
0x13e: {  	(xrf2) =	vadd.scan.msk.f32 $0xffff, v4;
	_ =	sdelay $0x6  }
0x13f: {  	v3 =	vadd.f32 v44, v3;
	_ =	sdelay $0x1  }
0x140: {  	v46 =	vbroadcast v3, $0xF  }
0x141: {  	v47, _, _ =	vpop (xrf2)  }
0x142: {  	v4 =	vadd.f32 v47, v46;
	_ =	sdelay $0x1  }
0x143: {  	[tilespmem:s7+$0x10000] =	vst v4;
	s7 =	sor.u32 $0x850, s6  }
0x144: {  	v4 =	vld [tilespmem:s7+$0x0]  }
0x145: {  	v48 =	vld [tilespmem:s7+$0x8000];
	_ =	sdelay $0x4  }
0x146: {  	v4 =	vmul.f32 v48, v4;
	_ =	sdelay $0x1  }
0x147: {  	(xrf2) =	vadd.scan.msk.f32 $0xffff, v4;
	_ =	sdelay $0x6  }
0x148: {  	v3 =	vadd.f32 v47, v3;
	_ =	sdelay $0x1  }
0x149: {  	v49 =	vbroadcast v3, $0xF  }
0x14a: {  	v50, _, _ =	vpop (xrf2)  }
0x14b: {  	v4 =	vadd.f32 v50, v49;
	_ =	sdelay $0x1  }
0x14c: {  	[tilespmem:s7+$0x10000] =	vst v4;
	s7 =	sor.u32 $0x860, s6  }
0x14d: {  	v4 =	vld [tilespmem:s7+$0x0]  }
0x14e: {  	v51 =	vld [tilespmem:s7+$0x8000];
	_ =	sdelay $0x4  }
0x14f: {  	v4 =	vmul.f32 v51, v4;
	_ =	sdelay $0x1  }
0x150: {  	(xrf2) =	vadd.scan.msk.f32 $0xffff, v4;
	_ =	sdelay $0x6  }
0x151: {  	v3 =	vadd.f32 v50, v3;
	_ =	sdelay $0x1  }
0x152: {  	v52 =	vbroadcast v3, $0xF  }
0x153: {  	v53, _, _ =	vpop (xrf2)  }
0x154: {  	v4 =	vadd.f32 v53, v52;
	_ =	sdelay $0x1  }
0x155: {  	[tilespmem:s7+$0x10000] =	vst v4;
	s7 =	sor.u32 $0x870, s6  }
0x156: {  	v4 =	vld [tilespmem:s7+$0x0]  }
0x157: {  	v54 =	vld [tilespmem:s7+$0x8000];
	_ =	sdelay $0x4  }
0x158: {  	v4 =	vmul.f32 v54, v4;
	_ =	sdelay $0x1  }
0x159: {  	(xrf2) =	vadd.scan.msk.f32 $0xffff, v4;
	_ =	sdelay $0x6  }
0x15a: {  	v3 =	vadd.f32 v53, v3;
	_ =	sdelay $0x1  }
0x15b: {  	v55 =	vbroadcast v3, $0xF  }
0x15c: {  	v56, _, _ =	vpop (xrf2)  }
0x15d: {  	v4 =	vadd.f32 v56, v55;
	_ =	sdelay $0x1  }
0x15e: {  	[tilespmem:s7+$0x10000] =	vst v4;
	s7 =	sor.u32 $0xC00, s6  }
0x15f: {  	v4 =	vld [tilespmem:s7+$0x0]  }
0x160: {  	v57 =	vld [tilespmem:s7+$0x8000];
	_ =	sdelay $0x4  }
0x161: {  	v4 =	vmul.f32 v57, v4;
	_ =	sdelay $0x1  }
0x162: {  	(xrf2) =	vadd.scan.msk.f32 $0xffff, v4;
	_ =	sdelay $0x6  }
0x163: {  	v3 =	vadd.f32 v56, v3;
	_ =	sdelay $0x1  }
0x164: {  	v58 =	vbroadcast v3, $0xF  }
0x165: {  	v59, _, _ =	vpop (xrf2)  }
0x166: {  	v4 =	vadd.f32 v59, v58;
	_ =	sdelay $0x1  }
0x167: {  	[tilespmem:s7+$0x10000] =	vst v4;
	s7 =	sor.u32 $0xC10, s6  }
0x168: {  	v4 =	vld [tilespmem:s7+$0x0]  }
0x169: {  	v60 =	vld [tilespmem:s7+$0x8000];
	_ =	sdelay $0x4  }
0x16a: {  	v4 =	vmul.f32 v60, v4;
	_ =	sdelay $0x1  }
0x16b: {  	(xrf2) =	vadd.scan.msk.f32 $0xffff, v4;
	_ =	sdelay $0x6  }
0x16c: {  	v3 =	vadd.f32 v59, v3;
	_ =	sdelay $0x1  }
0x16d: {  	v61 =	vbroadcast v3, $0xF  }
0x16e: {  	v62, _, _ =	vpop (xrf2)  }
0x16f: {  	v4 =	vadd.f32 v62, v61;
	_ =	sdelay $0x1  }
0x170: {  	[tilespmem:s7+$0x10000] =	vst v4;
	s7 =	sor.u32 $0xC20, s6  }
0x171: {  	v4 =	vld [tilespmem:s7+$0x0]  }
0x172: {  	v63 =	vld [tilespmem:s7+$0x8000];
	_ =	sdelay $0x4  }
0x173: {  	v4 =	vmul.f32 v63, v4;
	_ =	sdelay $0x1  }
0x174: {  	(xrf2) =	vadd.scan.msk.f32 $0xffff, v4;
	_ =	sdelay $0x6  }
0x175: {  	v3 =	vadd.f32 v62, v3;
	_ =	sdelay $0x1  }
0x176: {  	v8 =	vbroadcast v3, $0xF  }
0x177: {  	v9, _, _ =	vpop (xrf2)  }
0x178: {  	v4 =	vadd.f32 v9, v8;
	_ =	sdelay $0x1  }
0x179: {  	[tilespmem:s7+$0x10000] =	vst v4;
	s7 =	sor.u32 $0xC30, s6  }
0x17a: {  	v4 =	vld [tilespmem:s7+$0x0]  }
0x17b: {  	v10 =	vld [tilespmem:s7+$0x8000];
	_ =	sdelay $0x4  }
0x17c: {  	v4 =	vmul.f32 v10, v4;
	_ =	sdelay $0x1  }
0x17d: {  	(xrf2) =	vadd.scan.msk.f32 $0xffff, v4;
	_ =	sdelay $0x6  }
0x17e: {  	v3 =	vadd.f32 v9, v3;
	_ =	sdelay $0x1  }
0x17f: {  	v11 =	vbroadcast v3, $0xF  }
0x180: {  	v12, _, _ =	vpop (xrf2)  }
0x181: {  	v4 =	vadd.f32 v12, v11;
	_ =	sdelay $0x1  }
0x182: {  	[tilespmem:s7+$0x10000] =	vst v4;
	s7 =	sor.u32 $0xC40, s6  }
0x183: {  	v4 =	vld [tilespmem:s7+$0x0]  }
0x184: {  	v13 =	vld [tilespmem:s7+$0x8000];
	_ =	sdelay $0x4  }
0x185: {  	v4 =	vmul.f32 v13, v4;
	_ =	sdelay $0x1  }
0x186: {  	(xrf2) =	vadd.scan.msk.f32 $0xffff, v4;
	_ =	sdelay $0x6  }
0x187: {  	v3 =	vadd.f32 v12, v3;
	_ =	sdelay $0x1  }
0x188: {  	v14 =	vbroadcast v3, $0xF  }
0x189: {  	v15, _, _ =	vpop (xrf2)  }
0x18a: {  	v4 =	vadd.f32 v15, v14;
	_ =	sdelay $0x1  }
0x18b: {  	[tilespmem:s7+$0x10000] =	vst v4;
	s7 =	sor.u32 $0xC50, s6  }
0x18c: {  	v4 =	vld [tilespmem:s7+$0x0]  }
0x18d: {  	v16 =	vld [tilespmem:s7+$0x8000];
	_ =	sdelay $0x4  }
0x18e: {  	v4 =	vmul.f32 v16, v4;
	_ =	sdelay $0x1  }
0x18f: {  	(xrf2) =	vadd.scan.msk.f32 $0xffff, v4;
	_ =	sdelay $0x6  }
0x190: {  	v3 =	vadd.f32 v15, v3;
	_ =	sdelay $0x1  }
0x191: {  	v17 =	vbroadcast v3, $0xF  }
0x192: {  	v18, _, _ =	vpop (xrf2)  }
0x193: {  	v4 =	vadd.f32 v18, v17;
	_ =	sdelay $0x1  }
0x194: {  	[tilespmem:s7+$0x10000] =	vst v4;
	s7 =	sor.u32 $0xC60, s6  }
0x195: {  	v4 =	vld [tilespmem:s7+$0x0]  }
0x196: {  	v19 =	vld [tilespmem:s7+$0x8000];
	_ =	sdelay $0x4  }
0x197: {  	v4 =	vmul.f32 v19, v4;
	_ =	sdelay $0x1  }
0x198: {  	(xrf2) =	vadd.scan.msk.f32 $0xffff, v4;
	_ =	sdelay $0x6  }
0x199: {  	v3 =	vadd.f32 v18, v3;
	_ =	sdelay $0x1  }
0x19a: {  	v5 =	vbroadcast v3, $0xF  }
0x19b: {  	v4, _, _ =	vpop (xrf2)  }
0x19c: {  	v5 =	vadd.f32 v4, v5;
	_ =	sdelay $0x1  }
0x19d: {  	v22 =	vld [tilespmem:s31+$0x8100];
	s12 =	sor.u32 $0xC70, s6;
	[tilespmem:s7+$0x10000] =	vst v5  }
0x19e: {  	v5 =	vld [tilespmem:s12+$0x0]  }
0x19f: {  	v20 =	vld [tilespmem:s12+$0x8000]  }
0x1a0: {  	v21 =	vld [tilespmem:s31+$0x100]  }
0x1a1: {  	v23 =	vld [tilespmem:s31+$0x110]  }
0x1a2: {  	v24 =	vld [tilespmem:s31+$0x8110]  }
0x1a3: {  	v25 =	vld [tilespmem:s31+$0x120]  }
0x1a4: {  	v26 =	vld [tilespmem:s31+$0x8120];
	v5 =	vmul.f32 v20, v5  }
0x1a5: {  	v27 =	vld [tilespmem:s31+$0x130];
	v7 =	vmul.f32 v22, v21  }
0x1a6: {  	v28 =	vld [tilespmem:s31+$0x8130];
	(xrf2) =	vadd.scan.msk.f32 $0xffff, v5  }
0x1a7: {  	v30 =	vld [tilespmem:s31+$0x140];
	v29 =	vmul.f32 v24, v23;
	(xrf2) =	vadd.scan.msk.f32 $0xffff, v7  }
0x1a8: {  	v31 =	vld [tilespmem:s31+$0x8140]  }
0x1a9: {  	v6 =	vmul.f32 v26, v25;
	v32 =	vld [tilespmem:s31+$0x150];
	(xrf2) =	vadd.scan.msk.f32 $0xffff, v29  }
0x1aa: {  	v33 =	vld [tilespmem:s31+$0x8150]  }
0x1ab: {  	v34 =	vld [tilespmem:s31+$0x160];
	v5 =	vmul.f32 v28, v27;
	(xrf2) =	vadd.scan.msk.f32 $0xffff, v6  }
0x1ac: {  	v35 =	vld [tilespmem:s31+$0x8160]  }
0x1ad: {  	v36 =	vmul.f32 v31, v30;
	v37 =	vld [tilespmem:s31+$0x170];
	(xrf2) =	vadd.scan.msk.f32 $0xffff, v5  }
0x1ae: {  	v38 =	vld [tilespmem:s31+$0x8170]  }
0x1af: {  	v39 =	vld [tilespmem:s31+$0x500];
	v7 =	vmul.f32 v33, v32;
	(xrf2) =	vadd.scan.msk.f32 $0xffff, v36  }
0x1b0: {  	v40 =	vld [tilespmem:s31+$0x8500];
	v5, _, _ =	vpop (xrf2)  }
0x1b1: {  	v42 =	vld [tilespmem:s31+$0x510];
	v6 =	vmul.f32 v35, v34;
	(xrf2) =	vadd.scan.msk.f32 $0xffff, v7;
	v41, _, _ =	vpop (xrf2)  }
0x1b2: {  	v43 =	vld [tilespmem:s31+$0x8510];
	v8 =	vadd.f32 $0.0e+00, v41  }
0x1b3: {  	v44 =	vmul.f32 v38, v37;
	v45 =	vld [tilespmem:s31+$0x520];
	(xrf2) =	vadd.scan.msk.f32 $0xffff, v6;
	v14, _, _ =	vpop (xrf2)  }
0x1b4: {  	v47 =	vld [tilespmem:s31+$0x8520];
	v46 =	vadd.f32 v14, v8  }
0x1b5: {  	v49 =	vmul.f32 v40, v39;
	v50 =	vld [tilespmem:s31+$0x530];
	(xrf2) =	vadd.scan.msk.f32 $0xffff, v44;
	v48, _, _ =	vpop (xrf2)  }
0x1b6: {  	v52 =	vld [tilespmem:s31+$0x8530];
	v51 =	vadd.f32 v48, v46  }
0x1b7: {  	v54 =	vmul.f32 v43, v42;
	v55 =	vld [tilespmem:s31+$0x540];
	(xrf2) =	vadd.scan.msk.f32 $0xffff, v49;
	v53, _, _ =	vpop (xrf2)  }
0x1b8: {  	v57 =	vld [tilespmem:s31+$0x8540];
	v56 =	vadd.f32 v53, v51  }
0x1b9: {  	v59 =	vmul.f32 v47, v45;
	v60 =	vld [tilespmem:s31+$0x550];
	(xrf2) =	vadd.scan.msk.f32 $0xffff, v54;
	v58, _, _ =	vpop (xrf2)  }
0x1ba: {  	v62 =	vld [tilespmem:s31+$0x8550];
	v61 =	vadd.f32 v58, v56  }
0x1bb: {  	v31 =	vld [tilespmem:s31+$0x560];
	v30 =	vmul.f32 v52, v50;
	v63, _, _ =	vpop (xrf2);
	(xrf2) =	vadd.scan.msk.f32 $0xffff, v59  }
0x1bc: {  	v33 =	vld [tilespmem:s31+$0x8560];
	v32 =	vadd.f32 v63, v61  }
0x1bd: {  	v35 =	vmul.f32 v57, v55;
	v34, _, _ =	vpop (xrf2);
	(xrf2) =	vadd.scan.msk.f32 $0xffff, v30  }
0x1be: {  	v36 =	vadd.f32 v34, v32  }
0x1bf: {  	v25 =	vld [tilespmem:s31+$0x8570];
	v38 =	vmul.f32 v62, v60;
	v37, _, _ =	vpop (xrf2);
	(xrf2) =	vadd.scan.msk.f32 $0xffff, v35  }
0x1c0: {  	v39 =	vld [tilespmem:s31+$0x570];
	v40 =	vadd.f32 v37, v36  }
0x1c1: {  	v41 =	vmul.f32 v33, v31;
	v26, _, _ =	vpop (xrf2);
	(xrf2) =	vadd.scan.msk.f32 $0xffff, v38  }
0x1c2: {  	v42 =	vbroadcast v8, $0xF;
	v43 =	vadd.f32 v26, v40  }
0x1c3: {  	v10 =	vbroadcast v46, $0xF;
	v27, _, _ =	vpop (xrf2);
	(xrf2) =	vadd.scan.msk.f32 $0xffff, v41  }
0x1c4: {  	v44 =	vadd.f32 v14, v42;
	v45 =	vbroadcast v51, $0xF;
	v46 =	vadd.f32 v27, v43  }
0x1c5: {  	v9 =	vmul.f32 v25, v39;
	[tilespmem:s31+$0x10100] =	vst v8;
	v47 =	vadd.f32 v48, v10;
	v48 =	vbroadcast v56, $0xF;
	v49, _, _ =	vpop (xrf2)  }
0x1c6: {  	[tilespmem:s31+$0x10110] =	vst v44;
	v50 =	vadd.f32 v53, v45;
	v51 =	vbroadcast v61, $0xF;
	v52 =	vadd.f32 v49, v46  }
0x1c7: {  	[tilespmem:s31+$0x10120] =	vst v47;
	v53 =	vadd.f32 v58, v48;
	v54 =	vbroadcast v32, $0xF;
	v55, _, _ =	vpop (xrf2);
	(xrf2) =	vadd.scan.msk.f32 $0xffff, v9  }
0x1c8: {  	[tilespmem:s31+$0x10130] =	vst v50;
	v56 =	vadd.f32 v63, v51;
	v7 =	vbroadcast v36, $0xF;
	v57 =	vadd.f32 v55, v52  }
0x1c9: {  	[tilespmem:s31+$0x10140] =	vst v53;
	v58 =	vadd.f32 v34, v54;
	v59 =	vbroadcast v40, $0xF;
	v60, _, _ =	vpop (xrf2)  }
0x1ca: {  	[tilespmem:s31+$0x10150] =	vst v56;
	v61 =	vadd.f32 v37, v7;
	v62 =	vbroadcast v43, $0xF;
	v63 =	vadd.f32 v60, v57  }
0x1cb: {  	[tilespmem:s31+$0x10160] =	vst v58;
	v18 =	vadd.f32 v26, v59;
	v19 =	vbroadcast v46, $0xF;
	v20, _, _ =	vpop (xrf2)  }
0x1cc: {  	[tilespmem:s31+$0x10170] =	vst v61;
	v21 =	vadd.f32 v27, v62;
	v22 =	vbroadcast v52, $0xF;
	v23 =	vadd.f32 v20, v63  }
0x1cd: {  	[tilespmem:s31+$0x10500] =	vst v18;
	v24 =	vadd.f32 v49, v19;
	v25, _, _ =	vpop (xrf2);
	v9 =	vbroadcast v57, $0xF  }
0x1ce: {  	[tilespmem:s31+$0x10510] =	vst v21;
	v26 =	vadd.f32 v55, v22;
	v27 =	vbroadcast v63, $0xF;
	v28 =	vadd.f32 v25, v23  }
0x1cf: {  	[tilespmem:s31+$0x10520] =	vst v24;
	v29 =	vadd.f32 v60, v9;
	v30 =	vbroadcast v23, $0xF  }
0x1d0: {  	[tilespmem:s31+$0x10530] =	vst v26;
	v31 =	vadd.f32 v20, v27;
	v32 =	vbroadcast v28, $0xF  }
0x1d1: {  	[tilespmem:s31+$0x10540] =	vst v29;
	v34, _, _ =	vpop (xrf2);
	v33 =	vadd.f32 v25, v30  }
0x1d2: {  	[tilespmem:s31+$0x10550] =	vst v31;
	v35 =	vadd.f32 v34, v32  }
0x1d3: {  	s6 =	sadd.s32 $0x100, s4;
	[tilespmem:s31+$0x10560] =	vst v33  }
0x1d4: {  	s7 =	sor.u32 $0x800, s6;
	[tilespmem:s31+$0x10570] =	vst v35  }
0x1d5: {  	v6 =	vld [tilespmem:s7+$0x0]  }
0x1d6: {  	v36 =	vld [tilespmem:s7+$0x8000];
	_ =	sdelay $0x4  }
0x1d7: {  	v6 =	vmul.f32 v36, v6;
	_ =	sdelay $0x1  }
0x1d8: {  	(xrf2) =	vadd.scan.msk.f32 $0xffff, v6;
	_ =	sdelay $0x6  }
0x1d9: {  	v37 =	vadd.f32 v34, v28;
	_ =	sdelay $0x1  }
0x1da: {  	v38 =	vbroadcast v37, $0xF  }
0x1db: {  	v39, _, _ =	vpop (xrf2)  }
0x1dc: {  	v7 =	vadd.f32 v39, v38;
	_ =	sdelay $0x1  }
0x1dd: {  	[tilespmem:s7+$0x10000] =	vst v7;
	s7 =	sor.u32 $0x810, s6  }
0x1de: {  	v7 =	vld [tilespmem:s7+$0x0]  }
0x1df: {  	v40 =	vld [tilespmem:s7+$0x8000];
	_ =	sdelay $0x4  }
0x1e0: {  	v7 =	vmul.f32 v40, v7;
	_ =	sdelay $0x1  }
0x1e1: {  	(xrf2) =	vadd.scan.msk.f32 $0xffff, v7;
	_ =	sdelay $0x6  }
0x1e2: {  	v6 =	vadd.f32 v39, v37;
	_ =	sdelay $0x1  }
0x1e3: {  	v41 =	vbroadcast v6, $0xF  }
0x1e4: {  	v42, _, _ =	vpop (xrf2)  }
0x1e5: {  	v7 =	vadd.f32 v42, v41;
	_ =	sdelay $0x1  }
0x1e6: {  	[tilespmem:s7+$0x10000] =	vst v7;
	s7 =	sor.u32 $0x820, s6  }
0x1e7: {  	v7 =	vld [tilespmem:s7+$0x0]  }
0x1e8: {  	v43 =	vld [tilespmem:s7+$0x8000];
	_ =	sdelay $0x4  }
0x1e9: {  	v7 =	vmul.f32 v43, v7;
	_ =	sdelay $0x1  }
0x1ea: {  	(xrf2) =	vadd.scan.msk.f32 $0xffff, v7;
	_ =	sdelay $0x6  }
0x1eb: {  	v6 =	vadd.f32 v42, v6;
	_ =	sdelay $0x1  }
0x1ec: {  	v44 =	vbroadcast v6, $0xF  }
0x1ed: {  	v45, _, _ =	vpop (xrf2)  }
0x1ee: {  	v7 =	vadd.f32 v45, v44;
	_ =	sdelay $0x1  }
0x1ef: {  	[tilespmem:s7+$0x10000] =	vst v7;
	s7 =	sor.u32 $0x830, s6  }
0x1f0: {  	v7 =	vld [tilespmem:s7+$0x0]  }
0x1f1: {  	v46 =	vld [tilespmem:s7+$0x8000];
	_ =	sdelay $0x4  }
0x1f2: {  	v7 =	vmul.f32 v46, v7;
	_ =	sdelay $0x1  }
0x1f3: {  	(xrf2) =	vadd.scan.msk.f32 $0xffff, v7;
	_ =	sdelay $0x6  }
0x1f4: {  	v6 =	vadd.f32 v45, v6;
	_ =	sdelay $0x1  }
0x1f5: {  	v47 =	vbroadcast v6, $0xF  }
0x1f6: {  	v48, _, _ =	vpop (xrf2)  }
0x1f7: {  	v7 =	vadd.f32 v48, v47;
	_ =	sdelay $0x1  }
0x1f8: {  	[tilespmem:s7+$0x10000] =	vst v7;
	s7 =	sor.u32 $0x840, s6  }
0x1f9: {  	v7 =	vld [tilespmem:s7+$0x0]  }
0x1fa: {  	v49 =	vld [tilespmem:s7+$0x8000];
	_ =	sdelay $0x4  }
0x1fb: {  	v7 =	vmul.f32 v49, v7;
	_ =	sdelay $0x1  }
0x1fc: {  	(xrf2) =	vadd.scan.msk.f32 $0xffff, v7;
	_ =	sdelay $0x6  }
0x1fd: {  	v6 =	vadd.f32 v48, v6;
	_ =	sdelay $0x1  }
0x1fe: {  	v50 =	vbroadcast v6, $0xF  }
0x1ff: {  	v51, _, _ =	vpop (xrf2)  }
0x200: {  	v7 =	vadd.f32 v51, v50;
	_ =	sdelay $0x1  }
0x201: {  	[tilespmem:s7+$0x10000] =	vst v7;
	s7 =	sor.u32 $0x850, s6  }
0x202: {  	v7 =	vld [tilespmem:s7+$0x0]  }
0x203: {  	v52 =	vld [tilespmem:s7+$0x8000];
	_ =	sdelay $0x4  }
0x204: {  	v7 =	vmul.f32 v52, v7;
	_ =	sdelay $0x1  }
0x205: {  	(xrf2) =	vadd.scan.msk.f32 $0xffff, v7;
	_ =	sdelay $0x6  }
0x206: {  	v6 =	vadd.f32 v51, v6;
	_ =	sdelay $0x1  }
0x207: {  	v53 =	vbroadcast v6, $0xF  }
0x208: {  	v54, _, _ =	vpop (xrf2)  }
0x209: {  	v7 =	vadd.f32 v54, v53;
	_ =	sdelay $0x1  }
0x20a: {  	[tilespmem:s7+$0x10000] =	vst v7;
	s7 =	sor.u32 $0x860, s6  }
0x20b: {  	v7 =	vld [tilespmem:s7+$0x0]  }
0x20c: {  	v55 =	vld [tilespmem:s7+$0x8000];
	_ =	sdelay $0x4  }
0x20d: {  	v7 =	vmul.f32 v55, v7;
	_ =	sdelay $0x1  }
0x20e: {  	(xrf2) =	vadd.scan.msk.f32 $0xffff, v7;
	_ =	sdelay $0x6  }
0x20f: {  	v6 =	vadd.f32 v54, v6;
	_ =	sdelay $0x1  }
0x210: {  	v56 =	vbroadcast v6, $0xF  }
0x211: {  	v57, _, _ =	vpop (xrf2)  }
0x212: {  	v7 =	vadd.f32 v57, v56;
	_ =	sdelay $0x1  }
0x213: {  	[tilespmem:s7+$0x10000] =	vst v7;
	s7 =	sor.u32 $0x870, s6  }
0x214: {  	v7 =	vld [tilespmem:s7+$0x0]  }
0x215: {  	v58 =	vld [tilespmem:s7+$0x8000];
	_ =	sdelay $0x4  }
0x216: {  	v7 =	vmul.f32 v58, v7;
	_ =	sdelay $0x1  }
0x217: {  	(xrf2) =	vadd.scan.msk.f32 $0xffff, v7;
	_ =	sdelay $0x6  }
0x218: {  	v6 =	vadd.f32 v57, v6;
	_ =	sdelay $0x1  }
0x219: {  	v59 =	vbroadcast v6, $0xF  }
0x21a: {  	v60, _, _ =	vpop (xrf2)  }
0x21b: {  	v7 =	vadd.f32 v60, v59;
	_ =	sdelay $0x1  }
0x21c: {  	[tilespmem:s7+$0x10000] =	vst v7;
	s7 =	sor.u32 $0xC00, s6  }
0x21d: {  	v7 =	vld [tilespmem:s7+$0x0]  }
0x21e: {  	v61 =	vld [tilespmem:s7+$0x8000];
	_ =	sdelay $0x4  }
0x21f: {  	v7 =	vmul.f32 v61, v7;
	_ =	sdelay $0x1  }
0x220: {  	(xrf2) =	vadd.scan.msk.f32 $0xffff, v7;
	_ =	sdelay $0x6  }
0x221: {  	v6 =	vadd.f32 v60, v6;
	_ =	sdelay $0x1  }
0x222: {  	v62 =	vbroadcast v6, $0xF  }
0x223: {  	v63, _, _ =	vpop (xrf2)  }
0x224: {  	v7 =	vadd.f32 v63, v62;
	_ =	sdelay $0x1  }
0x225: {  	[tilespmem:s7+$0x10000] =	vst v7;
	s7 =	sor.u32 $0xC10, s6  }
0x226: {  	v7 =	vld [tilespmem:s7+$0x0]  }
0x227: {  	v12 =	vld [tilespmem:s7+$0x8000];
	_ =	sdelay $0x4  }
0x228: {  	v7 =	vmul.f32 v12, v7;
	_ =	sdelay $0x1  }
0x229: {  	(xrf2) =	vadd.scan.msk.f32 $0xffff, v7;
	_ =	sdelay $0x6  }
0x22a: {  	v6 =	vadd.f32 v63, v6;
	_ =	sdelay $0x1  }
0x22b: {  	v13 =	vbroadcast v6, $0xF  }
0x22c: {  	v14, _, _ =	vpop (xrf2)  }
0x22d: {  	v7 =	vadd.f32 v14, v13;
	_ =	sdelay $0x1  }
0x22e: {  	[tilespmem:s7+$0x10000] =	vst v7;
	s7 =	sor.u32 $0xC20, s6  }
0x22f: {  	v7 =	vld [tilespmem:s7+$0x0]  }
0x230: {  	v15 =	vld [tilespmem:s7+$0x8000];
	_ =	sdelay $0x4  }
0x231: {  	v7 =	vmul.f32 v15, v7;
	_ =	sdelay $0x1  }
0x232: {  	(xrf2) =	vadd.scan.msk.f32 $0xffff, v7;
	_ =	sdelay $0x6  }
0x233: {  	v6 =	vadd.f32 v14, v6;
	_ =	sdelay $0x1  }
0x234: {  	v16 =	vbroadcast v6, $0xF  }
0x235: {  	v17, _, _ =	vpop (xrf2)  }
0x236: {  	v7 =	vadd.f32 v17, v16;
	_ =	sdelay $0x1  }
0x237: {  	[tilespmem:s7+$0x10000] =	vst v7;
	s7 =	sor.u32 $0xC30, s6  }
0x238: {  	v7 =	vld [tilespmem:s7+$0x0]  }
0x239: {  	v18 =	vld [tilespmem:s7+$0x8000];
	_ =	sdelay $0x4  }
0x23a: {  	v7 =	vmul.f32 v18, v7;
	_ =	sdelay $0x1  }
0x23b: {  	(xrf2) =	vadd.scan.msk.f32 $0xffff, v7;
	_ =	sdelay $0x6  }
0x23c: {  	v6 =	vadd.f32 v17, v6;
	_ =	sdelay $0x1  }
0x23d: {  	v19 =	vbroadcast v6, $0xF  }
0x23e: {  	v20, _, _ =	vpop (xrf2)  }
0x23f: {  	v7 =	vadd.f32 v20, v19;
	_ =	sdelay $0x1  }
0x240: {  	[tilespmem:s7+$0x10000] =	vst v7;
	s7 =	sor.u32 $0xC40, s6  }
0x241: {  	v7 =	vld [tilespmem:s7+$0x0]  }
0x242: {  	v21 =	vld [tilespmem:s7+$0x8000];
	_ =	sdelay $0x4  }
0x243: {  	v7 =	vmul.f32 v21, v7;
	_ =	sdelay $0x1  }
0x244: {  	(xrf2) =	vadd.scan.msk.f32 $0xffff, v7;
	_ =	sdelay $0x6  }
0x245: {  	v6 =	vadd.f32 v20, v6;
	_ =	sdelay $0x1  }
0x246: {  	v22 =	vbroadcast v6, $0xF  }
0x247: {  	v23, _, _ =	vpop (xrf2)  }
0x248: {  	v7 =	vadd.f32 v23, v22;
	_ =	sdelay $0x1  }
0x249: {  	[tilespmem:s7+$0x10000] =	vst v7;
	s7 =	sor.u32 $0xC50, s6  }
0x24a: {  	v7 =	vld [tilespmem:s7+$0x0]  }
0x24b: {  	v24 =	vld [tilespmem:s7+$0x8000];
	_ =	sdelay $0x4  }
0x24c: {  	v7 =	vmul.f32 v24, v7;
	_ =	sdelay $0x1  }
0x24d: {  	(xrf2) =	vadd.scan.msk.f32 $0xffff, v7;
	_ =	sdelay $0x6  }
0x24e: {  	v6 =	vadd.f32 v23, v6;
	_ =	sdelay $0x1  }
0x24f: {  	v25 =	vbroadcast v6, $0xF  }
0x250: {  	v26, _, _ =	vpop (xrf2)  }
0x251: {  	v7 =	vadd.f32 v26, v25;
	_ =	sdelay $0x1  }
0x252: {  	[tilespmem:s7+$0x10000] =	vst v7;
	s7 =	sor.u32 $0xC60, s6  }
0x253: {  	v7 =	vld [tilespmem:s7+$0x0]  }
0x254: {  	v27 =	vld [tilespmem:s7+$0x8000];
	_ =	sdelay $0x4  }
0x255: {  	v7 =	vmul.f32 v27, v7;
	_ =	sdelay $0x1  }
0x256: {  	(xrf2) =	vadd.scan.msk.f32 $0xffff, v7;
	_ =	sdelay $0x6  }
0x257: {  	v6 =	vadd.f32 v26, v6;
	_ =	sdelay $0x1  }
0x258: {  	v8 =	vbroadcast v6, $0xF  }
0x259: {  	v7, _, _ =	vpop (xrf2)  }
0x25a: {  	v8 =	vadd.f32 v7, v8;
	_ =	sdelay $0x1  }
0x25b: {  	v29 =	vld [tilespmem:s31+$0x180];
	s6 =	sor.u32 $0xC70, s6;
	[tilespmem:s7+$0x10000] =	vst v8  }
0x25c: {  	v8 =	vld [tilespmem:s6+$0x0]  }
0x25d: {  	v28 =	vld [tilespmem:s6+$0x8000]  }
0x25e: {  	v30 =	vld [tilespmem:s31+$0x8180]  }
0x25f: {  	v31 =	vld [tilespmem:s31+$0x190]  }
0x260: {  	v32 =	vld [tilespmem:s31+$0x8190]  }
0x261: {  	v33 =	vld [tilespmem:s31+$0x1A0]  }
0x262: {  	v34 =	vld [tilespmem:s31+$0x81A0];
	v8 =	vmul.f32 v28, v8  }
0x263: {  	v35 =	vld [tilespmem:s31+$0x1B0];
	v10 =	vmul.f32 v30, v29  }
0x264: {  	v36 =	vld [tilespmem:s31+$0x81B0];
	(xrf2) =	vadd.scan.msk.f32 $0xffff, v8  }
0x265: {  	v37 =	vmul.f32 v32, v31;
	v38 =	vld [tilespmem:s31+$0x1C0];
	(xrf2) =	vadd.scan.msk.f32 $0xffff, v10  }
0x266: {  	v39 =	vld [tilespmem:s31+$0x81C0]  }
0x267: {  	v9 =	vmul.f32 v34, v33;
	v40 =	vld [tilespmem:s31+$0x1D0];
	(xrf2) =	vadd.scan.msk.f32 $0xffff, v37  }
0x268: {  	v41 =	vld [tilespmem:s31+$0x81D0]  }
0x269: {  	v42 =	vld [tilespmem:s31+$0x1E0];
	v8 =	vmul.f32 v36, v35;
	(xrf2) =	vadd.scan.msk.f32 $0xffff, v9  }
0x26a: {  	v43 =	vld [tilespmem:s31+$0x81E0]  }
0x26b: {  	v44 =	vmul.f32 v39, v38;
	v45 =	vld [tilespmem:s31+$0x1F0];
	(xrf2) =	vadd.scan.msk.f32 $0xffff, v8  }
0x26c: {  	v46 =	vld [tilespmem:s31+$0x81F0]  }
0x26d: {  	v47 =	vld [tilespmem:s31+$0x580];
	v10 =	vmul.f32 v41, v40;
	(xrf2) =	vadd.scan.msk.f32 $0xffff, v44  }
0x26e: {  	v48 =	vld [tilespmem:s31+$0x8580];
	v8, _, _ =	vpop (xrf2)  }
0x26f: {  	v50 =	vld [tilespmem:s31+$0x590];
	v9 =	vmul.f32 v43, v42;
	(xrf2) =	vadd.scan.msk.f32 $0xffff, v10;
	v49, _, _ =	vpop (xrf2)  }
0x270: {  	v51 =	vld [tilespmem:s31+$0x8590];
	v11 =	vadd.f32 $0.0e+00, v49  }
0x271: {  	v52 =	vmul.f32 v46, v45;
	v53 =	vld [tilespmem:s31+$0x5A0];
	(xrf2) =	vadd.scan.msk.f32 $0xffff, v9;
	v17, _, _ =	vpop (xrf2)  }
0x272: {  	v55 =	vld [tilespmem:s31+$0x85A0];
	v54 =	vadd.f32 v17, v11  }
0x273: {  	v56 =	vmul.f32 v48, v47;
	v57 =	vld [tilespmem:s31+$0x5B0];
	(xrf2) =	vadd.scan.msk.f32 $0xffff, v52;
	v19, _, _ =	vpop (xrf2)  }
0x274: {  	v59 =	vld [tilespmem:s31+$0x85B0];
	v58 =	vadd.f32 v19, v54  }
0x275: {  	v32 =	vld [tilespmem:s31+$0x85C0];
	v61 =	vmul.f32 v51, v50;
	(xrf2) =	vadd.scan.msk.f32 $0xffff, v56;
	v60, _, _ =	vpop (xrf2)  }
0x276: {  	v62 =	vld [tilespmem:s31+$0x5C0];
	v63 =	vadd.f32 v60, v58  }
0x277: {  	v34 =	vmul.f32 v55, v53;
	v35 =	vld [tilespmem:s31+$0x5D0];
	(xrf2) =	vadd.scan.msk.f32 $0xffff, v61;
	v33, _, _ =	vpop (xrf2)  }
0x278: {  	v37 =	vld [tilespmem:s31+$0x85D0];
	v36 =	vadd.f32 v33, v63  }
0x279: {  	v39 =	vmul.f32 v59, v57;
	v40 =	vld [tilespmem:s31+$0x5E0];
	v38, _, _ =	vpop (xrf2);
	(xrf2) =	vadd.scan.msk.f32 $0xffff, v34  }
0x27a: {  	v42 =	vld [tilespmem:s31+$0x85E0];
	v41 =	vadd.f32 v38, v36  }
0x27b: {  	v44 =	vmul.f32 v32, v62;
	v43, _, _ =	vpop (xrf2);
	(xrf2) =	vadd.scan.msk.f32 $0xffff, v39  }
0x27c: {  	v45 =	vadd.f32 v43, v41  }
0x27d: {  	v48 =	vld [tilespmem:s31+$0x5F0];
	v47 =	vmul.f32 v37, v35;
	v46, _, _ =	vpop (xrf2);
	(xrf2) =	vadd.scan.msk.f32 $0xffff, v44  }
0x27e: {  	v28 =	vld [tilespmem:s31+$0x85F0];
	v49 =	vadd.f32 v46, v45  }
0x27f: {  	v50 =	vmul.f32 v42, v40;
	v29, _, _ =	vpop (xrf2);
	(xrf2) =	vadd.scan.msk.f32 $0xffff, v47  }
0x280: {  	v51 =	vbroadcast v11, $0xF;
	v52 =	vadd.f32 v29, v49  }
0x281: {  	v13 =	vbroadcast v54, $0xF;
	v30, _, _ =	vpop (xrf2);
	(xrf2) =	vadd.scan.msk.f32 $0xffff, v50  }
0x282: {  	v53 =	vadd.f32 v17, v51;
	v54 =	vbroadcast v58, $0xF;
	v55 =	vadd.f32 v30, v52  }
0x283: {  	v12 =	vmul.f32 v28, v48;
	[tilespmem:s31+$0x10180] =	vst v11;
	v57 =	vadd.f32 v19, v13;
	v58 =	vbroadcast v63, $0xF;
	v56, _, _ =	vpop (xrf2)  }
0x284: {  	[tilespmem:s31+$0x10190] =	vst v53;
	v59 =	vadd.f32 v60, v54;
	v60 =	vbroadcast v36, $0xF;
	v61 =	vadd.f32 v56, v55  }
0x285: {  	[tilespmem:s31+$0x101A0] =	vst v57;
	v62 =	vadd.f32 v33, v58;
	v23 =	vbroadcast v41, $0xF;
	(xrf2) =	vadd.scan.msk.f32 $0xffff, v12;
	v63, _, _ =	vpop (xrf2)  }
0x286: {  	[tilespmem:s31+$0x101B0] =	vst v59;
	v28 =	vadd.f32 v38, v60;
	v10 =	vbroadcast v45, $0xF;
	v31 =	vadd.f32 v63, v61  }
0x287: {  	[tilespmem:s31+$0x101C0] =	vst v62;
	v33 =	vadd.f32 v43, v23;
	v34 =	vbroadcast v49, $0xF;
	v32, _, _ =	vpop (xrf2)  }
0x288: {  	[tilespmem:s31+$0x101D0] =	vst v28;
	v35 =	vadd.f32 v46, v10;
	v36 =	vbroadcast v52, $0xF;
	v37 =	vadd.f32 v32, v31  }
0x289: {  	[tilespmem:s31+$0x101E0] =	vst v33;
	v39 =	vadd.f32 v29, v34;
	v40 =	vbroadcast v55, $0xF;
	v38, _, _ =	vpop (xrf2)  }
0x28a: {  	[tilespmem:s31+$0x101F0] =	vst v35;
	v41 =	vadd.f32 v30, v36;
	v42 =	vbroadcast v61, $0xF;
	v43 =	vadd.f32 v38, v37  }
0x28b: {  	[tilespmem:s31+$0x10580] =	vst v39;
	v44, _, _ =	vpop (xrf2);
	v45 =	vadd.f32 v56, v40;
	v46 =	vbroadcast v31, $0xF  }
0x28c: {  	[tilespmem:s31+$0x10590] =	vst v41;
	v47 =	vadd.f32 v63, v42;
	v48 =	vbroadcast v37, $0xF;
	v49 =	vadd.f32 v44, v43  }
0x28d: {  	[tilespmem:s31+$0x105A0] =	vst v45;
	v50 =	vadd.f32 v32, v46;
	v51 =	vbroadcast v43, $0xF  }
0x28e: {  	[tilespmem:s31+$0x105B0] =	vst v47;
	v52 =	vadd.f32 v38, v48;
	v53 =	vbroadcast v49, $0xF  }
0x28f: {  	[tilespmem:s31+$0x105C0] =	vst v50;
	v55, _, _ =	vpop (xrf2);
	v54 =	vadd.f32 v44, v51  }
0x290: {  	[tilespmem:s31+$0x105D0] =	vst v52;
	v56 =	vadd.f32 v55, v53  }
0x291: {  	s4 =	sadd.s32 $0x180, s4;
	[tilespmem:s31+$0x105E0] =	vst v54  }
0x292: {  	[tilespmem:s31+$0x105F0] =	vst v56;
	s31 =	sor.u32 $0x800, s4  }
0x293: {  	v9 =	vld [tilespmem:s31+$0x0]  }
0x294: {  	v57 =	vld [tilespmem:s31+$0x8000];
	_ =	sdelay $0x4  }
0x295: {  	v9 =	vmul.f32 v57, v9;
	_ =	sdelay $0x1  }
0x296: {  	(xrf2) =	vadd.scan.msk.f32 $0xffff, v9;
	_ =	sdelay $0x6  }
0x297: {  	v58 =	vadd.f32 v55, v49;
	_ =	sdelay $0x1  }
0x298: {  	v59 =	vbroadcast v58, $0xF  }
0x299: {  	v60, _, _ =	vpop (xrf2)  }
0x29a: {  	v10 =	vadd.f32 v60, v59;
	_ =	sdelay $0x1  }
0x29b: {  	[tilespmem:s31+$0x10000] =	vst v10;
	s31 =	sor.u32 $0x810, s4  }
0x29c: {  	v10 =	vld [tilespmem:s31+$0x0]  }
0x29d: {  	v61 =	vld [tilespmem:s31+$0x8000];
	_ =	sdelay $0x4  }
0x29e: {  	v10 =	vmul.f32 v61, v10;
	_ =	sdelay $0x1  }
0x29f: {  	(xrf2) =	vadd.scan.msk.f32 $0xffff, v10;
	_ =	sdelay $0x6  }
0x2a0: {  	v9 =	vadd.f32 v60, v58;
	_ =	sdelay $0x1  }
0x2a1: {  	v62 =	vbroadcast v9, $0xF  }
0x2a2: {  	v63, _, _ =	vpop (xrf2)  }
0x2a3: {  	v10 =	vadd.f32 v63, v62;
	_ =	sdelay $0x1  }
0x2a4: {  	[tilespmem:s31+$0x10000] =	vst v10;
	s31 =	sor.u32 $0x820, s4  }
0x2a5: {  	v10 =	vld [tilespmem:s31+$0x0]  }
0x2a6: {  	v16 =	vld [tilespmem:s31+$0x8000];
	_ =	sdelay $0x4  }
0x2a7: {  	v10 =	vmul.f32 v16, v10;
	_ =	sdelay $0x1  }
0x2a8: {  	(xrf2) =	vadd.scan.msk.f32 $0xffff, v10;
	_ =	sdelay $0x6  }
0x2a9: {  	v9 =	vadd.f32 v63, v9;
	_ =	sdelay $0x1  }
0x2aa: {  	v17 =	vbroadcast v9, $0xF  }
0x2ab: {  	v18, _, _ =	vpop (xrf2)  }
0x2ac: {  	v10 =	vadd.f32 v18, v17;
	_ =	sdelay $0x1  }
0x2ad: {  	[tilespmem:s31+$0x10000] =	vst v10;
	s31 =	sor.u32 $0x830, s4  }
0x2ae: {  	v10 =	vld [tilespmem:s31+$0x0]  }
0x2af: {  	v19 =	vld [tilespmem:s31+$0x8000];
	_ =	sdelay $0x4  }
0x2b0: {  	v10 =	vmul.f32 v19, v10;
	_ =	sdelay $0x1  }
0x2b1: {  	(xrf2) =	vadd.scan.msk.f32 $0xffff, v10;
	_ =	sdelay $0x6  }
0x2b2: {  	v9 =	vadd.f32 v18, v9;
	_ =	sdelay $0x1  }
0x2b3: {  	v20 =	vbroadcast v9, $0xF  }
0x2b4: {  	v21, _, _ =	vpop (xrf2)  }
0x2b5: {  	v10 =	vadd.f32 v21, v20;
	_ =	sdelay $0x1  }
0x2b6: {  	[tilespmem:s31+$0x10000] =	vst v10;
	s31 =	sor.u32 $0x840, s4  }
0x2b7: {  	v10 =	vld [tilespmem:s31+$0x0]  }
0x2b8: {  	v22 =	vld [tilespmem:s31+$0x8000];
	_ =	sdelay $0x4  }
0x2b9: {  	v10 =	vmul.f32 v22, v10;
	_ =	sdelay $0x1  }
0x2ba: {  	(xrf2) =	vadd.scan.msk.f32 $0xffff, v10;
	_ =	sdelay $0x6  }
0x2bb: {  	v9 =	vadd.f32 v21, v9;
	_ =	sdelay $0x1  }
0x2bc: {  	v23 =	vbroadcast v9, $0xF  }
0x2bd: {  	v24, _, _ =	vpop (xrf2)  }
0x2be: {  	v10 =	vadd.f32 v24, v23;
	_ =	sdelay $0x1  }
0x2bf: {  	[tilespmem:s31+$0x10000] =	vst v10;
	s31 =	sor.u32 $0x850, s4  }
0x2c0: {  	v10 =	vld [tilespmem:s31+$0x0]  }
0x2c1: {  	v25 =	vld [tilespmem:s31+$0x8000];
	_ =	sdelay $0x4  }
0x2c2: {  	v10 =	vmul.f32 v25, v10;
	_ =	sdelay $0x1  }
0x2c3: {  	(xrf2) =	vadd.scan.msk.f32 $0xffff, v10;
	_ =	sdelay $0x6  }
0x2c4: {  	v9 =	vadd.f32 v24, v9;
	_ =	sdelay $0x1  }
0x2c5: {  	v26 =	vbroadcast v9, $0xF  }
0x2c6: {  	v27, _, _ =	vpop (xrf2)  }
0x2c7: {  	v10 =	vadd.f32 v27, v26;
	_ =	sdelay $0x1  }
0x2c8: {  	[tilespmem:s31+$0x10000] =	vst v10;
	s31 =	sor.u32 $0x860, s4  }
0x2c9: {  	v10 =	vld [tilespmem:s31+$0x0]  }
0x2ca: {  	v28 =	vld [tilespmem:s31+$0x8000];
	_ =	sdelay $0x4  }
0x2cb: {  	v10 =	vmul.f32 v28, v10;
	_ =	sdelay $0x1  }
0x2cc: {  	(xrf2) =	vadd.scan.msk.f32 $0xffff, v10;
	_ =	sdelay $0x6  }
0x2cd: {  	v9 =	vadd.f32 v27, v9;
	_ =	sdelay $0x1  }
0x2ce: {  	v29 =	vbroadcast v9, $0xF  }
0x2cf: {  	v30, _, _ =	vpop (xrf2)  }
0x2d0: {  	v10 =	vadd.f32 v30, v29;
	_ =	sdelay $0x1  }
0x2d1: {  	[tilespmem:s31+$0x10000] =	vst v10;
	s31 =	sor.u32 $0x870, s4  }
0x2d2: {  	v10 =	vld [tilespmem:s31+$0x0]  }
0x2d3: {  	v31 =	vld [tilespmem:s31+$0x8000];
	_ =	sdelay $0x4  }
0x2d4: {  	v10 =	vmul.f32 v31, v10;
	_ =	sdelay $0x1  }
0x2d5: {  	(xrf2) =	vadd.scan.msk.f32 $0xffff, v10;
	_ =	sdelay $0x6  }
0x2d6: {  	v9 =	vadd.f32 v30, v9;
	_ =	sdelay $0x1  }
0x2d7: {  	v32 =	vbroadcast v9, $0xF  }
0x2d8: {  	v33, _, _ =	vpop (xrf2)  }
0x2d9: {  	v10 =	vadd.f32 v33, v32;
	_ =	sdelay $0x1  }
0x2da: {  	[tilespmem:s31+$0x10000] =	vst v10;
	s31 =	sor.u32 $0xC00, s4  }
0x2db: {  	v10 =	vld [tilespmem:s31+$0x0]  }
0x2dc: {  	v34 =	vld [tilespmem:s31+$0x8000];
	_ =	sdelay $0x4  }
0x2dd: {  	v10 =	vmul.f32 v34, v10;
	_ =	sdelay $0x1  }
0x2de: {  	(xrf2) =	vadd.scan.msk.f32 $0xffff, v10;
	_ =	sdelay $0x6  }
0x2df: {  	v9 =	vadd.f32 v33, v9;
	_ =	sdelay $0x1  }
0x2e0: {  	v35 =	vbroadcast v9, $0xF  }
0x2e1: {  	v36, _, _ =	vpop (xrf2)  }
0x2e2: {  	v10 =	vadd.f32 v36, v35;
	_ =	sdelay $0x1  }
0x2e3: {  	[tilespmem:s31+$0x10000] =	vst v10;
	s31 =	sor.u32 $0xC10, s4  }
0x2e4: {  	v10 =	vld [tilespmem:s31+$0x0]  }
0x2e5: {  	v37 =	vld [tilespmem:s31+$0x8000];
	_ =	sdelay $0x4  }
0x2e6: {  	v10 =	vmul.f32 v37, v10;
	_ =	sdelay $0x1  }
0x2e7: {  	(xrf2) =	vadd.scan.msk.f32 $0xffff, v10;
	_ =	sdelay $0x6  }
0x2e8: {  	v9 =	vadd.f32 v36, v9;
	_ =	sdelay $0x1  }
0x2e9: {  	v38 =	vbroadcast v9, $0xF  }
0x2ea: {  	v39, _, _ =	vpop (xrf2)  }
0x2eb: {  	v10 =	vadd.f32 v39, v38;
	_ =	sdelay $0x1  }
0x2ec: {  	[tilespmem:s31+$0x10000] =	vst v10;
	s31 =	sor.u32 $0xC20, s4  }
0x2ed: {  	v10 =	vld [tilespmem:s31+$0x0]  }
0x2ee: {  	v40 =	vld [tilespmem:s31+$0x8000];
	_ =	sdelay $0x4  }
0x2ef: {  	v10 =	vmul.f32 v40, v10;
	_ =	sdelay $0x1  }
0x2f0: {  	(xrf2) =	vadd.scan.msk.f32 $0xffff, v10;
	_ =	sdelay $0x6  }
0x2f1: {  	v9 =	vadd.f32 v39, v9;
	_ =	sdelay $0x1  }
0x2f2: {  	v41 =	vbroadcast v9, $0xF  }
0x2f3: {  	v42, _, _ =	vpop (xrf2)  }
0x2f4: {  	v10 =	vadd.f32 v42, v41;
	_ =	sdelay $0x1  }
0x2f5: {  	[tilespmem:s31+$0x10000] =	vst v10;
	s31 =	sor.u32 $0xC30, s4  }
0x2f6: {  	v10 =	vld [tilespmem:s31+$0x0]  }
0x2f7: {  	v43 =	vld [tilespmem:s31+$0x8000];
	_ =	sdelay $0x4  }
0x2f8: {  	v10 =	vmul.f32 v43, v10;
	_ =	sdelay $0x1  }
0x2f9: {  	(xrf2) =	vadd.scan.msk.f32 $0xffff, v10;
	_ =	sdelay $0x6  }
0x2fa: {  	v9 =	vadd.f32 v42, v9;
	_ =	sdelay $0x1  }
0x2fb: {  	v44 =	vbroadcast v9, $0xF  }
0x2fc: {  	v45, _, _ =	vpop (xrf2)  }
0x2fd: {  	v10 =	vadd.f32 v45, v44;
	_ =	sdelay $0x1  }
0x2fe: {  	[tilespmem:s31+$0x10000] =	vst v10;
	s31 =	sor.u32 $0xC40, s4  }
0x2ff: {  	v10 =	vld [tilespmem:s31+$0x0]  }
0x300: {  	v46 =	vld [tilespmem:s31+$0x8000];
	_ =	sdelay $0x4  }
0x301: {  	v10 =	vmul.f32 v46, v10;
	_ =	sdelay $0x1  }
0x302: {  	(xrf2) =	vadd.scan.msk.f32 $0xffff, v10;
	_ =	sdelay $0x6  }
0x303: {  	v9 =	vadd.f32 v45, v9;
	_ =	sdelay $0x1  }
0x304: {  	v47 =	vbroadcast v9, $0xF  }
0x305: {  	v48, _, _ =	vpop (xrf2)  }
0x306: {  	v10 =	vadd.f32 v48, v47;
	_ =	sdelay $0x1  }
0x307: {  	[tilespmem:s31+$0x10000] =	vst v10;
	s31 =	sor.u32 $0xC50, s4  }
0x308: {  	v10 =	vld [tilespmem:s31+$0x0]  }
0x309: {  	v49 =	vld [tilespmem:s31+$0x8000];
	_ =	sdelay $0x4  }
0x30a: {  	v10 =	vmul.f32 v49, v10;
	_ =	sdelay $0x1  }
0x30b: {  	(xrf2) =	vadd.scan.msk.f32 $0xffff, v10;
	_ =	sdelay $0x6  }
0x30c: {  	v9 =	vadd.f32 v48, v9;
	_ =	sdelay $0x1  }
0x30d: {  	v50 =	vbroadcast v9, $0xF  }
0x30e: {  	v51, _, _ =	vpop (xrf2)  }
0x30f: {  	v10 =	vadd.f32 v51, v50;
	_ =	sdelay $0x1  }
0x310: {  	[tilespmem:s31+$0x10000] =	vst v10;
	s31 =	sor.u32 $0xC60, s4  }
0x311: {  	v10 =	vld [tilespmem:s31+$0x0]  }
0x312: {  	v52 =	vld [tilespmem:s31+$0x8000];
	_ =	sdelay $0x4  }
0x313: {  	v10 =	vmul.f32 v52, v10;
	_ =	sdelay $0x1  }
0x314: {  	(xrf2) =	vadd.scan.msk.f32 $0xffff, v10;
	_ =	sdelay $0x6  }
0x315: {  	v9 =	vadd.f32 v51, v9;
	_ =	sdelay $0x1  }
0x316: {  	v53 =	vbroadcast v9, $0xF  }
0x317: {  	v54, _, _ =	vpop (xrf2)  }
0x318: {  	v10 =	vadd.f32 v54, v53;
	_ =	sdelay $0x1  }
0x319: {  	s4 =	sor.u32 $0xC70, s4;
	[tilespmem:s31+$0x10000] =	vst v10  }
0x31a: {  	v10 =	vld [tilespmem:s4+$0x0]  }
0x31b: {  	v55 =	vld [tilespmem:s4+$0x8000];
	_ =	sdelay $0x4  }
0x31c: {  	v10 =	vmul.f32 v55, v10;
	_ =	sdelay $0x1  }
0x31d: {  	(xrf2) =	vadd.scan.msk.f32 $0xffff, v10;
	_ =	sdelay $0x3  }
0x31e: {  	v0 =	vadd.f32 v1, v0  }
0x31f: {  	v56 =	vadd.f32 v4, v3  }
0x320: {  	v0 =	vbroadcast v0, $0xF;
	v57 =	vadd.f32 v7, v6  }
0x321: {  	s28 =	sadd.s32 $0x4, s28;
	v1 =	vbroadcast v56, $0xF;
	v58 =	vadd.f32 v54, v9  }
0x322: {  	p2 =	slt.u32 s28, $0x1C;
	v0 =	vadd.f32 v2, v0;
	v59 =	vbroadcast v57, $0xF  }
.Ltmp0:
0x323: {  	v1 =	vadd.f32 v5, v1;
	v60 =	vbroadcast v58, $0xF;
	(pc) =	sbr.rel @p2 .LBB2_3-.Ltmp0, $4  }
0x324: {  	[tilespmem:s0+$0x10000] =	vst v0;
	v61 =	vadd.f32 v8, v59;
	v62, _, _ =	vpop (xrf2)  }
0x325: {  	[tilespmem:s12+$0x10000] =	vst v1;
	v63 =	vadd.f32 v62, v60  }
0x326: {  	[tilespmem:s6+$0x10000] =	vst v61  }
0x327: {  	s30 =	sadd.s32 $0x200, s30;
	p1 =	por !p1, !p1;
	s29 =	sadd.s32 $0x800, s29;
	[tilespmem:s4+$0x10000] =	vst v63  }
0x328: {  	s0 =	sadd.s32 s26, s9;
	p1 =	seq.s32 s24, $0x1F  }
0x329: {  	[hbm4b:s0+s3] =	stream.linear.scatter [tilespmem:s17], [sflag:$0x5], $0x4000, $0x38;
	[tilespmem:$0x18000] =	vst v63  }
0x32a: {  	s0 =	sadd.s32 @!p1 s26, s10  }
0x32b: {  	s6 =	simm.s32 @!p1 $0x0;
	s4 =	sadd.s32 @!p1 s1, s0  }
0x32c: {  	[tilespmem:s6], [sflag:$0x1] =	stream.linear.gather @!p1 [hbm4b:s4+s6], $0x4000, $0x38;
	[tilespmem:$0x18000] =	vst v63  }
0x32d: {  	s0 =	sadd.s32 @!p1 s5, s0;
	s4 =	simm.s32 @!p1 $0x8000  }
0x32e: {  	[tilespmem:s4], [sflag:$0x3] =	stream.linear.gather @!p1 [hbm4b:s0+s6], $0x4000, $0x38;
	[tilespmem:$0x18000] =	vst v63  }
0x32f: {  	_ =	swait.ge [sflag:s18], $0x4000  }
0x330: {  	[sflag:s18] =	ssyncset.done $0x0  }
0x331: {  	[sflag:s18] =	ssyncadd.s32 $0xFFFFC000  }
0x332: {  	_ =	swait.ge [sflag:s19], $0x4000  }
0x333: {  	[sflag:s19] =	ssyncset.done $0x0  }
0x334: {  	s0 =	simm.s32 @!p0 $0x6;
	[sflag:s19] =	ssyncadd.s32 $0xFFFFC000  }
0x335: {  	_ =	swait.ge @!p0 [sflag:s0], $0x4000  }
0x336: {  	s28 =	simm.s32 $0x0;
	s29 =	simm.s32 $0x0;
	[sflag:s0] =	ssyncset.done @!p0 $0x0  }
0x337: {  	s26 =	simm.s32 $0xFFFFFFFC;
	[sflag:s0] =	ssyncadd.s32 @!p0 $0xFFFFC000;
	p0 =	por $0x0, $0x0  }
.LBB2_5:
0x338: {  	s0 =	sand.u32 $0x3000, s28;
	s4 =	sand.u32 $0x200, s29  }
0x339: {  	s30 =	sor.u32 s4, s0  }
0x33a: {  	v0 =	vld [tilespmem:s30+$0x4000]  }
0x33b: {  	v1 =	vld [tilespmem:s30+$0xC000]  }
0x33c: {  	v2 =	vld [tilespmem:s30+$0x4010]  }
0x33d: {  	v3 =	vld [tilespmem:s30+$0xC010]  }
0x33e: {  	v4 =	vld [tilespmem:s30+$0x4020]  }
0x33f: {  	v5 =	vld [tilespmem:s30+$0xC020]  }
0x340: {  	v61 =	vld [tilespmem:s30+$0x4030];
	v0 =	vmul.f32 v1, v0  }
0x341: {  	v6 =	vld [tilespmem:s30+$0xC030]  }
0x342: {  	v63 =	vld [tilespmem:s30+$0x4040];
	v62 =	vmul.f32 v3, v2;
	(xrf2) =	vadd.scan.msk.f32 $0xffff, v0  }
0x343: {  	v9 =	vld [tilespmem:s30+$0xC040]  }
0x344: {  	v11 =	vld [tilespmem:s30+$0x4050];
	v10 =	vmul.f32 v5, v4;
	(xrf2) =	vadd.scan.msk.f32 $0xffff, v62  }
0x345: {  	v12 =	vld [tilespmem:s30+$0xC050]  }
0x346: {  	v14 =	vld [tilespmem:s30+$0x4060];
	v13 =	vmul.f32 v6, v61;
	(xrf2) =	vadd.scan.msk.f32 $0xffff, v10  }
0x347: {  	v15 =	vld [tilespmem:s30+$0xC060]  }
0x348: {  	v17 =	vld [tilespmem:s30+$0x4070];
	v16 =	vmul.f32 v9, v63;
	(xrf2) =	vadd.scan.msk.f32 $0xffff, v13  }
0x349: {  	v18 =	vld [tilespmem:s30+$0xC070]  }
0x34a: {  	v20 =	vld [tilespmem:s30+$0x4400];
	v19 =	vmul.f32 v12, v11;
	(xrf2) =	vadd.scan.msk.f32 $0xffff, v16  }
0x34b: {  	v21 =	vld [tilespmem:s30+$0xC400]  }
0x34c: {  	v23 =	vld [tilespmem:s30+$0x4410];
	v22 =	vmul.f32 v15, v14;
	v7, _, _ =	vpop (xrf2);
	(xrf2) =	vadd.scan.msk.f32 $0xffff, v19  }
0x34d: {  	v25 =	vld [tilespmem:s30+$0xC410];
	v24 =	vadd.f32 $0.0e+00, v7  }
0x34e: {  	v27 =	vld [tilespmem:s30+$0x4420];
	v26 =	vmul.f32 v18, v17;
	v8, _, _ =	vpop (xrf2);
	(xrf2) =	vadd.scan.msk.f32 $0xffff, v22  }
0x34f: {  	v9 =	vld [tilespmem:s30+$0xC420];
	v28 =	vadd.f32 v8, v24  }
0x350: {  	v30 =	vld [tilespmem:s30+$0x4430];
	v29 =	vmul.f32 v21, v20;
	v10, _, _ =	vpop (xrf2);
	(xrf2) =	vadd.scan.msk.f32 $0xffff, v26  }
0x351: {  	v11 =	vld [tilespmem:s30+$0xC430];
	v31 =	vadd.f32 v10, v28  }
0x352: {  	v33 =	vld [tilespmem:s30+$0x4440];
	v32 =	vmul.f32 v25, v23;
	v12, _, _ =	vpop (xrf2);
	(xrf2) =	vadd.scan.msk.f32 $0xffff, v29  }
0x353: {  	v13 =	vld [tilespmem:s30+$0xC440];
	v34 =	vadd.f32 v12, v31  }
0x354: {  	v36 =	vld [tilespmem:s30+$0x4450];
	v35 =	vmul.f32 v9, v27;
	v14, _, _ =	vpop (xrf2);
	(xrf2) =	vadd.scan.msk.f32 $0xffff, v32  }
0x355: {  	v15 =	vld [tilespmem:s30+$0xC450];
	v37 =	vadd.f32 v14, v34  }
0x356: {  	v39 =	vld [tilespmem:s30+$0x4460];
	v38 =	vmul.f32 v11, v30;
	v16, _, _ =	vpop (xrf2);
	(xrf2) =	vadd.scan.msk.f32 $0xffff, v35  }
0x357: {  	v17 =	vld [tilespmem:s30+$0xC460];
	v40 =	vadd.f32 v16, v37  }
0x358: {  	v41 =	vmul.f32 v13, v33;
	v18, _, _ =	vpop (xrf2);
	(xrf2) =	vadd.scan.msk.f32 $0xffff, v38  }
0x359: {  	v42 =	vadd.f32 v18, v40  }
0x35a: {  	v45 =	vld [tilespmem:s30+$0x4470];
	v44 =	vmul.f32 v15, v36;
	v43, _, _ =	vpop (xrf2);
	(xrf2) =	vadd.scan.msk.f32 $0xffff, v41  }
0x35b: {  	v19 =	vld [tilespmem:s30+$0xC470];
	v46 =	vadd.f32 v43, v42  }
0x35c: {  	v47 =	vmul.f32 v17, v39;
	v20, _, _ =	vpop (xrf2);
	(xrf2) =	vadd.scan.msk.f32 $0xffff, v44  }
0x35d: {  	v48 =	vbroadcast v24, $0xF;
	v49 =	vadd.f32 v20, v46  }
0x35e: {  	v3 =	vbroadcast v28, $0xF;
	v21, _, _ =	vpop (xrf2);
	(xrf2) =	vadd.scan.msk.f32 $0xffff, v47  }
0x35f: {  	v50 =	vadd.f32 v8, v48;
	v51 =	vbroadcast v31, $0xF;
	v52 =	vadd.f32 v21, v49  }
0x360: {  	[tilespmem:s30+$0x14000] =	vst v24;
	v2 =	vmul.f32 v19, v45;
	v3 =	vadd.f32 v10, v3;
	v53 =	vbroadcast v34, $0xF;
	v54, _, _ =	vpop (xrf2)  }
0x361: {  	[tilespmem:s30+$0x14010] =	vst v50;
	v55 =	vadd.f32 v12, v51;
	v56 =	vbroadcast v37, $0xF;
	v57 =	vadd.f32 v54, v52  }
0x362: {  	[tilespmem:s30+$0x14020] =	vst v3;
	v58 =	vadd.f32 v14, v53;
	v59 =	vbroadcast v40, $0xF;
	v60, _, _ =	vpop (xrf2);
	(xrf2) =	vadd.scan.msk.f32 $0xffff, v2  }
0x363: {  	[tilespmem:s30+$0x14030] =	vst v55;
	v61 =	vadd.f32 v16, v56;
	v1 =	vbroadcast v42, $0xF;
	v62 =	vadd.f32 v60, v57  }
0x364: {  	[tilespmem:s30+$0x14040] =	vst v58;
	v63 =	vadd.f32 v18, v59;
	v12 =	vbroadcast v46, $0xF;
	v14, _, _ =	vpop (xrf2)  }
0x365: {  	[tilespmem:s30+$0x14050] =	vst v61;
	v15 =	vadd.f32 v43, v1;
	v16 =	vbroadcast v49, $0xF;
	v17 =	vadd.f32 v14, v62  }
0x366: {  	[tilespmem:s30+$0x14060] =	vst v63;
	v18 =	vadd.f32 v20, v12;
	v19 =	vbroadcast v52, $0xF;
	v20, _, _ =	vpop (xrf2)  }
0x367: {  	[tilespmem:s30+$0x14070] =	vst v15;
	v21 =	vadd.f32 v21, v16;
	v22 =	vbroadcast v57, $0xF;
	v23 =	vadd.f32 v20, v17  }
0x368: {  	[tilespmem:s30+$0x14400] =	vst v18;
	v24 =	vadd.f32 v54, v19;
	v25, _, _ =	vpop (xrf2);
	v2 =	vbroadcast v62, $0xF  }
0x369: {  	[tilespmem:s30+$0x14410] =	vst v21;
	v26 =	vadd.f32 v60, v22;
	v27 =	vbroadcast v17, $0xF;
	v28 =	vadd.f32 v25, v23  }
0x36a: {  	[tilespmem:s30+$0x14420] =	vst v24;
	v2 =	vadd.f32 v14, v2;
	v29 =	vbroadcast v23, $0xF  }
0x36b: {  	s0 =	simm.s32 $0x1;
	[tilespmem:s30+$0x14430] =	vst v26;
	v30 =	vadd.f32 v20, v27;
	v31 =	vbroadcast v28, $0xF  }
0x36c: {  	s0 =	simm.s32 @!p0 $0x0;
	[tilespmem:s30+$0x14440] =	vst v2;
	v32 =	vadd.f32 v25, v29;
	v33, _, _ =	vpop (xrf2)  }
0x36d: {  	s0 =	sshll.u32 s0, $0x9;
	[tilespmem:s30+$0x14450] =	vst v30;
	v34 =	vadd.f32 v33, v31  }
0x36e: {  	s4 =	sadd.s32 s0, s28;
	[tilespmem:s30+$0x14460] =	vst v32  }
0x36f: {  	s0 =	sor.u32 $0x800, s4;
	[tilespmem:s30+$0x14470] =	vst v34  }
0x370: {  	v0 =	vld [tilespmem:s0+$0x4000]  }
0x371: {  	v35 =	vld [tilespmem:s0+$0xC000];
	_ =	sdelay $0x4  }
0x372: {  	v0 =	vmul.f32 v35, v0;
	_ =	sdelay $0x1  }
0x373: {  	(xrf2) =	vadd.scan.msk.f32 $0xffff, v0;
	_ =	sdelay $0x6  }
0x374: {  	v36 =	vadd.f32 v33, v28;
	_ =	sdelay $0x1  }
0x375: {  	v37 =	vbroadcast v36, $0xF  }
0x376: {  	v38, _, _ =	vpop (xrf2)  }
0x377: {  	v1 =	vadd.f32 v38, v37;
	_ =	sdelay $0x1  }
0x378: {  	s7 =	sor.u32 $0x810, s4;
	[tilespmem:s0+$0x14000] =	vst v1  }
0x379: {  	v1 =	vld [tilespmem:s7+$0x4000]  }
0x37a: {  	v39 =	vld [tilespmem:s7+$0xC000];
	_ =	sdelay $0x4  }
0x37b: {  	v1 =	vmul.f32 v39, v1;
	_ =	sdelay $0x1  }
0x37c: {  	(xrf2) =	vadd.scan.msk.f32 $0xffff, v1;
	_ =	sdelay $0x6  }
0x37d: {  	v0 =	vadd.f32 v38, v36;
	_ =	sdelay $0x1  }
0x37e: {  	v40 =	vbroadcast v0, $0xF  }
0x37f: {  	v41, _, _ =	vpop (xrf2)  }
0x380: {  	v1 =	vadd.f32 v41, v40;
	_ =	sdelay $0x1  }
0x381: {  	s12 =	sor.u32 $0x820, s4;
	[tilespmem:s7+$0x14000] =	vst v1  }
0x382: {  	v1 =	vld [tilespmem:s12+$0x4000]  }
0x383: {  	v42 =	vld [tilespmem:s12+$0xC000];
	_ =	sdelay $0x4  }
0x384: {  	v1 =	vmul.f32 v42, v1;
	_ =	sdelay $0x1  }
0x385: {  	(xrf2) =	vadd.scan.msk.f32 $0xffff, v1;
	_ =	sdelay $0x6  }
0x386: {  	v0 =	vadd.f32 v41, v0;
	_ =	sdelay $0x1  }
0x387: {  	v43 =	vbroadcast v0, $0xF  }
0x388: {  	v44, _, _ =	vpop (xrf2)  }
0x389: {  	v1 =	vadd.f32 v44, v43;
	_ =	sdelay $0x1  }
0x38a: {  	s31 =	sor.u32 $0x830, s4;
	[tilespmem:s12+$0x14000] =	vst v1  }
0x38b: {  	v1 =	vld [tilespmem:s31+$0x4000]  }
0x38c: {  	v45 =	vld [tilespmem:s31+$0xC000];
	_ =	sdelay $0x4  }
0x38d: {  	v1 =	vmul.f32 v45, v1;
	_ =	sdelay $0x1  }
0x38e: {  	(xrf2) =	vadd.scan.msk.f32 $0xffff, v1;
	_ =	sdelay $0x6  }
0x38f: {  	v0 =	vadd.f32 v44, v0;
	_ =	sdelay $0x1  }
0x390: {  	v46 =	vbroadcast v0, $0xF  }
0x391: {  	v47, _, _ =	vpop (xrf2)  }
0x392: {  	v1 =	vadd.f32 v47, v46;
	_ =	sdelay $0x1  }
0x393: {  	s6 =	sor.u32 $0x840, s4;
	[tilespmem:s31+$0x14000] =	vst v1  }
0x394: {  	v1 =	vld [tilespmem:s6+$0x4000]  }
0x395: {  	v48 =	vld [tilespmem:s6+$0xC000];
	_ =	sdelay $0x4  }
0x396: {  	v1 =	vmul.f32 v48, v1;
	_ =	sdelay $0x1  }
0x397: {  	(xrf2) =	vadd.scan.msk.f32 $0xffff, v1;
	_ =	sdelay $0x6  }
0x398: {  	v0 =	vadd.f32 v47, v0;
	_ =	sdelay $0x1  }
0x399: {  	v49 =	vbroadcast v0, $0xF  }
0x39a: {  	v50, _, _ =	vpop (xrf2)  }
0x39b: {  	v1 =	vadd.f32 v50, v49;
	_ =	sdelay $0x1  }
0x39c: {  	s7 =	sor.u32 $0x850, s4;
	[tilespmem:s6+$0x14000] =	vst v1  }
0x39d: {  	v1 =	vld [tilespmem:s7+$0x4000]  }
0x39e: {  	v51 =	vld [tilespmem:s7+$0xC000];
	_ =	sdelay $0x4  }
0x39f: {  	v1 =	vmul.f32 v51, v1;
	_ =	sdelay $0x1  }
0x3a0: {  	(xrf2) =	vadd.scan.msk.f32 $0xffff, v1;
	_ =	sdelay $0x6  }
0x3a1: {  	v0 =	vadd.f32 v50, v0;
	_ =	sdelay $0x1  }
0x3a2: {  	v52 =	vbroadcast v0, $0xF  }
0x3a3: {  	v53, _, _ =	vpop (xrf2)  }
0x3a4: {  	v1 =	vadd.f32 v53, v52;
	_ =	sdelay $0x1  }
0x3a5: {  	s12 =	sor.u32 $0x860, s4;
	[tilespmem:s7+$0x14000] =	vst v1  }
0x3a6: {  	v1 =	vld [tilespmem:s12+$0x4000]  }
0x3a7: {  	v54 =	vld [tilespmem:s12+$0xC000];
	_ =	sdelay $0x4  }
0x3a8: {  	v1 =	vmul.f32 v54, v1;
	_ =	sdelay $0x1  }
0x3a9: {  	(xrf2) =	vadd.scan.msk.f32 $0xffff, v1;
	_ =	sdelay $0x6  }
0x3aa: {  	v0 =	vadd.f32 v53, v0;
	_ =	sdelay $0x1  }
0x3ab: {  	v55 =	vbroadcast v0, $0xF  }
0x3ac: {  	v56, _, _ =	vpop (xrf2)  }
0x3ad: {  	v1 =	vadd.f32 v56, v55;
	_ =	sdelay $0x1  }
0x3ae: {  	s31 =	sor.u32 $0x870, s4;
	[tilespmem:s12+$0x14000] =	vst v1  }
0x3af: {  	v1 =	vld [tilespmem:s31+$0x4000]  }
0x3b0: {  	v57 =	vld [tilespmem:s31+$0xC000];
	_ =	sdelay $0x4  }
0x3b1: {  	v1 =	vmul.f32 v57, v1;
	_ =	sdelay $0x1  }
0x3b2: {  	(xrf2) =	vadd.scan.msk.f32 $0xffff, v1;
	_ =	sdelay $0x6  }
0x3b3: {  	v0 =	vadd.f32 v56, v0;
	_ =	sdelay $0x1  }
0x3b4: {  	v58 =	vbroadcast v0, $0xF  }
0x3b5: {  	v59, _, _ =	vpop (xrf2)  }
0x3b6: {  	v1 =	vadd.f32 v59, v58;
	_ =	sdelay $0x1  }
0x3b7: {  	s6 =	sor.u32 $0xC00, s4;
	[tilespmem:s31+$0x14000] =	vst v1  }
0x3b8: {  	v1 =	vld [tilespmem:s6+$0x4000]  }
0x3b9: {  	v60 =	vld [tilespmem:s6+$0xC000];
	_ =	sdelay $0x4  }
0x3ba: {  	v1 =	vmul.f32 v60, v1;
	_ =	sdelay $0x1  }
0x3bb: {  	(xrf2) =	vadd.scan.msk.f32 $0xffff, v1;
	_ =	sdelay $0x6  }
0x3bc: {  	v0 =	vadd.f32 v59, v0;
	_ =	sdelay $0x1  }
0x3bd: {  	v61 =	vbroadcast v0, $0xF  }
0x3be: {  	v62, _, _ =	vpop (xrf2)  }
0x3bf: {  	v1 =	vadd.f32 v62, v61;
	_ =	sdelay $0x1  }
0x3c0: {  	s7 =	sor.u32 $0xC10, s4;
	[tilespmem:s6+$0x14000] =	vst v1  }
0x3c1: {  	v1 =	vld [tilespmem:s7+$0x4000]  }
0x3c2: {  	v63 =	vld [tilespmem:s7+$0xC000];
	_ =	sdelay $0x4  }
0x3c3: {  	v1 =	vmul.f32 v63, v1;
	_ =	sdelay $0x1  }
0x3c4: {  	(xrf2) =	vadd.scan.msk.f32 $0xffff, v1;
	_ =	sdelay $0x6  }
0x3c5: {  	v0 =	vadd.f32 v62, v0;
	_ =	sdelay $0x1  }
0x3c6: {  	v6 =	vbroadcast v0, $0xF  }
0x3c7: {  	v7, _, _ =	vpop (xrf2)  }
0x3c8: {  	v1 =	vadd.f32 v7, v6;
	_ =	sdelay $0x1  }
0x3c9: {  	s12 =	sor.u32 $0xC20, s4;
	[tilespmem:s7+$0x14000] =	vst v1  }
0x3ca: {  	v1 =	vld [tilespmem:s12+$0x4000]  }
0x3cb: {  	v8 =	vld [tilespmem:s12+$0xC000];
	_ =	sdelay $0x4  }
0x3cc: {  	v1 =	vmul.f32 v8, v1;
	_ =	sdelay $0x1  }
0x3cd: {  	(xrf2) =	vadd.scan.msk.f32 $0xffff, v1;
	_ =	sdelay $0x6  }
0x3ce: {  	v0 =	vadd.f32 v7, v0;
	_ =	sdelay $0x1  }
0x3cf: {  	v9 =	vbroadcast v0, $0xF  }
0x3d0: {  	v10, _, _ =	vpop (xrf2)  }
0x3d1: {  	v1 =	vadd.f32 v10, v9;
	_ =	sdelay $0x1  }
0x3d2: {  	s31 =	sor.u32 $0xC30, s4;
	[tilespmem:s12+$0x14000] =	vst v1  }
0x3d3: {  	v1 =	vld [tilespmem:s31+$0x4000]  }
0x3d4: {  	v11 =	vld [tilespmem:s31+$0xC000];
	_ =	sdelay $0x4  }
0x3d5: {  	v1 =	vmul.f32 v11, v1;
	_ =	sdelay $0x1  }
0x3d6: {  	(xrf2) =	vadd.scan.msk.f32 $0xffff, v1;
	_ =	sdelay $0x6  }
0x3d7: {  	v0 =	vadd.f32 v10, v0;
	_ =	sdelay $0x1  }
0x3d8: {  	v12 =	vbroadcast v0, $0xF  }
0x3d9: {  	v13, _, _ =	vpop (xrf2)  }
0x3da: {  	v1 =	vadd.f32 v13, v12;
	_ =	sdelay $0x1  }
0x3db: {  	s6 =	sor.u32 $0xC40, s4;
	[tilespmem:s31+$0x14000] =	vst v1  }
0x3dc: {  	v1 =	vld [tilespmem:s6+$0x4000]  }
0x3dd: {  	v14 =	vld [tilespmem:s6+$0xC000];
	_ =	sdelay $0x4  }
0x3de: {  	v1 =	vmul.f32 v14, v1;
	_ =	sdelay $0x1  }
0x3df: {  	(xrf2) =	vadd.scan.msk.f32 $0xffff, v1;
	_ =	sdelay $0x6  }
0x3e0: {  	v0 =	vadd.f32 v13, v0;
	_ =	sdelay $0x1  }
0x3e1: {  	v15 =	vbroadcast v0, $0xF  }
0x3e2: {  	v16, _, _ =	vpop (xrf2)  }
0x3e3: {  	v1 =	vadd.f32 v16, v15;
	_ =	sdelay $0x1  }
0x3e4: {  	s7 =	sor.u32 $0xC50, s4;
	[tilespmem:s6+$0x14000] =	vst v1  }
0x3e5: {  	v1 =	vld [tilespmem:s7+$0x4000]  }
0x3e6: {  	v17 =	vld [tilespmem:s7+$0xC000];
	_ =	sdelay $0x4  }
0x3e7: {  	v1 =	vmul.f32 v17, v1;
	_ =	sdelay $0x1  }
0x3e8: {  	(xrf2) =	vadd.scan.msk.f32 $0xffff, v1;
	_ =	sdelay $0x6  }
0x3e9: {  	v0 =	vadd.f32 v16, v0;
	_ =	sdelay $0x1  }
0x3ea: {  	v18 =	vbroadcast v0, $0xF  }
0x3eb: {  	v19, _, _ =	vpop (xrf2)  }
0x3ec: {  	v1 =	vadd.f32 v19, v18;
	_ =	sdelay $0x1  }
0x3ed: {  	s12 =	sor.u32 $0xC60, s4;
	[tilespmem:s7+$0x14000] =	vst v1  }
0x3ee: {  	v1 =	vld [tilespmem:s12+$0x4000]  }
0x3ef: {  	v20 =	vld [tilespmem:s12+$0xC000];
	_ =	sdelay $0x4  }
0x3f0: {  	v1 =	vmul.f32 v20, v1;
	_ =	sdelay $0x1  }
0x3f1: {  	(xrf2) =	vadd.scan.msk.f32 $0xffff, v1;
	_ =	sdelay $0x6  }
0x3f2: {  	v0 =	vadd.f32 v19, v0;
	_ =	sdelay $0x1  }
0x3f3: {  	v2 =	vbroadcast v0, $0xF  }
0x3f4: {  	v1, _, _ =	vpop (xrf2)  }
0x3f5: {  	v2 =	vadd.f32 v1, v2;
	_ =	sdelay $0x1  }
0x3f6: {  	s0 =	sor.u32 $0xC70, s4;
	v22 =	vld [tilespmem:s30+$0x4080];
	[tilespmem:s12+$0x14000] =	vst v2  }
0x3f7: {  	v2 =	vld [tilespmem:s0+$0x4000]  }
0x3f8: {  	v21 =	vld [tilespmem:s0+$0xC000]  }
0x3f9: {  	v23 =	vld [tilespmem:s30+$0xC080]  }
0x3fa: {  	v24 =	vld [tilespmem:s30+$0x4090]  }
0x3fb: {  	v25 =	vld [tilespmem:s30+$0xC090]  }
0x3fc: {  	v26 =	vld [tilespmem:s30+$0x40A0]  }
0x3fd: {  	v27 =	vld [tilespmem:s30+$0xC0A0];
	v2 =	vmul.f32 v21, v2  }
0x3fe: {  	v28 =	vld [tilespmem:s30+$0x40B0];
	v4 =	vmul.f32 v23, v22  }
0x3ff: {  	v29 =	vld [tilespmem:s30+$0xC0B0];
	(xrf2) =	vadd.scan.msk.f32 $0xffff, v2  }
0x400: {  	v31 =	vld [tilespmem:s30+$0x40C0];
	v30 =	vmul.f32 v25, v24;
	(xrf2) =	vadd.scan.msk.f32 $0xffff, v4  }
0x401: {  	v32 =	vld [tilespmem:s30+$0xC0C0]  }
0x402: {  	v33 =	vld [tilespmem:s30+$0x40D0];
	v3 =	vmul.f32 v27, v26;
	(xrf2) =	vadd.scan.msk.f32 $0xffff, v30  }
0x403: {  	v34 =	vld [tilespmem:s30+$0xC0D0]  }
0x404: {  	v35 =	vld [tilespmem:s30+$0x40E0];
	v2 =	vmul.f32 v29, v28;
	(xrf2) =	vadd.scan.msk.f32 $0xffff, v3  }
0x405: {  	v36 =	vld [tilespmem:s30+$0xC0E0]  }
0x406: {  	v38 =	vld [tilespmem:s30+$0x40F0];
	v37 =	vmul.f32 v32, v31;
	(xrf2) =	vadd.scan.msk.f32 $0xffff, v2  }
0x407: {  	v39 =	vld [tilespmem:s30+$0xC0F0]  }
0x408: {  	v40 =	vld [tilespmem:s30+$0x4480];
	v4 =	vmul.f32 v34, v33;
	(xrf2) =	vadd.scan.msk.f32 $0xffff, v37  }
0x409: {  	v41 =	vld [tilespmem:s30+$0xC480];
	v2, _, _ =	vpop (xrf2)  }
0x40a: {  	v43 =	vld [tilespmem:s30+$0x4490];
	v3 =	vmul.f32 v36, v35;
	v42, _, _ =	vpop (xrf2);
	(xrf2) =	vadd.scan.msk.f32 $0xffff, v4  }
0x40b: {  	v44 =	vld [tilespmem:s30+$0xC490];
	v5 =	vadd.f32 $0.0e+00, v42  }
0x40c: {  	v47 =	vld [tilespmem:s30+$0x44A0];
	v46 =	vmul.f32 v39, v38;
	v45, _, _ =	vpop (xrf2);
	(xrf2) =	vadd.scan.msk.f32 $0xffff, v3  }
0x40d: {  	v49 =	vld [tilespmem:s30+$0xC4A0];
	v48 =	vadd.f32 v45, v5  }
0x40e: {  	v52 =	vld [tilespmem:s30+$0x44B0];
	v51 =	vmul.f32 v41, v40;
	v50, _, _ =	vpop (xrf2);
	(xrf2) =	vadd.scan.msk.f32 $0xffff, v46  }
0x40f: {  	v54 =	vld [tilespmem:s30+$0xC4B0];
	v53 =	vadd.f32 v50, v48  }
0x410: {  	v57 =	vld [tilespmem:s30+$0x44C0];
	v56 =	vmul.f32 v44, v43;
	v55, _, _ =	vpop (xrf2);
	(xrf2) =	vadd.scan.msk.f32 $0xffff, v51  }
0x411: {  	v59 =	vld [tilespmem:s30+$0xC4C0];
	v58 =	vadd.f32 v55, v53  }
0x412: {  	v62 =	vld [tilespmem:s30+$0x44D0];
	v61 =	vmul.f32 v49, v47;
	v60, _, _ =	vpop (xrf2);
	(xrf2) =	vadd.scan.msk.f32 $0xffff, v56  }
0x413: {  	v28 =	vld [tilespmem:s30+$0xC4D0];
	v63 =	vadd.f32 v60, v58  }
0x414: {  	v31 =	vld [tilespmem:s30+$0x44E0];
	v30 =	vmul.f32 v54, v52;
	(xrf2) =	vadd.scan.msk.f32 $0xffff, v61;
	v29, _, _ =	vpop (xrf2)  }
0x415: {  	v33 =	vld [tilespmem:s30+$0xC4E0];
	v32 =	vadd.f32 v29, v63  }
0x416: {  	v35 =	vmul.f32 v59, v57;
	(xrf2) =	vadd.scan.msk.f32 $0xffff, v30;
	v34, _, _ =	vpop (xrf2)  }
0x417: {  	v36 =	vadd.f32 v34, v32  }
0x418: {  	v39 =	vld [tilespmem:s30+$0x44F0];
	v38 =	vmul.f32 v28, v62;
	(xrf2) =	vadd.scan.msk.f32 $0xffff, v35;
	v37, _, _ =	vpop (xrf2)  }
0x419: {  	v22 =	vld [tilespmem:s30+$0xC4F0];
	v40 =	vadd.f32 v37, v36  }
0x41a: {  	v41 =	vmul.f32 v33, v31;
	(xrf2) =	vadd.scan.msk.f32 $0xffff, v38;
	v23, _, _ =	vpop (xrf2)  }
0x41b: {  	v42 =	vbroadcast v5, $0xF;
	v43 =	vadd.f32 v23, v40  }
0x41c: {  	v7 =	vbroadcast v48, $0xF;
	v24, _, _ =	vpop (xrf2);
	(xrf2) =	vadd.scan.msk.f32 $0xffff, v41  }
0x41d: {  	v44 =	vadd.f32 v45, v42;
	v45 =	vbroadcast v53, $0xF;
	v46 =	vadd.f32 v24, v43  }
0x41e: {  	v6 =	vmul.f32 v22, v39;
	[tilespmem:s30+$0x14080] =	vst v5;
	v47 =	vadd.f32 v50, v7;
	v48 =	vbroadcast v58, $0xF;
	v49, _, _ =	vpop (xrf2)  }
0x41f: {  	[tilespmem:s30+$0x14090] =	vst v44;
	v50 =	vadd.f32 v55, v45;
	v51 =	vbroadcast v63, $0xF;
	v52 =	vadd.f32 v49, v46  }
0x420: {  	[tilespmem:s30+$0x140A0] =	vst v47;
	v53 =	vadd.f32 v60, v48;
	v54 =	vbroadcast v32, $0xF;
	v55, _, _ =	vpop (xrf2);
	(xrf2) =	vadd.scan.msk.f32 $0xffff, v6  }
0x421: {  	[tilespmem:s30+$0x140B0] =	vst v50;
	v56 =	vadd.f32 v29, v51;
	v4 =	vbroadcast v36, $0xF;
	v57 =	vadd.f32 v55, v52  }
0x422: {  	[tilespmem:s30+$0x140C0] =	vst v53;
	v58 =	vadd.f32 v34, v54;
	v59 =	vbroadcast v40, $0xF;
	v60, _, _ =	vpop (xrf2)  }
0x423: {  	[tilespmem:s30+$0x140D0] =	vst v56;
	v61 =	vadd.f32 v37, v4;
	v62 =	vbroadcast v43, $0xF;
	v63 =	vadd.f32 v60, v57  }
0x424: {  	[tilespmem:s30+$0x140E0] =	vst v58;
	v14 =	vadd.f32 v23, v59;
	v15 =	vbroadcast v46, $0xF;
	v16, _, _ =	vpop (xrf2)  }
0x425: {  	[tilespmem:s30+$0x140F0] =	vst v61;
	v17 =	vadd.f32 v24, v62;
	v18 =	vbroadcast v52, $0xF;
	v19 =	vadd.f32 v16, v63  }
0x426: {  	[tilespmem:s30+$0x14480] =	vst v14;
	v20 =	vadd.f32 v49, v15;
	v21, _, _ =	vpop (xrf2);
	v6 =	vbroadcast v57, $0xF  }
0x427: {  	[tilespmem:s30+$0x14490] =	vst v17;
	v22 =	vadd.f32 v55, v18;
	v23 =	vbroadcast v63, $0xF;
	v24 =	vadd.f32 v21, v19  }
0x428: {  	[tilespmem:s30+$0x144A0] =	vst v20;
	v25 =	vadd.f32 v60, v6;
	v26 =	vbroadcast v19, $0xF  }
0x429: {  	[tilespmem:s30+$0x144B0] =	vst v22;
	v27 =	vadd.f32 v16, v23;
	v28 =	vbroadcast v24, $0xF  }
0x42a: {  	[tilespmem:s30+$0x144C0] =	vst v25;
	v30, _, _ =	vpop (xrf2);
	v29 =	vadd.f32 v21, v26  }
0x42b: {  	[tilespmem:s30+$0x144D0] =	vst v27;
	v31 =	vadd.f32 v30, v28  }
0x42c: {  	s6 =	sadd.s32 $0x80, s4;
	[tilespmem:s30+$0x144E0] =	vst v29  }
0x42d: {  	s7 =	sor.u32 $0x800, s6;
	[tilespmem:s30+$0x144F0] =	vst v31  }
0x42e: {  	v3 =	vld [tilespmem:s7+$0x4000]  }
0x42f: {  	v32 =	vld [tilespmem:s7+$0xC000];
	_ =	sdelay $0x4  }
0x430: {  	v3 =	vmul.f32 v32, v3;
	_ =	sdelay $0x1  }
0x431: {  	(xrf2) =	vadd.scan.msk.f32 $0xffff, v3;
	_ =	sdelay $0x6  }
0x432: {  	v33 =	vadd.f32 v30, v24;
	_ =	sdelay $0x1  }
0x433: {  	v34 =	vbroadcast v33, $0xF  }
0x434: {  	v35, _, _ =	vpop (xrf2)  }
0x435: {  	v4 =	vadd.f32 v35, v34;
	_ =	sdelay $0x1  }
0x436: {  	s31 =	sor.u32 $0x810, s6;
	[tilespmem:s7+$0x14000] =	vst v4  }
0x437: {  	v4 =	vld [tilespmem:s31+$0x4000]  }
0x438: {  	v36 =	vld [tilespmem:s31+$0xC000];
	_ =	sdelay $0x4  }
0x439: {  	v4 =	vmul.f32 v36, v4;
	_ =	sdelay $0x1  }
0x43a: {  	(xrf2) =	vadd.scan.msk.f32 $0xffff, v4;
	_ =	sdelay $0x6  }
0x43b: {  	v3 =	vadd.f32 v35, v33;
	_ =	sdelay $0x1  }
0x43c: {  	v37 =	vbroadcast v3, $0xF  }
0x43d: {  	v38, _, _ =	vpop (xrf2)  }
0x43e: {  	v4 =	vadd.f32 v38, v37;
	_ =	sdelay $0x1  }
0x43f: {  	s12 =	sor.u32 $0x820, s6;
	[tilespmem:s31+$0x14000] =	vst v4  }
0x440: {  	v4 =	vld [tilespmem:s12+$0x4000]  }
0x441: {  	v39 =	vld [tilespmem:s12+$0xC000];
	_ =	sdelay $0x4  }
0x442: {  	v4 =	vmul.f32 v39, v4;
	_ =	sdelay $0x1  }
0x443: {  	(xrf2) =	vadd.scan.msk.f32 $0xffff, v4;
	_ =	sdelay $0x6  }
0x444: {  	v3 =	vadd.f32 v38, v3;
	_ =	sdelay $0x1  }
0x445: {  	v40 =	vbroadcast v3, $0xF  }
0x446: {  	v41, _, _ =	vpop (xrf2)  }
0x447: {  	v4 =	vadd.f32 v41, v40;
	_ =	sdelay $0x1  }
0x448: {  	s31 =	sor.u32 $0x830, s6;
	[tilespmem:s12+$0x14000] =	vst v4  }
0x449: {  	v4 =	vld [tilespmem:s31+$0x4000]  }
0x44a: {  	v42 =	vld [tilespmem:s31+$0xC000];
	_ =	sdelay $0x4  }
0x44b: {  	v4 =	vmul.f32 v42, v4;
	_ =	sdelay $0x1  }
0x44c: {  	(xrf2) =	vadd.scan.msk.f32 $0xffff, v4;
	_ =	sdelay $0x6  }
0x44d: {  	v3 =	vadd.f32 v41, v3;
	_ =	sdelay $0x1  }
0x44e: {  	v43 =	vbroadcast v3, $0xF  }
0x44f: {  	v44, _, _ =	vpop (xrf2)  }
0x450: {  	v4 =	vadd.f32 v44, v43;
	_ =	sdelay $0x1  }
0x451: {  	s12 =	sor.u32 $0x840, s6;
	[tilespmem:s31+$0x14000] =	vst v4  }
0x452: {  	v4 =	vld [tilespmem:s12+$0x4000]  }
0x453: {  	v45 =	vld [tilespmem:s12+$0xC000];
	_ =	sdelay $0x4  }
0x454: {  	v4 =	vmul.f32 v45, v4;
	_ =	sdelay $0x1  }
0x455: {  	(xrf2) =	vadd.scan.msk.f32 $0xffff, v4;
	_ =	sdelay $0x6  }
0x456: {  	v3 =	vadd.f32 v44, v3;
	_ =	sdelay $0x1  }
0x457: {  	v46 =	vbroadcast v3, $0xF  }
0x458: {  	v47, _, _ =	vpop (xrf2)  }
0x459: {  	v4 =	vadd.f32 v47, v46;
	_ =	sdelay $0x1  }
0x45a: {  	s31 =	sor.u32 $0x850, s6;
	[tilespmem:s12+$0x14000] =	vst v4  }
0x45b: {  	v4 =	vld [tilespmem:s31+$0x4000]  }
0x45c: {  	v48 =	vld [tilespmem:s31+$0xC000];
	_ =	sdelay $0x4  }
0x45d: {  	v4 =	vmul.f32 v48, v4;
	_ =	sdelay $0x1  }
0x45e: {  	(xrf2) =	vadd.scan.msk.f32 $0xffff, v4;
	_ =	sdelay $0x6  }
0x45f: {  	v3 =	vadd.f32 v47, v3;
	_ =	sdelay $0x1  }
0x460: {  	v49 =	vbroadcast v3, $0xF  }
0x461: {  	v50, _, _ =	vpop (xrf2)  }
0x462: {  	v4 =	vadd.f32 v50, v49;
	_ =	sdelay $0x1  }
0x463: {  	s12 =	sor.u32 $0x860, s6;
	[tilespmem:s31+$0x14000] =	vst v4  }
0x464: {  	v4 =	vld [tilespmem:s12+$0x4000]  }
0x465: {  	v51 =	vld [tilespmem:s12+$0xC000];
	_ =	sdelay $0x4  }
0x466: {  	v4 =	vmul.f32 v51, v4;
	_ =	sdelay $0x1  }
0x467: {  	(xrf2) =	vadd.scan.msk.f32 $0xffff, v4;
	_ =	sdelay $0x6  }
0x468: {  	v3 =	vadd.f32 v50, v3;
	_ =	sdelay $0x1  }
0x469: {  	v52 =	vbroadcast v3, $0xF  }
0x46a: {  	v53, _, _ =	vpop (xrf2)  }
0x46b: {  	v4 =	vadd.f32 v53, v52;
	_ =	sdelay $0x1  }
0x46c: {  	s31 =	sor.u32 $0x870, s6;
	[tilespmem:s12+$0x14000] =	vst v4  }
0x46d: {  	v4 =	vld [tilespmem:s31+$0x4000]  }
0x46e: {  	v54 =	vld [tilespmem:s31+$0xC000];
	_ =	sdelay $0x4  }
0x46f: {  	v4 =	vmul.f32 v54, v4;
	_ =	sdelay $0x1  }
0x470: {  	(xrf2) =	vadd.scan.msk.f32 $0xffff, v4;
	_ =	sdelay $0x6  }
0x471: {  	v3 =	vadd.f32 v53, v3;
	_ =	sdelay $0x1  }
0x472: {  	v55 =	vbroadcast v3, $0xF  }
0x473: {  	v56, _, _ =	vpop (xrf2)  }
0x474: {  	v4 =	vadd.f32 v56, v55;
	_ =	sdelay $0x1  }
0x475: {  	s12 =	sor.u32 $0xC00, s6;
	[tilespmem:s31+$0x14000] =	vst v4  }
0x476: {  	v4 =	vld [tilespmem:s12+$0x4000]  }
0x477: {  	v57 =	vld [tilespmem:s12+$0xC000];
	_ =	sdelay $0x4  }
0x478: {  	v4 =	vmul.f32 v57, v4;
	_ =	sdelay $0x1  }
0x479: {  	(xrf2) =	vadd.scan.msk.f32 $0xffff, v4;
	_ =	sdelay $0x6  }
0x47a: {  	v3 =	vadd.f32 v56, v3;
	_ =	sdelay $0x1  }
0x47b: {  	v58 =	vbroadcast v3, $0xF  }
0x47c: {  	v59, _, _ =	vpop (xrf2)  }
0x47d: {  	v4 =	vadd.f32 v59, v58;
	_ =	sdelay $0x1  }
0x47e: {  	s31 =	sor.u32 $0xC10, s6;
	[tilespmem:s12+$0x14000] =	vst v4  }
0x47f: {  	v4 =	vld [tilespmem:s31+$0x4000]  }
0x480: {  	v60 =	vld [tilespmem:s31+$0xC000];
	_ =	sdelay $0x4  }
0x481: {  	v4 =	vmul.f32 v60, v4;
	_ =	sdelay $0x1  }
0x482: {  	(xrf2) =	vadd.scan.msk.f32 $0xffff, v4;
	_ =	sdelay $0x6  }
0x483: {  	v3 =	vadd.f32 v59, v3;
	_ =	sdelay $0x1  }
0x484: {  	v61 =	vbroadcast v3, $0xF  }
0x485: {  	v62, _, _ =	vpop (xrf2)  }
0x486: {  	v4 =	vadd.f32 v62, v61;
	_ =	sdelay $0x1  }
0x487: {  	s12 =	sor.u32 $0xC20, s6;
	[tilespmem:s31+$0x14000] =	vst v4  }
0x488: {  	v4 =	vld [tilespmem:s12+$0x4000]  }
0x489: {  	v63 =	vld [tilespmem:s12+$0xC000];
	_ =	sdelay $0x4  }
0x48a: {  	v4 =	vmul.f32 v63, v4;
	_ =	sdelay $0x1  }
0x48b: {  	(xrf2) =	vadd.scan.msk.f32 $0xffff, v4;
	_ =	sdelay $0x6  }
0x48c: {  	v3 =	vadd.f32 v62, v3;
	_ =	sdelay $0x1  }
0x48d: {  	v8 =	vbroadcast v3, $0xF  }
0x48e: {  	v9, _, _ =	vpop (xrf2)  }
0x48f: {  	v4 =	vadd.f32 v9, v8;
	_ =	sdelay $0x1  }
0x490: {  	s31 =	sor.u32 $0xC30, s6;
	[tilespmem:s12+$0x14000] =	vst v4  }
0x491: {  	v4 =	vld [tilespmem:s31+$0x4000]  }
0x492: {  	v10 =	vld [tilespmem:s31+$0xC000];
	_ =	sdelay $0x4  }
0x493: {  	v4 =	vmul.f32 v10, v4;
	_ =	sdelay $0x1  }
0x494: {  	(xrf2) =	vadd.scan.msk.f32 $0xffff, v4;
	_ =	sdelay $0x6  }
0x495: {  	v3 =	vadd.f32 v9, v3;
	_ =	sdelay $0x1  }
0x496: {  	v11 =	vbroadcast v3, $0xF  }
0x497: {  	v12, _, _ =	vpop (xrf2)  }
0x498: {  	v4 =	vadd.f32 v12, v11;
	_ =	sdelay $0x1  }
0x499: {  	s12 =	sor.u32 $0xC40, s6;
	[tilespmem:s31+$0x14000] =	vst v4  }
0x49a: {  	v4 =	vld [tilespmem:s12+$0x4000]  }
0x49b: {  	v13 =	vld [tilespmem:s12+$0xC000];
	_ =	sdelay $0x4  }
0x49c: {  	v4 =	vmul.f32 v13, v4;
	_ =	sdelay $0x1  }
0x49d: {  	(xrf2) =	vadd.scan.msk.f32 $0xffff, v4;
	_ =	sdelay $0x6  }
0x49e: {  	v3 =	vadd.f32 v12, v3;
	_ =	sdelay $0x1  }
0x49f: {  	v14 =	vbroadcast v3, $0xF  }
0x4a0: {  	v15, _, _ =	vpop (xrf2)  }
0x4a1: {  	v4 =	vadd.f32 v15, v14;
	_ =	sdelay $0x1  }
0x4a2: {  	s31 =	sor.u32 $0xC50, s6;
	[tilespmem:s12+$0x14000] =	vst v4  }
0x4a3: {  	v4 =	vld [tilespmem:s31+$0x4000]  }
0x4a4: {  	v16 =	vld [tilespmem:s31+$0xC000];
	_ =	sdelay $0x4  }
0x4a5: {  	v4 =	vmul.f32 v16, v4;
	_ =	sdelay $0x1  }
0x4a6: {  	(xrf2) =	vadd.scan.msk.f32 $0xffff, v4;
	_ =	sdelay $0x6  }
0x4a7: {  	v3 =	vadd.f32 v15, v3;
	_ =	sdelay $0x1  }
0x4a8: {  	v17 =	vbroadcast v3, $0xF  }
0x4a9: {  	v18, _, _ =	vpop (xrf2)  }
0x4aa: {  	v4 =	vadd.f32 v18, v17;
	_ =	sdelay $0x1  }
0x4ab: {  	s12 =	sor.u32 $0xC60, s6;
	[tilespmem:s31+$0x14000] =	vst v4  }
0x4ac: {  	v4 =	vld [tilespmem:s12+$0x4000]  }
0x4ad: {  	v19 =	vld [tilespmem:s12+$0xC000];
	_ =	sdelay $0x4  }
0x4ae: {  	v4 =	vmul.f32 v19, v4;
	_ =	sdelay $0x1  }
0x4af: {  	(xrf2) =	vadd.scan.msk.f32 $0xffff, v4;
	_ =	sdelay $0x6  }
0x4b0: {  	v3 =	vadd.f32 v18, v3;
	_ =	sdelay $0x1  }
0x4b1: {  	v5 =	vbroadcast v3, $0xF  }
0x4b2: {  	v4, _, _ =	vpop (xrf2)  }
0x4b3: {  	v5 =	vadd.f32 v4, v5;
	_ =	sdelay $0x1  }
0x4b4: {  	v22 =	vld [tilespmem:s30+$0xC100];
	[tilespmem:s12+$0x14000] =	vst v5;
	s12 =	sor.u32 $0xC70, s6  }
0x4b5: {  	v5 =	vld [tilespmem:s12+$0x4000]  }
0x4b6: {  	v20 =	vld [tilespmem:s12+$0xC000]  }
0x4b7: {  	v21 =	vld [tilespmem:s30+$0x4100]  }
0x4b8: {  	v23 =	vld [tilespmem:s30+$0x4110]  }
0x4b9: {  	v24 =	vld [tilespmem:s30+$0xC110]  }
0x4ba: {  	v25 =	vld [tilespmem:s30+$0x4120]  }
0x4bb: {  	v26 =	vld [tilespmem:s30+$0xC120];
	v5 =	vmul.f32 v20, v5  }
0x4bc: {  	v27 =	vld [tilespmem:s30+$0x4130];
	v7 =	vmul.f32 v22, v21  }
0x4bd: {  	v28 =	vld [tilespmem:s30+$0xC130];
	(xrf2) =	vadd.scan.msk.f32 $0xffff, v5  }
0x4be: {  	v30 =	vld [tilespmem:s30+$0x4140];
	v29 =	vmul.f32 v24, v23;
	(xrf2) =	vadd.scan.msk.f32 $0xffff, v7  }
0x4bf: {  	v31 =	vld [tilespmem:s30+$0xC140]  }
0x4c0: {  	v6 =	vmul.f32 v26, v25;
	v32 =	vld [tilespmem:s30+$0x4150];
	(xrf2) =	vadd.scan.msk.f32 $0xffff, v29  }
0x4c1: {  	v33 =	vld [tilespmem:s30+$0xC150]  }
0x4c2: {  	v34 =	vld [tilespmem:s30+$0x4160];
	v5 =	vmul.f32 v28, v27;
	(xrf2) =	vadd.scan.msk.f32 $0xffff, v6  }
0x4c3: {  	v35 =	vld [tilespmem:s30+$0xC160]  }
0x4c4: {  	v36 =	vmul.f32 v31, v30;
	v37 =	vld [tilespmem:s30+$0x4170];
	(xrf2) =	vadd.scan.msk.f32 $0xffff, v5  }
0x4c5: {  	v38 =	vld [tilespmem:s30+$0xC170]  }
0x4c6: {  	v39 =	vld [tilespmem:s30+$0x4500];
	v7 =	vmul.f32 v33, v32;
	(xrf2) =	vadd.scan.msk.f32 $0xffff, v36  }
0x4c7: {  	v40 =	vld [tilespmem:s30+$0xC500];
	v5, _, _ =	vpop (xrf2)  }
0x4c8: {  	v42 =	vld [tilespmem:s30+$0x4510];
	v6 =	vmul.f32 v35, v34;
	(xrf2) =	vadd.scan.msk.f32 $0xffff, v7;
	v41, _, _ =	vpop (xrf2)  }
0x4c9: {  	v43 =	vld [tilespmem:s30+$0xC510];
	v8 =	vadd.f32 $0.0e+00, v41  }
0x4ca: {  	v44 =	vmul.f32 v38, v37;
	v45 =	vld [tilespmem:s30+$0x4520];
	(xrf2) =	vadd.scan.msk.f32 $0xffff, v6;
	v14, _, _ =	vpop (xrf2)  }
0x4cb: {  	v47 =	vld [tilespmem:s30+$0xC520];
	v46 =	vadd.f32 v14, v8  }
0x4cc: {  	v49 =	vmul.f32 v40, v39;
	v50 =	vld [tilespmem:s30+$0x4530];
	(xrf2) =	vadd.scan.msk.f32 $0xffff, v44;
	v48, _, _ =	vpop (xrf2)  }
0x4cd: {  	v52 =	vld [tilespmem:s30+$0xC530];
	v51 =	vadd.f32 v48, v46  }
0x4ce: {  	v54 =	vmul.f32 v43, v42;
	v55 =	vld [tilespmem:s30+$0x4540];
	(xrf2) =	vadd.scan.msk.f32 $0xffff, v49;
	v53, _, _ =	vpop (xrf2)  }
0x4cf: {  	v57 =	vld [tilespmem:s30+$0xC540];
	v56 =	vadd.f32 v53, v51  }
0x4d0: {  	v59 =	vmul.f32 v47, v45;
	v60 =	vld [tilespmem:s30+$0x4550];
	(xrf2) =	vadd.scan.msk.f32 $0xffff, v54;
	v58, _, _ =	vpop (xrf2)  }
0x4d1: {  	v62 =	vld [tilespmem:s30+$0xC550];
	v61 =	vadd.f32 v58, v56  }
0x4d2: {  	v31 =	vld [tilespmem:s30+$0x4560];
	v30 =	vmul.f32 v52, v50;
	v63, _, _ =	vpop (xrf2);
	(xrf2) =	vadd.scan.msk.f32 $0xffff, v59  }
0x4d3: {  	v33 =	vld [tilespmem:s30+$0xC560];
	v32 =	vadd.f32 v63, v61  }
0x4d4: {  	v35 =	vmul.f32 v57, v55;
	v34, _, _ =	vpop (xrf2);
	(xrf2) =	vadd.scan.msk.f32 $0xffff, v30  }
0x4d5: {  	v36 =	vadd.f32 v34, v32  }
0x4d6: {  	v25 =	vld [tilespmem:s30+$0xC570];
	v38 =	vmul.f32 v62, v60;
	v37, _, _ =	vpop (xrf2);
	(xrf2) =	vadd.scan.msk.f32 $0xffff, v35  }
0x4d7: {  	v39 =	vld [tilespmem:s30+$0x4570];
	v40 =	vadd.f32 v37, v36  }
0x4d8: {  	v41 =	vmul.f32 v33, v31;
	v26, _, _ =	vpop (xrf2);
	(xrf2) =	vadd.scan.msk.f32 $0xffff, v38  }
0x4d9: {  	v42 =	vbroadcast v8, $0xF;
	v43 =	vadd.f32 v26, v40  }
0x4da: {  	v10 =	vbroadcast v46, $0xF;
	v27, _, _ =	vpop (xrf2);
	(xrf2) =	vadd.scan.msk.f32 $0xffff, v41  }
0x4db: {  	v44 =	vadd.f32 v14, v42;
	v45 =	vbroadcast v51, $0xF;
	v46 =	vadd.f32 v27, v43  }
0x4dc: {  	v9 =	vmul.f32 v25, v39;
	[tilespmem:s30+$0x14100] =	vst v8;
	v47 =	vadd.f32 v48, v10;
	v48 =	vbroadcast v56, $0xF;
	v49, _, _ =	vpop (xrf2)  }
0x4dd: {  	[tilespmem:s30+$0x14110] =	vst v44;
	v50 =	vadd.f32 v53, v45;
	v51 =	vbroadcast v61, $0xF;
	v52 =	vadd.f32 v49, v46  }
0x4de: {  	[tilespmem:s30+$0x14120] =	vst v47;
	v53 =	vadd.f32 v58, v48;
	v54 =	vbroadcast v32, $0xF;
	v55, _, _ =	vpop (xrf2);
	(xrf2) =	vadd.scan.msk.f32 $0xffff, v9  }
0x4df: {  	[tilespmem:s30+$0x14130] =	vst v50;
	v56 =	vadd.f32 v63, v51;
	v7 =	vbroadcast v36, $0xF;
	v57 =	vadd.f32 v55, v52  }
0x4e0: {  	[tilespmem:s30+$0x14140] =	vst v53;
	v58 =	vadd.f32 v34, v54;
	v59 =	vbroadcast v40, $0xF;
	v60, _, _ =	vpop (xrf2)  }
0x4e1: {  	[tilespmem:s30+$0x14150] =	vst v56;
	v61 =	vadd.f32 v37, v7;
	v62 =	vbroadcast v43, $0xF;
	v63 =	vadd.f32 v60, v57  }
0x4e2: {  	[tilespmem:s30+$0x14160] =	vst v58;
	v18 =	vadd.f32 v26, v59;
	v19 =	vbroadcast v46, $0xF;
	v20, _, _ =	vpop (xrf2)  }
0x4e3: {  	[tilespmem:s30+$0x14170] =	vst v61;
	v21 =	vadd.f32 v27, v62;
	v22 =	vbroadcast v52, $0xF;
	v23 =	vadd.f32 v20, v63  }
0x4e4: {  	[tilespmem:s30+$0x14500] =	vst v18;
	v24 =	vadd.f32 v49, v19;
	v25, _, _ =	vpop (xrf2);
	v9 =	vbroadcast v57, $0xF  }
0x4e5: {  	[tilespmem:s30+$0x14510] =	vst v21;
	v26 =	vadd.f32 v55, v22;
	v27 =	vbroadcast v63, $0xF;
	v28 =	vadd.f32 v25, v23  }
0x4e6: {  	[tilespmem:s30+$0x14520] =	vst v24;
	v29 =	vadd.f32 v60, v9;
	v30 =	vbroadcast v23, $0xF  }
0x4e7: {  	[tilespmem:s30+$0x14530] =	vst v26;
	v31 =	vadd.f32 v20, v27;
	v32 =	vbroadcast v28, $0xF  }
0x4e8: {  	[tilespmem:s30+$0x14540] =	vst v29;
	v34, _, _ =	vpop (xrf2);
	v33 =	vadd.f32 v25, v30  }
0x4e9: {  	[tilespmem:s30+$0x14550] =	vst v31;
	v35 =	vadd.f32 v34, v32  }
0x4ea: {  	s6 =	sadd.s32 $0x100, s4;
	[tilespmem:s30+$0x14560] =	vst v33  }
0x4eb: {  	s31 =	sor.u32 $0x800, s6;
	[tilespmem:s30+$0x14570] =	vst v35  }
0x4ec: {  	v6 =	vld [tilespmem:s31+$0x4000]  }
0x4ed: {  	v36 =	vld [tilespmem:s31+$0xC000];
	_ =	sdelay $0x4  }
0x4ee: {  	v6 =	vmul.f32 v36, v6;
	_ =	sdelay $0x1  }
0x4ef: {  	(xrf2) =	vadd.scan.msk.f32 $0xffff, v6;
	_ =	sdelay $0x6  }
0x4f0: {  	v37 =	vadd.f32 v34, v28;
	_ =	sdelay $0x1  }
0x4f1: {  	v38 =	vbroadcast v37, $0xF  }
0x4f2: {  	v39, _, _ =	vpop (xrf2)  }
0x4f3: {  	v7 =	vadd.f32 v39, v38;
	_ =	sdelay $0x1  }
0x4f4: {  	[tilespmem:s31+$0x14000] =	vst v7;
	s31 =	sor.u32 $0x810, s6  }
0x4f5: {  	v7 =	vld [tilespmem:s31+$0x4000]  }
0x4f6: {  	v40 =	vld [tilespmem:s31+$0xC000];
	_ =	sdelay $0x4  }
0x4f7: {  	v7 =	vmul.f32 v40, v7;
	_ =	sdelay $0x1  }
0x4f8: {  	(xrf2) =	vadd.scan.msk.f32 $0xffff, v7;
	_ =	sdelay $0x6  }
0x4f9: {  	v6 =	vadd.f32 v39, v37;
	_ =	sdelay $0x1  }
0x4fa: {  	v41 =	vbroadcast v6, $0xF  }
0x4fb: {  	v42, _, _ =	vpop (xrf2)  }
0x4fc: {  	v7 =	vadd.f32 v42, v41;
	_ =	sdelay $0x1  }
0x4fd: {  	[tilespmem:s31+$0x14000] =	vst v7;
	s31 =	sor.u32 $0x820, s6  }
0x4fe: {  	v7 =	vld [tilespmem:s31+$0x4000]  }
0x4ff: {  	v43 =	vld [tilespmem:s31+$0xC000];
	_ =	sdelay $0x4  }
0x500: {  	v7 =	vmul.f32 v43, v7;
	_ =	sdelay $0x1  }
0x501: {  	(xrf2) =	vadd.scan.msk.f32 $0xffff, v7;
	_ =	sdelay $0x6  }
0x502: {  	v6 =	vadd.f32 v42, v6;
	_ =	sdelay $0x1  }
0x503: {  	v44 =	vbroadcast v6, $0xF  }
0x504: {  	v45, _, _ =	vpop (xrf2)  }
0x505: {  	v7 =	vadd.f32 v45, v44;
	_ =	sdelay $0x1  }
0x506: {  	[tilespmem:s31+$0x14000] =	vst v7;
	s31 =	sor.u32 $0x830, s6  }
0x507: {  	v7 =	vld [tilespmem:s31+$0x4000]  }
0x508: {  	v46 =	vld [tilespmem:s31+$0xC000];
	_ =	sdelay $0x4  }
0x509: {  	v7 =	vmul.f32 v46, v7;
	_ =	sdelay $0x1  }
0x50a: {  	(xrf2) =	vadd.scan.msk.f32 $0xffff, v7;
	_ =	sdelay $0x6  }
0x50b: {  	v6 =	vadd.f32 v45, v6;
	_ =	sdelay $0x1  }
0x50c: {  	v47 =	vbroadcast v6, $0xF  }
0x50d: {  	v48, _, _ =	vpop (xrf2)  }
0x50e: {  	v7 =	vadd.f32 v48, v47;
	_ =	sdelay $0x1  }
0x50f: {  	[tilespmem:s31+$0x14000] =	vst v7;
	s31 =	sor.u32 $0x840, s6  }
0x510: {  	v7 =	vld [tilespmem:s31+$0x4000]  }
0x511: {  	v49 =	vld [tilespmem:s31+$0xC000];
	_ =	sdelay $0x4  }
0x512: {  	v7 =	vmul.f32 v49, v7;
	_ =	sdelay $0x1  }
0x513: {  	(xrf2) =	vadd.scan.msk.f32 $0xffff, v7;
	_ =	sdelay $0x6  }
0x514: {  	v6 =	vadd.f32 v48, v6;
	_ =	sdelay $0x1  }
0x515: {  	v50 =	vbroadcast v6, $0xF  }
0x516: {  	v51, _, _ =	vpop (xrf2)  }
0x517: {  	v7 =	vadd.f32 v51, v50;
	_ =	sdelay $0x1  }
0x518: {  	[tilespmem:s31+$0x14000] =	vst v7;
	s31 =	sor.u32 $0x850, s6  }
0x519: {  	v7 =	vld [tilespmem:s31+$0x4000]  }
0x51a: {  	v52 =	vld [tilespmem:s31+$0xC000];
	_ =	sdelay $0x4  }
0x51b: {  	v7 =	vmul.f32 v52, v7;
	_ =	sdelay $0x1  }
0x51c: {  	(xrf2) =	vadd.scan.msk.f32 $0xffff, v7;
	_ =	sdelay $0x6  }
0x51d: {  	v6 =	vadd.f32 v51, v6;
	_ =	sdelay $0x1  }
0x51e: {  	v53 =	vbroadcast v6, $0xF  }
0x51f: {  	v54, _, _ =	vpop (xrf2)  }
0x520: {  	v7 =	vadd.f32 v54, v53;
	_ =	sdelay $0x1  }
0x521: {  	[tilespmem:s31+$0x14000] =	vst v7;
	s31 =	sor.u32 $0x860, s6  }
0x522: {  	v7 =	vld [tilespmem:s31+$0x4000]  }
0x523: {  	v55 =	vld [tilespmem:s31+$0xC000];
	_ =	sdelay $0x4  }
0x524: {  	v7 =	vmul.f32 v55, v7;
	_ =	sdelay $0x1  }
0x525: {  	(xrf2) =	vadd.scan.msk.f32 $0xffff, v7;
	_ =	sdelay $0x6  }
0x526: {  	v6 =	vadd.f32 v54, v6;
	_ =	sdelay $0x1  }
0x527: {  	v56 =	vbroadcast v6, $0xF  }
0x528: {  	v57, _, _ =	vpop (xrf2)  }
0x529: {  	v7 =	vadd.f32 v57, v56;
	_ =	sdelay $0x1  }
0x52a: {  	[tilespmem:s31+$0x14000] =	vst v7;
	s31 =	sor.u32 $0x870, s6  }
0x52b: {  	v7 =	vld [tilespmem:s31+$0x4000]  }
0x52c: {  	v58 =	vld [tilespmem:s31+$0xC000];
	_ =	sdelay $0x4  }
0x52d: {  	v7 =	vmul.f32 v58, v7;
	_ =	sdelay $0x1  }
0x52e: {  	(xrf2) =	vadd.scan.msk.f32 $0xffff, v7;
	_ =	sdelay $0x6  }
0x52f: {  	v6 =	vadd.f32 v57, v6;
	_ =	sdelay $0x1  }
0x530: {  	v59 =	vbroadcast v6, $0xF  }
0x531: {  	v60, _, _ =	vpop (xrf2)  }
0x532: {  	v7 =	vadd.f32 v60, v59;
	_ =	sdelay $0x1  }
0x533: {  	[tilespmem:s31+$0x14000] =	vst v7;
	s31 =	sor.u32 $0xC00, s6  }
0x534: {  	v7 =	vld [tilespmem:s31+$0x4000]  }
0x535: {  	v61 =	vld [tilespmem:s31+$0xC000];
	_ =	sdelay $0x4  }
0x536: {  	v7 =	vmul.f32 v61, v7;
	_ =	sdelay $0x1  }
0x537: {  	(xrf2) =	vadd.scan.msk.f32 $0xffff, v7;
	_ =	sdelay $0x6  }
0x538: {  	v6 =	vadd.f32 v60, v6;
	_ =	sdelay $0x1  }
0x539: {  	v62 =	vbroadcast v6, $0xF  }
0x53a: {  	v63, _, _ =	vpop (xrf2)  }
0x53b: {  	v7 =	vadd.f32 v63, v62;
	_ =	sdelay $0x1  }
0x53c: {  	[tilespmem:s31+$0x14000] =	vst v7;
	s31 =	sor.u32 $0xC10, s6  }
0x53d: {  	v7 =	vld [tilespmem:s31+$0x4000]  }
0x53e: {  	v12 =	vld [tilespmem:s31+$0xC000];
	_ =	sdelay $0x4  }
0x53f: {  	v7 =	vmul.f32 v12, v7;
	_ =	sdelay $0x1  }
0x540: {  	(xrf2) =	vadd.scan.msk.f32 $0xffff, v7;
	_ =	sdelay $0x6  }
0x541: {  	v6 =	vadd.f32 v63, v6;
	_ =	sdelay $0x1  }
0x542: {  	v13 =	vbroadcast v6, $0xF  }
0x543: {  	v14, _, _ =	vpop (xrf2)  }
0x544: {  	v7 =	vadd.f32 v14, v13;
	_ =	sdelay $0x1  }
0x545: {  	[tilespmem:s31+$0x14000] =	vst v7;
	s31 =	sor.u32 $0xC20, s6  }
0x546: {  	v7 =	vld [tilespmem:s31+$0x4000]  }
0x547: {  	v15 =	vld [tilespmem:s31+$0xC000];
	_ =	sdelay $0x4  }
0x548: {  	v7 =	vmul.f32 v15, v7;
	_ =	sdelay $0x1  }
0x549: {  	(xrf2) =	vadd.scan.msk.f32 $0xffff, v7;
	_ =	sdelay $0x6  }
0x54a: {  	v6 =	vadd.f32 v14, v6;
	_ =	sdelay $0x1  }
0x54b: {  	v16 =	vbroadcast v6, $0xF  }
0x54c: {  	v17, _, _ =	vpop (xrf2)  }
0x54d: {  	v7 =	vadd.f32 v17, v16;
	_ =	sdelay $0x1  }
0x54e: {  	[tilespmem:s31+$0x14000] =	vst v7;
	s31 =	sor.u32 $0xC30, s6  }
0x54f: {  	v7 =	vld [tilespmem:s31+$0x4000]  }
0x550: {  	v18 =	vld [tilespmem:s31+$0xC000];
	_ =	sdelay $0x4  }
0x551: {  	v7 =	vmul.f32 v18, v7;
	_ =	sdelay $0x1  }
0x552: {  	(xrf2) =	vadd.scan.msk.f32 $0xffff, v7;
	_ =	sdelay $0x6  }
0x553: {  	v6 =	vadd.f32 v17, v6;
	_ =	sdelay $0x1  }
0x554: {  	v19 =	vbroadcast v6, $0xF  }
0x555: {  	v20, _, _ =	vpop (xrf2)  }
0x556: {  	v7 =	vadd.f32 v20, v19;
	_ =	sdelay $0x1  }
0x557: {  	[tilespmem:s31+$0x14000] =	vst v7;
	s31 =	sor.u32 $0xC40, s6  }
0x558: {  	v7 =	vld [tilespmem:s31+$0x4000]  }
0x559: {  	v21 =	vld [tilespmem:s31+$0xC000];
	_ =	sdelay $0x4  }
0x55a: {  	v7 =	vmul.f32 v21, v7;
	_ =	sdelay $0x1  }
0x55b: {  	(xrf2) =	vadd.scan.msk.f32 $0xffff, v7;
	_ =	sdelay $0x6  }
0x55c: {  	v6 =	vadd.f32 v20, v6;
	_ =	sdelay $0x1  }
0x55d: {  	v22 =	vbroadcast v6, $0xF  }
0x55e: {  	v23, _, _ =	vpop (xrf2)  }
0x55f: {  	v7 =	vadd.f32 v23, v22;
	_ =	sdelay $0x1  }
0x560: {  	[tilespmem:s31+$0x14000] =	vst v7;
	s31 =	sor.u32 $0xC50, s6  }
0x561: {  	v7 =	vld [tilespmem:s31+$0x4000]  }
0x562: {  	v24 =	vld [tilespmem:s31+$0xC000];
	_ =	sdelay $0x4  }
0x563: {  	v7 =	vmul.f32 v24, v7;
	_ =	sdelay $0x1  }
0x564: {  	(xrf2) =	vadd.scan.msk.f32 $0xffff, v7;
	_ =	sdelay $0x6  }
0x565: {  	v6 =	vadd.f32 v23, v6;
	_ =	sdelay $0x1  }
0x566: {  	v25 =	vbroadcast v6, $0xF  }
0x567: {  	v26, _, _ =	vpop (xrf2)  }
0x568: {  	v7 =	vadd.f32 v26, v25;
	_ =	sdelay $0x1  }
0x569: {  	[tilespmem:s31+$0x14000] =	vst v7;
	s31 =	sor.u32 $0xC60, s6  }
0x56a: {  	v7 =	vld [tilespmem:s31+$0x4000]  }
0x56b: {  	v27 =	vld [tilespmem:s31+$0xC000];
	_ =	sdelay $0x4  }
0x56c: {  	v7 =	vmul.f32 v27, v7;
	_ =	sdelay $0x1  }
0x56d: {  	(xrf2) =	vadd.scan.msk.f32 $0xffff, v7;
	_ =	sdelay $0x6  }
0x56e: {  	v6 =	vadd.f32 v26, v6;
	_ =	sdelay $0x1  }
0x56f: {  	v8 =	vbroadcast v6, $0xF  }
0x570: {  	v7, _, _ =	vpop (xrf2)  }
0x571: {  	v8 =	vadd.f32 v7, v8;
	_ =	sdelay $0x1  }
0x572: {  	v29 =	vld [tilespmem:s30+$0x4180];
	s6 =	sor.u32 $0xC70, s6;
	[tilespmem:s31+$0x14000] =	vst v8  }
0x573: {  	v8 =	vld [tilespmem:s6+$0x4000]  }
0x574: {  	v28 =	vld [tilespmem:s6+$0xC000]  }
0x575: {  	v30 =	vld [tilespmem:s30+$0xC180]  }
0x576: {  	v31 =	vld [tilespmem:s30+$0x4190]  }
0x577: {  	v32 =	vld [tilespmem:s30+$0xC190]  }
0x578: {  	v33 =	vld [tilespmem:s30+$0x41A0]  }
0x579: {  	v34 =	vld [tilespmem:s30+$0xC1A0];
	v8 =	vmul.f32 v28, v8  }
0x57a: {  	v35 =	vld [tilespmem:s30+$0x41B0];
	v10 =	vmul.f32 v30, v29  }
0x57b: {  	v36 =	vld [tilespmem:s30+$0xC1B0];
	(xrf2) =	vadd.scan.msk.f32 $0xffff, v8  }
0x57c: {  	v37 =	vmul.f32 v32, v31;
	v38 =	vld [tilespmem:s30+$0x41C0];
	(xrf2) =	vadd.scan.msk.f32 $0xffff, v10  }
0x57d: {  	v39 =	vld [tilespmem:s30+$0xC1C0]  }
0x57e: {  	v9 =	vmul.f32 v34, v33;
	v40 =	vld [tilespmem:s30+$0x41D0];
	(xrf2) =	vadd.scan.msk.f32 $0xffff, v37  }
0x57f: {  	v41 =	vld [tilespmem:s30+$0xC1D0]  }
0x580: {  	v42 =	vld [tilespmem:s30+$0x41E0];
	v8 =	vmul.f32 v36, v35;
	(xrf2) =	vadd.scan.msk.f32 $0xffff, v9  }
0x581: {  	v43 =	vld [tilespmem:s30+$0xC1E0]  }
0x582: {  	v44 =	vmul.f32 v39, v38;
	v45 =	vld [tilespmem:s30+$0x41F0];
	(xrf2) =	vadd.scan.msk.f32 $0xffff, v8  }
0x583: {  	v46 =	vld [tilespmem:s30+$0xC1F0]  }
0x584: {  	v47 =	vld [tilespmem:s30+$0x4580];
	v10 =	vmul.f32 v41, v40;
	(xrf2) =	vadd.scan.msk.f32 $0xffff, v44  }
0x585: {  	v48 =	vld [tilespmem:s30+$0xC580];
	v8, _, _ =	vpop (xrf2)  }
0x586: {  	v50 =	vld [tilespmem:s30+$0x4590];
	v9 =	vmul.f32 v43, v42;
	(xrf2) =	vadd.scan.msk.f32 $0xffff, v10;
	v49, _, _ =	vpop (xrf2)  }
0x587: {  	v51 =	vld [tilespmem:s30+$0xC590];
	v11 =	vadd.f32 $0.0e+00, v49  }
0x588: {  	v52 =	vmul.f32 v46, v45;
	v53 =	vld [tilespmem:s30+$0x45A0];
	(xrf2) =	vadd.scan.msk.f32 $0xffff, v9;
	v17, _, _ =	vpop (xrf2)  }
0x589: {  	v55 =	vld [tilespmem:s30+$0xC5A0];
	v54 =	vadd.f32 v17, v11  }
0x58a: {  	v56 =	vmul.f32 v48, v47;
	v57 =	vld [tilespmem:s30+$0x45B0];
	(xrf2) =	vadd.scan.msk.f32 $0xffff, v52;
	v19, _, _ =	vpop (xrf2)  }
0x58b: {  	v59 =	vld [tilespmem:s30+$0xC5B0];
	v58 =	vadd.f32 v19, v54  }
0x58c: {  	v32 =	vld [tilespmem:s30+$0xC5C0];
	v61 =	vmul.f32 v51, v50;
	(xrf2) =	vadd.scan.msk.f32 $0xffff, v56;
	v60, _, _ =	vpop (xrf2)  }
0x58d: {  	v62 =	vld [tilespmem:s30+$0x45C0];
	v63 =	vadd.f32 v60, v58  }
0x58e: {  	v34 =	vmul.f32 v55, v53;
	v35 =	vld [tilespmem:s30+$0x45D0];
	(xrf2) =	vadd.scan.msk.f32 $0xffff, v61;
	v33, _, _ =	vpop (xrf2)  }
0x58f: {  	v37 =	vld [tilespmem:s30+$0xC5D0];
	v36 =	vadd.f32 v33, v63  }
0x590: {  	v39 =	vmul.f32 v59, v57;
	v40 =	vld [tilespmem:s30+$0x45E0];
	v38, _, _ =	vpop (xrf2);
	(xrf2) =	vadd.scan.msk.f32 $0xffff, v34  }
0x591: {  	v42 =	vld [tilespmem:s30+$0xC5E0];
	v41 =	vadd.f32 v38, v36  }
0x592: {  	v44 =	vmul.f32 v32, v62;
	v43, _, _ =	vpop (xrf2);
	(xrf2) =	vadd.scan.msk.f32 $0xffff, v39  }
0x593: {  	v45 =	vadd.f32 v43, v41  }
0x594: {  	v48 =	vld [tilespmem:s30+$0x45F0];
	v47 =	vmul.f32 v37, v35;
	v46, _, _ =	vpop (xrf2);
	(xrf2) =	vadd.scan.msk.f32 $0xffff, v44  }
0x595: {  	v28 =	vld [tilespmem:s30+$0xC5F0];
	v49 =	vadd.f32 v46, v45  }
0x596: {  	v50 =	vmul.f32 v42, v40;
	v29, _, _ =	vpop (xrf2);
	(xrf2) =	vadd.scan.msk.f32 $0xffff, v47  }
0x597: {  	v51 =	vbroadcast v11, $0xF;
	v52 =	vadd.f32 v29, v49  }
0x598: {  	v13 =	vbroadcast v54, $0xF;
	v30, _, _ =	vpop (xrf2);
	(xrf2) =	vadd.scan.msk.f32 $0xffff, v50  }
0x599: {  	v53 =	vadd.f32 v17, v51;
	v54 =	vbroadcast v58, $0xF;
	v55 =	vadd.f32 v30, v52  }
0x59a: {  	v12 =	vmul.f32 v28, v48;
	[tilespmem:s30+$0x14180] =	vst v11;
	v57 =	vadd.f32 v19, v13;
	v58 =	vbroadcast v63, $0xF;
	v56, _, _ =	vpop (xrf2)  }
0x59b: {  	[tilespmem:s30+$0x14190] =	vst v53;
	v59 =	vadd.f32 v60, v54;
	v60 =	vbroadcast v36, $0xF;
	v61 =	vadd.f32 v56, v55  }
0x59c: {  	[tilespmem:s30+$0x141A0] =	vst v57;
	v62 =	vadd.f32 v33, v58;
	v23 =	vbroadcast v41, $0xF;
	(xrf2) =	vadd.scan.msk.f32 $0xffff, v12;
	v63, _, _ =	vpop (xrf2)  }
0x59d: {  	[tilespmem:s30+$0x141B0] =	vst v59;
	v28 =	vadd.f32 v38, v60;
	v10 =	vbroadcast v45, $0xF;
	v31 =	vadd.f32 v63, v61  }
0x59e: {  	[tilespmem:s30+$0x141C0] =	vst v62;
	v33 =	vadd.f32 v43, v23;
	v34 =	vbroadcast v49, $0xF;
	v32, _, _ =	vpop (xrf2)  }
0x59f: {  	[tilespmem:s30+$0x141D0] =	vst v28;
	v35 =	vadd.f32 v46, v10;
	v36 =	vbroadcast v52, $0xF;
	v37 =	vadd.f32 v32, v31  }
0x5a0: {  	[tilespmem:s30+$0x141E0] =	vst v33;
	v39 =	vadd.f32 v29, v34;
	v40 =	vbroadcast v55, $0xF;
	v38, _, _ =	vpop (xrf2)  }
0x5a1: {  	[tilespmem:s30+$0x141F0] =	vst v35;
	v41 =	vadd.f32 v30, v36;
	v42 =	vbroadcast v61, $0xF;
	v43 =	vadd.f32 v38, v37  }
0x5a2: {  	[tilespmem:s30+$0x14580] =	vst v39;
	v44, _, _ =	vpop (xrf2);
	v45 =	vadd.f32 v56, v40;
	v46 =	vbroadcast v31, $0xF  }
0x5a3: {  	[tilespmem:s30+$0x14590] =	vst v41;
	v47 =	vadd.f32 v63, v42;
	v48 =	vbroadcast v37, $0xF;
	v49 =	vadd.f32 v44, v43  }
0x5a4: {  	[tilespmem:s30+$0x145A0] =	vst v45;
	v50 =	vadd.f32 v32, v46;
	v51 =	vbroadcast v43, $0xF  }
0x5a5: {  	[tilespmem:s30+$0x145B0] =	vst v47;
	v52 =	vadd.f32 v38, v48;
	v53 =	vbroadcast v49, $0xF  }
0x5a6: {  	[tilespmem:s30+$0x145C0] =	vst v50;
	v55, _, _ =	vpop (xrf2);
	v54 =	vadd.f32 v44, v51  }
0x5a7: {  	[tilespmem:s30+$0x145D0] =	vst v52;
	v56 =	vadd.f32 v55, v53  }
0x5a8: {  	s4 =	sadd.s32 $0x180, s4;
	[tilespmem:s30+$0x145E0] =	vst v54  }
0x5a9: {  	s31 =	sor.u32 $0x800, s4;
	[tilespmem:s30+$0x145F0] =	vst v56  }
0x5aa: {  	v9 =	vld [tilespmem:s31+$0x4000]  }
0x5ab: {  	v57 =	vld [tilespmem:s31+$0xC000];
	_ =	sdelay $0x4  }
0x5ac: {  	v9 =	vmul.f32 v57, v9;
	_ =	sdelay $0x1  }
0x5ad: {  	(xrf2) =	vadd.scan.msk.f32 $0xffff, v9;
	_ =	sdelay $0x6  }
0x5ae: {  	v58 =	vadd.f32 v55, v49;
	_ =	sdelay $0x1  }
0x5af: {  	v59 =	vbroadcast v58, $0xF  }
0x5b0: {  	v60, _, _ =	vpop (xrf2)  }
0x5b1: {  	v10 =	vadd.f32 v60, v59;
	_ =	sdelay $0x1  }
0x5b2: {  	s30 =	sor.u32 $0x810, s4;
	[tilespmem:s31+$0x14000] =	vst v10  }
0x5b3: {  	v10 =	vld [tilespmem:s30+$0x4000]  }
0x5b4: {  	v61 =	vld [tilespmem:s30+$0xC000];
	_ =	sdelay $0x4  }
0x5b5: {  	v10 =	vmul.f32 v61, v10;
	_ =	sdelay $0x1  }
0x5b6: {  	(xrf2) =	vadd.scan.msk.f32 $0xffff, v10;
	_ =	sdelay $0x6  }
0x5b7: {  	v9 =	vadd.f32 v60, v58;
	_ =	sdelay $0x1  }
0x5b8: {  	v62 =	vbroadcast v9, $0xF  }
0x5b9: {  	v63, _, _ =	vpop (xrf2)  }
0x5ba: {  	v10 =	vadd.f32 v63, v62;
	_ =	sdelay $0x1  }
0x5bb: {  	s31 =	sor.u32 $0x820, s4;
	[tilespmem:s30+$0x14000] =	vst v10  }
0x5bc: {  	v10 =	vld [tilespmem:s31+$0x4000]  }
0x5bd: {  	v16 =	vld [tilespmem:s31+$0xC000];
	_ =	sdelay $0x4  }
0x5be: {  	v10 =	vmul.f32 v16, v10;
	_ =	sdelay $0x1  }
0x5bf: {  	(xrf2) =	vadd.scan.msk.f32 $0xffff, v10;
	_ =	sdelay $0x6  }
0x5c0: {  	v9 =	vadd.f32 v63, v9;
	_ =	sdelay $0x1  }
0x5c1: {  	v17 =	vbroadcast v9, $0xF  }
0x5c2: {  	v18, _, _ =	vpop (xrf2)  }
0x5c3: {  	v10 =	vadd.f32 v18, v17;
	_ =	sdelay $0x1  }
0x5c4: {  	s30 =	sor.u32 $0x830, s4;
	[tilespmem:s31+$0x14000] =	vst v10  }
0x5c5: {  	v10 =	vld [tilespmem:s30+$0x4000]  }
0x5c6: {  	v19 =	vld [tilespmem:s30+$0xC000];
	_ =	sdelay $0x4  }
0x5c7: {  	v10 =	vmul.f32 v19, v10;
	_ =	sdelay $0x1  }
0x5c8: {  	(xrf2) =	vadd.scan.msk.f32 $0xffff, v10;
	_ =	sdelay $0x6  }
0x5c9: {  	v9 =	vadd.f32 v18, v9;
	_ =	sdelay $0x1  }
0x5ca: {  	v20 =	vbroadcast v9, $0xF  }
0x5cb: {  	v21, _, _ =	vpop (xrf2)  }
0x5cc: {  	v10 =	vadd.f32 v21, v20;
	_ =	sdelay $0x1  }
0x5cd: {  	s31 =	sor.u32 $0x840, s4;
	[tilespmem:s30+$0x14000] =	vst v10  }
0x5ce: {  	v10 =	vld [tilespmem:s31+$0x4000]  }
0x5cf: {  	v22 =	vld [tilespmem:s31+$0xC000];
	_ =	sdelay $0x4  }
0x5d0: {  	v10 =	vmul.f32 v22, v10;
	_ =	sdelay $0x1  }
0x5d1: {  	(xrf2) =	vadd.scan.msk.f32 $0xffff, v10;
	_ =	sdelay $0x6  }
0x5d2: {  	v9 =	vadd.f32 v21, v9;
	_ =	sdelay $0x1  }
0x5d3: {  	v23 =	vbroadcast v9, $0xF  }
0x5d4: {  	v24, _, _ =	vpop (xrf2)  }
0x5d5: {  	v10 =	vadd.f32 v24, v23;
	_ =	sdelay $0x1  }
0x5d6: {  	s30 =	sor.u32 $0x850, s4;
	[tilespmem:s31+$0x14000] =	vst v10  }
0x5d7: {  	v10 =	vld [tilespmem:s30+$0x4000]  }
0x5d8: {  	v25 =	vld [tilespmem:s30+$0xC000];
	_ =	sdelay $0x4  }
0x5d9: {  	v10 =	vmul.f32 v25, v10;
	_ =	sdelay $0x1  }
0x5da: {  	(xrf2) =	vadd.scan.msk.f32 $0xffff, v10;
	_ =	sdelay $0x6  }
0x5db: {  	v9 =	vadd.f32 v24, v9;
	_ =	sdelay $0x1  }
0x5dc: {  	v26 =	vbroadcast v9, $0xF  }
0x5dd: {  	v27, _, _ =	vpop (xrf2)  }
0x5de: {  	v10 =	vadd.f32 v27, v26;
	_ =	sdelay $0x1  }
0x5df: {  	s31 =	sor.u32 $0x860, s4;
	[tilespmem:s30+$0x14000] =	vst v10  }
0x5e0: {  	v10 =	vld [tilespmem:s31+$0x4000]  }
0x5e1: {  	v28 =	vld [tilespmem:s31+$0xC000];
	_ =	sdelay $0x4  }
0x5e2: {  	v10 =	vmul.f32 v28, v10;
	_ =	sdelay $0x1  }
0x5e3: {  	(xrf2) =	vadd.scan.msk.f32 $0xffff, v10;
	_ =	sdelay $0x6  }
0x5e4: {  	v9 =	vadd.f32 v27, v9;
	_ =	sdelay $0x1  }
0x5e5: {  	v29 =	vbroadcast v9, $0xF  }
0x5e6: {  	v30, _, _ =	vpop (xrf2)  }
0x5e7: {  	v10 =	vadd.f32 v30, v29;
	_ =	sdelay $0x1  }
0x5e8: {  	s30 =	sor.u32 $0x870, s4;
	[tilespmem:s31+$0x14000] =	vst v10  }
0x5e9: {  	v10 =	vld [tilespmem:s30+$0x4000]  }
0x5ea: {  	v31 =	vld [tilespmem:s30+$0xC000];
	_ =	sdelay $0x4  }
0x5eb: {  	v10 =	vmul.f32 v31, v10;
	_ =	sdelay $0x1  }
0x5ec: {  	(xrf2) =	vadd.scan.msk.f32 $0xffff, v10;
	_ =	sdelay $0x6  }
0x5ed: {  	v9 =	vadd.f32 v30, v9;
	_ =	sdelay $0x1  }
0x5ee: {  	v32 =	vbroadcast v9, $0xF  }
0x5ef: {  	v33, _, _ =	vpop (xrf2)  }
0x5f0: {  	v10 =	vadd.f32 v33, v32;
	_ =	sdelay $0x1  }
0x5f1: {  	s31 =	sor.u32 $0xC00, s4;
	[tilespmem:s30+$0x14000] =	vst v10  }
0x5f2: {  	v10 =	vld [tilespmem:s31+$0x4000]  }
0x5f3: {  	v34 =	vld [tilespmem:s31+$0xC000];
	_ =	sdelay $0x4  }
0x5f4: {  	v10 =	vmul.f32 v34, v10;
	_ =	sdelay $0x1  }
0x5f5: {  	(xrf2) =	vadd.scan.msk.f32 $0xffff, v10;
	_ =	sdelay $0x6  }
0x5f6: {  	v9 =	vadd.f32 v33, v9;
	_ =	sdelay $0x1  }
0x5f7: {  	v35 =	vbroadcast v9, $0xF  }
0x5f8: {  	v36, _, _ =	vpop (xrf2)  }
0x5f9: {  	v10 =	vadd.f32 v36, v35;
	_ =	sdelay $0x1  }
0x5fa: {  	s30 =	sor.u32 $0xC10, s4;
	[tilespmem:s31+$0x14000] =	vst v10  }
0x5fb: {  	v10 =	vld [tilespmem:s30+$0x4000]  }
0x5fc: {  	v37 =	vld [tilespmem:s30+$0xC000];
	_ =	sdelay $0x4  }
0x5fd: {  	v10 =	vmul.f32 v37, v10;
	_ =	sdelay $0x1  }
0x5fe: {  	(xrf2) =	vadd.scan.msk.f32 $0xffff, v10;
	_ =	sdelay $0x6  }
0x5ff: {  	v9 =	vadd.f32 v36, v9;
	_ =	sdelay $0x1  }
0x600: {  	v38 =	vbroadcast v9, $0xF  }
0x601: {  	v39, _, _ =	vpop (xrf2)  }
0x602: {  	v10 =	vadd.f32 v39, v38;
	_ =	sdelay $0x1  }
0x603: {  	s31 =	sor.u32 $0xC20, s4;
	[tilespmem:s30+$0x14000] =	vst v10  }
0x604: {  	v10 =	vld [tilespmem:s31+$0x4000]  }
0x605: {  	v40 =	vld [tilespmem:s31+$0xC000];
	_ =	sdelay $0x4  }
0x606: {  	v10 =	vmul.f32 v40, v10;
	_ =	sdelay $0x1  }
0x607: {  	(xrf2) =	vadd.scan.msk.f32 $0xffff, v10;
	_ =	sdelay $0x6  }
0x608: {  	v9 =	vadd.f32 v39, v9;
	_ =	sdelay $0x1  }
0x609: {  	v41 =	vbroadcast v9, $0xF  }
0x60a: {  	v42, _, _ =	vpop (xrf2)  }
0x60b: {  	v10 =	vadd.f32 v42, v41;
	_ =	sdelay $0x1  }
0x60c: {  	s30 =	sor.u32 $0xC30, s4;
	[tilespmem:s31+$0x14000] =	vst v10  }
0x60d: {  	v10 =	vld [tilespmem:s30+$0x4000]  }
0x60e: {  	v43 =	vld [tilespmem:s30+$0xC000];
	_ =	sdelay $0x4  }
0x60f: {  	v10 =	vmul.f32 v43, v10;
	_ =	sdelay $0x1  }
0x610: {  	(xrf2) =	vadd.scan.msk.f32 $0xffff, v10;
	_ =	sdelay $0x6  }
0x611: {  	v9 =	vadd.f32 v42, v9;
	_ =	sdelay $0x1  }
0x612: {  	v44 =	vbroadcast v9, $0xF  }
0x613: {  	v45, _, _ =	vpop (xrf2)  }
0x614: {  	v10 =	vadd.f32 v45, v44;
	_ =	sdelay $0x1  }
0x615: {  	s31 =	sor.u32 $0xC40, s4;
	[tilespmem:s30+$0x14000] =	vst v10  }
0x616: {  	v10 =	vld [tilespmem:s31+$0x4000]  }
0x617: {  	v46 =	vld [tilespmem:s31+$0xC000];
	_ =	sdelay $0x4  }
0x618: {  	v10 =	vmul.f32 v46, v10;
	_ =	sdelay $0x1  }
0x619: {  	(xrf2) =	vadd.scan.msk.f32 $0xffff, v10;
	_ =	sdelay $0x6  }
0x61a: {  	v9 =	vadd.f32 v45, v9;
	_ =	sdelay $0x1  }
0x61b: {  	v47 =	vbroadcast v9, $0xF  }
0x61c: {  	v48, _, _ =	vpop (xrf2)  }
0x61d: {  	v10 =	vadd.f32 v48, v47;
	_ =	sdelay $0x1  }
0x61e: {  	s30 =	sor.u32 $0xC50, s4;
	[tilespmem:s31+$0x14000] =	vst v10  }
0x61f: {  	v10 =	vld [tilespmem:s30+$0x4000]  }
0x620: {  	v49 =	vld [tilespmem:s30+$0xC000];
	_ =	sdelay $0x4  }
0x621: {  	v10 =	vmul.f32 v49, v10;
	_ =	sdelay $0x1  }
0x622: {  	(xrf2) =	vadd.scan.msk.f32 $0xffff, v10;
	_ =	sdelay $0x6  }
0x623: {  	v9 =	vadd.f32 v48, v9;
	_ =	sdelay $0x1  }
0x624: {  	v50 =	vbroadcast v9, $0xF  }
0x625: {  	v51, _, _ =	vpop (xrf2)  }
0x626: {  	v10 =	vadd.f32 v51, v50;
	_ =	sdelay $0x1  }
0x627: {  	s31 =	sor.u32 $0xC60, s4;
	[tilespmem:s30+$0x14000] =	vst v10  }
0x628: {  	v10 =	vld [tilespmem:s31+$0x4000]  }
0x629: {  	v52 =	vld [tilespmem:s31+$0xC000];
	_ =	sdelay $0x4  }
0x62a: {  	v10 =	vmul.f32 v52, v10;
	_ =	sdelay $0x1  }
0x62b: {  	(xrf2) =	vadd.scan.msk.f32 $0xffff, v10;
	_ =	sdelay $0x6  }
0x62c: {  	v9 =	vadd.f32 v51, v9;
	_ =	sdelay $0x1  }
0x62d: {  	v53 =	vbroadcast v9, $0xF  }
0x62e: {  	v54, _, _ =	vpop (xrf2)  }
0x62f: {  	v10 =	vadd.f32 v54, v53;
	_ =	sdelay $0x1  }
0x630: {  	s4 =	sor.u32 $0xC70, s4;
	[tilespmem:s31+$0x14000] =	vst v10  }
0x631: {  	v10 =	vld [tilespmem:s4+$0x4000]  }
0x632: {  	v55 =	vld [tilespmem:s4+$0xC000];
	_ =	sdelay $0x4  }
0x633: {  	v10 =	vmul.f32 v55, v10;
	_ =	sdelay $0x1  }
0x634: {  	(xrf2) =	vadd.scan.msk.f32 $0xffff, v10;
	_ =	sdelay $0x3  }
0x635: {  	v0 =	vadd.f32 v1, v0  }
0x636: {  	v56 =	vadd.f32 v4, v3  }
0x637: {  	v0 =	vbroadcast v0, $0xF;
	v57 =	vadd.f32 v7, v6  }
0x638: {  	s26 =	sadd.s32 $0x4, s26;
	v1 =	vbroadcast v56, $0xF;
	v58 =	vadd.f32 v54, v9  }
0x639: {  	p1 =	slt.u32 s26, $0x1C;
	v0 =	vadd.f32 v2, v0;
	v59 =	vbroadcast v57, $0xF  }
.Ltmp1:
0x63a: {  	v1 =	vadd.f32 v5, v1;
	v60 =	vbroadcast v58, $0xF;
	(pc) =	sbr.rel @p1 .LBB2_5-.Ltmp1, $4  }
0x63b: {  	[tilespmem:s0+$0x14000] =	vst v0;
	v61 =	vadd.f32 v8, v59;
	v62, _, _ =	vpop (xrf2)  }
0x63c: {  	[tilespmem:s12+$0x14000] =	vst v1;
	v63 =	vadd.f32 v62, v60  }
0x63d: {  	[tilespmem:s6+$0x14000] =	vst v61  }
0x63e: {  	s29 =	sadd.s32 $0x200, s29;
	p0 =	por !p0, !p0;
	s28 =	sadd.s32 $0x800, s28;
	[tilespmem:s4+$0x14000] =	vst v63  }
0x63f: {  	s24 =	sadd.s32 $0x1, s24  }
0x640: {  	p0 =	sne.s32 s24, $0x20  }
.Ltmp2:
0x641: {  	_ = 	snop;
	(pc) =	sbr.rel @p0 .LBB2_2-.Ltmp2, $3  }
0x642: {  	_ =	sdelay $0x1  }
0x643: {  	s0 =	sadd.s32 s2, s25  }
0x644: {  	[hbm4b:s0+s3] =	stream.linear.scatter [tilespmem:s20], [sflag:$0x6], $0x4000, $0x38;
	[tilespmem:$0x18000] =	vst v63  }
0x645: {  	s23 =	sadd.s32 $0x1, s23  }
0x646: {  	_ =	swait.ge [sflag:s21], $0x4000;
	p0 =	sne.s32 s23, s11  }
.Ltmp3:
0x647: {  	[sflag:s21] =	ssyncset.done $0x0;
	(pc) =	sbr.rel @p0 .LBB2_1-.Ltmp3, $4  }
0x648: {  	[sflag:s21] =	ssyncadd.s32 $0xFFFFC000  }
0x649: {  	_ =	swait.ge [sflag:s22], $0x4000  }
0x64a: {  	[sflag:s22] =	ssyncset.done $0x0  }
0x64b: {  	[sflag:s22] =	ssyncadd.s32 $0xFFFFC000  }
0x64c: {  	_ =	sfence.sel $0x180000  }
0x64d: {  	[bflag:$0x0] =	sbarrier.arrive $0xFFFF  }
0x64e: {  	_ =	strace $0x90000047  }
0x64f: {  	s0 =	stileid.u32;
	[bflag:$0x2] =	sbarrier.arrive $0xFFFF  }
0x650: {  	p0 =	sne.s32 s0, $0x0;
	s0 =	rddreg [dreg:$0x3]  }
0x651: {  	s0 =	sadd.s32 @!p0 $0x100000, s0  }
0x652: {  	[sflag:s0] =	ssyncadd.tile.s32 @!p0 $0x1;
	_ =	shalt  }
.Lfunc_end2:
_tile_overlayer_lowered:
.L_overlay_start_2:
0x653: {  	(tag) =	ssettag $0x2  }
0x654: {  	s0 =	rddreg [dreg:$0x0];
	s2 =	stileid.u32  }
0x655: {  	s1 =	rddreg [dreg:$0x1];
	p0 =	sne.s32 s2, $0x0  }
0x656: {  	s3 =	rddreg [dreg:$0x2];
	[bflag:$0x3] =	sbarrier.arrive $0xFFFF;
	s2 =	simm.s32 @!p0 $0x1C07  }
0x657: {  	[timem:s3], [sflag:s2] =	dma.local @!p0 [hbm:s0], s1  }
0x658: {  	s0 =	simm.s32 @!p0 $0x7  }
0x659: {  	_ =	swait.ge @!p0 [sflag:s0], s1  }
0x65a: {  	s1 =	ssub.s32 @!p0 $0x0, s1;
	[sflag:s0] =	ssyncset.done @!p0 $0x0  }
0x65b: {  	[sflag:s0] =	ssyncadd.s32 @!p0 s1  }
0x65c: {  	[bflag:$0x3] =	sbarrier.arrive $0xFFFF  }
0x65d: {  	_ =	shalt  }

</sc_bundles>
